<compile_context>
chip_gen: v7x
topology: tpu7x:2x2x1
jax: 0.10.2.dev20260603
libtpu: 0.0.44.dev20260713+nightly
codegen_flags: <defaults>
</compile_context>

<pallas_src>
import jax
import jax.numpy as jnp
from jax import lax
from jax.experimental import pallas as pl
from jax.experimental.pallas import tpu as pltpu
from jax.experimental.pallas import tpu_sc as plsc

VOCAB = 1000000
D = 64
B = 4096
L = 200
LOUT = L + 2
CLS_ID = 1
PAD_ID = 0

NC, NS = 2, 16
NW = NC * NS
BPW = B // NW
NCHUNK = 4
CHUNK = (2 * L) // NCHUNK


def _start_gathers(table_hbm, idx_all, rows, sem, i):
    for j in range(NCHUNK):
        pltpu.async_copy(table_hbm.at[idx_all.at[i, j]],
                         rows.at[pl.ds(j * CHUNK, CHUNK)], sem)


def _drain_gathers(table_hbm, rows, sem):
    pltpu.make_async_copy(table_hbm.at[pl.ds(0, 2 * L)], rows, sem).wait()


def _compute(rows, outb):
    @plsc.parallel_loop(0, L, unroll=8)
    def _(l):
        for j in range(D // 16):
            sl = pl.ds(16 * j, 16)
            outb[1 + l, sl] = rows[2 * l, sl] + rows[2 * l + 1, sl]


def _body(idx_hbm, table_hbm, out_hbm, idx_all, rows0, rows1, outb0, outb1,
          cidx, gsem0, gsem1, osem0, osem1, csem):
    wid = lax.axis_index("s") * NC + lax.axis_index("c")
    base = wid * BPW

    pltpu.sync_copy(idx_hbm.at[wid], idx_all)

    cidx[...] = jnp.where(lax.iota(jnp.int32, 16) < 1, CLS_ID, PAD_ID)
    pltpu.async_copy(table_hbm.at[cidx], rows0.at[pl.ds(0, 16)], csem).wait()
    for outb in (outb0, outb1):
        for j in range(D // 16):
            sl = pl.ds(16 * j, 16)
            c = rows0[0, sl]
            p = rows0[1, sl]
            outb[0, sl] = c + c
            outb[LOUT - 1, sl] = p + p

    _start_gathers(table_hbm, idx_all, rows0, gsem0, 0)

    def _steady(k, g_next0, g_next1, w_out0, w_out1):
        i0 = 2 * k
        _drain_gathers(table_hbm, rows0, gsem0)
        if g_next0:
            _start_gathers(table_hbm, idx_all, rows1, gsem1, i0 + 1)
        if w_out0:
            pltpu.make_async_copy(outb0, out_hbm.at[base], osem0).wait()
        _compute(rows0, outb0)
        pltpu.async_copy(outb0, out_hbm.at[base + i0], osem0)

        _drain_gathers(table_hbm, rows1, gsem1)
        if g_next1:
            _start_gathers(table_hbm, idx_all, rows0, gsem0, i0 + 2)
        if w_out1:
            pltpu.make_async_copy(outb1, out_hbm.at[base], osem1).wait()
        _compute(rows1, outb1)
        pltpu.async_copy(outb1, out_hbm.at[base + i0 + 1], osem1)

    _steady(0, True, True, False, False)

    def _loop_body(k, carry):
        _steady(k, True, True, True, True)
        return carry

    lax.fori_loop(1, BPW // 2 - 1, _loop_body, 0)

    _steady(BPW // 2 - 1, True, False, True, True)

    pltpu.make_async_copy(outb0, out_hbm.at[base], osem0).wait()
    pltpu.make_async_copy(outb1, out_hbm.at[base], osem1).wait()


@jax.jit
def kernel(unfold, emb_table):
    idx = unfold.astype(jnp.int32)[:, :, 0::2]
    idx = idx.reshape(NW, BPW, NCHUNK, CHUNK)
    mesh = plsc.VectorSubcoreMesh(core_axis_name="c", subcore_axis_name="s",
                                  num_cores=NC, num_subcores=NS)
    run = pl.kernel(
        _body,
        out_type=jax.ShapeDtypeStruct((B, LOUT, D), jnp.float32),
        mesh=mesh,
        compiler_params=pltpu.CompilerParams(use_tc_tiling_on_sc=False,
                                             needs_layout_passes=False),
        scratch_types=[
            pltpu.VMEM((BPW, NCHUNK, CHUNK), jnp.int32),
            pltpu.VMEM((2 * L, D), jnp.float32),
            pltpu.VMEM((2 * L, D), jnp.float32),
            pltpu.VMEM((LOUT, D), jnp.float32),
            pltpu.VMEM((LOUT, D), jnp.float32),
            pltpu.VMEM((16,), jnp.int32),
            pltpu.SemaphoreType.DMA,
            pltpu.SemaphoreType.DMA,
            pltpu.SemaphoreType.DMA,
            pltpu.SemaphoreType.DMA,
            pltpu.SemaphoreType.DMA,
        ],
    )
    return run(idx, emb_table)

# --- scband reference (transcript-rebuilt; emitter-appended) ---
"""Pipeline reference for scband-bi-embedding2-72576357367938 (READ-ONLY COPY).

The authoritative reference and input builder live on the scoring server;
editing this copy changes nothing except your own understanding.
"""

import jax, jax.numpy as jnp
import numpy as np

VOCAB = 1000000
DMODEL = 64
B, L = 4096, 200
CLS_ID = 1
PAD_ID = 0

def setup_inputs(seed: int = 0) -> dict:
    key = jax.random.key(seed)
    k1, k2 = jax.random.split(key)
    unfold = jax.random.randint(k1, (B, L, 3), 0, VOCAB, dtype=jnp.int64 if jax.config.jax_enable_x64 else jnp.int32)
    emb_table = jax.random.normal(k2, (VOCAB, DMODEL), dtype=jnp.float32) * 0.02
    return {"unfold": unfold, "emb_table": emb_table}

def reference(unfold, emb_table):
    # Faithful translation of BiEmbedding2.forward (the code path that actually executes
    # before the early `return data_`). self.data is only used for its batch size, which
    # equals unfold.shape[0].
    b = unfold.shape[0]
    cls = jnp.full((b, 1, 2), CLS_ID, dtype=unfold.dtype)
    pad = jnp.full((b, 1, 2), PAD_ID, dtype=unfold.dtype)
    data_ = jnp.concatenate((unfold[:, :, 0:1], unfold[:, :, 2:3]), axis=2)  # [B, L, 2]
    data_ = jnp.concatenate((cls, data_, pad), axis=1)  # [B, L+2, 2]
    emb = jnp.take(emb_table, data_, axis=0)  # [B, L+2, 2, D]
    out = emb[:, :, 0, :] + emb[:, :, 1, :]  # [B, L+2, D]
    return out

if __name__ == "__main__":
    import jax
    _d = setup_inputs()
    print(jax.jit(kernel)(*tuple(_d.values())))

</pallas_src>

<mosaic_0001>
#map = affine_map<(d0, d1) -> (0, 0, 0, 0)>
#map1 = affine_map<(d0, d1) -> (0, 0)>
#map2 = affine_map<(d0, d1) -> (0, 0, 0)>
module attributes {stable_mosaic.version = 14 : i64} {
  func.func @_body(%arg0: i32, %arg1: i32, %arg2: memref<32x128x4x100xi32, #tpu.memory_space<hbm>>, %arg3: memref<1000000x64xf32, #tpu.memory_space<hbm>>, %arg4: memref<4096x202x64xf32, #tpu.memory_space<hbm>>, %arg5: memref<128x4x100xi32, #tpu.memory_space<vmem>>, %arg6: memref<400x64xf32, #tpu.memory_space<vmem>>, %arg7: memref<400x64xf32, #tpu.memory_space<vmem>>, %arg8: memref<202x64xf32, #tpu.memory_space<vmem>>, %arg9: memref<202x64xf32, #tpu.memory_space<vmem>>, %arg10: memref<16xi32, #tpu.memory_space<vmem>>, %arg11: memref<!tpu.dma_semaphore, #tpu.memory_space<semaphore_mem>>, %arg12: memref<!tpu.dma_semaphore, #tpu.memory_space<semaphore_mem>>, %arg13: memref<!tpu.dma_semaphore, #tpu.memory_space<semaphore_mem>>, %arg14: memref<!tpu.dma_semaphore, #tpu.memory_space<semaphore_mem>>, %arg15: memref<!tpu.dma_semaphore, #tpu.memory_space<semaphore_mem>>) attributes {dimension_semantics = [#tpu.dimension_semantics<core_parallel>, #tpu.dimension_semantics<subcore_parallel>], iteration_bounds = array<i64: 2, 16>, scalar_prefetch = 0 : i64, scratch_operands = 11 : i64, tpu.core_type = #tpu.core_type<sc_vector_subcore>, window_params = [{transform_indices = #map}, {transform_indices = #map1}, {transform_indices = #map2}]} {
    %mul3A = arith.constant 2 : i32
    %mul3A_0 = arith.muli %arg1, %mul3A : i32
    %add3A = arith.addi %mul3A_0, %arg0 : i32
    %mul3A_1 = arith.constant 128 : i32
    %mul3A_2 = arith.muli %add3A, %mul3A_1 : i32
    "tpu.region"() ({
      %run_scoped3A = tpu.sem_alloc : memref<!tpu.dma_semaphore, #tpu.memory_space<semaphore_mem>>
      %dma_start3A_453 = arith.constant 0 : i32
      %dma_start3A_454 = arith.constant 0 : i32
      %dma_start3A_455 = arith.constant 0 : i32
      %dma_start3A_456 = tpu.memref_slice %arg2[%add3A, %dma_start3A_453, %dma_start3A_454, %dma_start3A_455] : memref<32x128x4x100xi32, #tpu.memory_space<hbm>> -> memref<1x128x4x100xi32, #tpu.memory_space<hbm>>
      %dma_start3A_457 = tpu.memref_squeeze %dma_start3A_456 : memref<1x128x4x100xi32, #tpu.memory_space<hbm>> -> memref<128x4x100xi32, #tpu.memory_space<hbm>>
      %dma_start3A_458 = arith.constant 0 : i32
      %dma_start3A_459 = arith.constant 0 : i32
      %dma_start3A_460 = arith.constant 0 : i32
      %dma_start3A_461 = tpu.memref_slice %arg2[%add3A, %dma_start3A_458, %dma_start3A_459, %dma_start3A_460] : memref<32x128x4x100xi32, #tpu.memory_space<hbm>> -> memref<1x128x4x100xi32, #tpu.memory_space<hbm>>
      %dma_start3A_462 = tpu.memref_squeeze %dma_start3A_461 : memref<1x128x4x100xi32, #tpu.memory_space<hbm>> -> memref<128x4x100xi32, #tpu.memory_space<hbm>>
      tpu.enqueue_dma source(%dma_start3A_462 : memref<128x4x100xi32, #tpu.memory_space<hbm>>) target(%arg5 : memref<128x4x100xi32, #tpu.memory_space<vmem>>) target_semaphore(%run_scoped3A : memref<!tpu.dma_semaphore, #tpu.memory_space<semaphore_mem>>)
      %dma_wait3A_463 = arith.constant 0 : i32
      %dma_wait3A_464 = arith.constant 0 : i32
      %dma_wait3A_465 = arith.constant 0 : i32
      %dma_wait3A_466 = tpu.memref_slice %arg2[%add3A, %dma_wait3A_463, %dma_wait3A_464, %dma_wait3A_465] : memref<32x128x4x100xi32, #tpu.memory_space<hbm>> -> memref<1x128x4x100xi32, #tpu.memory_space<hbm>>
      %dma_wait3A_467 = tpu.memref_squeeze %dma_wait3A_466 : memref<1x128x4x100xi32, #tpu.memory_space<hbm>> -> memref<128x4x100xi32, #tpu.memory_space<hbm>>
      %dma_wait3A_468 = arith.constant 0 : i32
      %dma_wait3A_469 = arith.constant 0 : i32
      %dma_wait3A_470 = arith.constant 0 : i32
      %dma_wait3A_471 = tpu.memref_slice %arg2[%add3A, %dma_wait3A_468, %dma_wait3A_469, %dma_wait3A_470] : memref<32x128x4x100xi32, #tpu.memory_space<hbm>> -> memref<1x128x4x100xi32, #tpu.memory_space<hbm>>
      %dma_wait3A_472 = tpu.memref_squeeze %dma_wait3A_471 : memref<1x128x4x100xi32, #tpu.memory_space<hbm>> -> memref<128x4x100xi32, #tpu.memory_space<hbm>>
      tpu.wait_dma2 semaphore(%run_scoped3A : memref<!tpu.dma_semaphore, #tpu.memory_space<semaphore_mem>>) src(%dma_wait3A_472 : memref<128x4x100xi32, #tpu.memory_space<hbm>>) dst(%arg5 : memref<128x4x100xi32, #tpu.memory_space<vmem>>)
      tpu.yield
    }) : () -> ()
    %iota3A = tpu.iota {dimensions = array<i32: 0>} : vector<16xi32>
    %lt3A = arith.constant 1 : i32
    %lt3A_3 = vector.broadcast %lt3A : i32 to vector<16xi32>
    %lt3A_4 = arith.cmpi slt, %iota3A, %lt3A_3 : vector<16xi32>
    %jit3A = arith.constant 1 : i32
    %jit3A_5 = arith.constant 0 : i32
    %broadcast_in_dim3A = vector.broadcast %jit3A : i32 to vector<16xi32>
    %broadcast_in_dim3A_6 = vector.broadcast %jit3A_5 : i32 to vector<16xi32>
    %select_n3A = arith.select %lt3A_4, %broadcast_in_dim3A, %broadcast_in_dim3A_6 : vector<16xi1>, vector<16xi32>
    %swap3A = arith.constant 0 : index
    %swap3A_7 = tpu.vector_load %arg10[%swap3A] {strides = array<i32>} : memref<16xi32, #tpu.memory_space<vmem>>, vector<16xi32>,
    tpu.vector_store %arg10[%swap3A], %select_n3A {strides = array<i32>} : memref<16xi32, #tpu.memory_space<vmem>>, vector<16xi32>,
    %dma_start3A = arith.constant 0 : i32
    %dma_start3A_8 = arith.constant 0 : i32
    %dma_start3A_9 = tpu.memref_slice %arg6[%dma_start3A, %dma_start3A_8] : memref<400x64xf32, #tpu.memory_space<vmem>> -> memref<16x64xf32, #tpu.memory_space<vmem>>
    %dma_start3A_10 = arith.constant 0 : i32
    %dma_start3A_11 = arith.constant 0 : i32
    %dma_start3A_12 = tpu.memref_slice %arg3[%dma_start3A_10, %dma_start3A_11] : memref<1000000x64xf32, #tpu.memory_space<hbm>> -> memref<1000000x64xf32, #tpu.memory_space<hbm>>
    tpu.enqueue_indirect_dma source(%dma_start3A_12 : memref<1000000x64xf32, #tpu.memory_space<hbm>>) target(%dma_start3A_9 : memref<16x64xf32, #tpu.memory_space<vmem>>) offsets(%arg10 : memref<16xi32, #tpu.memory_space<vmem>>) semaphore(%arg15 : memref<!tpu.dma_semaphore, #tpu.memory_space<semaphore_mem>>)
    %dma_wait3A = arith.constant 0 : i32
    %dma_wait3A_13 = arith.constant 0 : i32
    %dma_wait3A_14 = tpu.memref_slice %arg6[%dma_wait3A, %dma_wait3A_13] : memref<400x64xf32, #tpu.memory_space<vmem>> -> memref<16x64xf32, #tpu.memory_space<vmem>>
    %dma_wait3A_15 = arith.constant 0 : i32
    %dma_wait3A_16 = arith.constant 0 : i32
    %dma_wait3A_17 = tpu.memref_slice %arg3[%dma_wait3A_15, %dma_wait3A_16] : memref<1000000x64xf32, #tpu.memory_space<hbm>> -> memref<1000000x64xf32, #tpu.memory_space<hbm>>
    tpu.wait_indirect_dma semaphore(%arg15 : memref<!tpu.dma_semaphore, #tpu.memory_space<semaphore_mem>>) src(%dma_wait3A_17 : memref<1000000x64xf32, #tpu.memory_space<hbm>>) dst(%dma_wait3A_14 : memref<16x64xf32, #tpu.memory_space<vmem>>)
    %get3A = arith.constant 0 : i32
    %get3A_18 = arith.index_cast %get3A : i32 to index
    %get3A_19 = arith.constant 0 : index
    %get3A_20 = tpu.vector_load %arg6[%get3A_18, %get3A_19] {strides = array<i32>} : memref<400x64xf32, #tpu.memory_space<vmem>>, vector<16xf32>,
    %get3A_21 = arith.constant 1 : i32
    %get3A_22 = arith.index_cast %get3A_21 : i32 to index
    %get3A_23 = arith.constant 0 : index
    %get3A_24 = tpu.vector_load %arg6[%get3A_22, %get3A_23] {strides = array<i32>} : memref<400x64xf32, #tpu.memory_space<vmem>>, vector<16xf32>,
    %add3A_25 = arith.addf %get3A_20, %get3A_20 : vector<16xf32>
    %swap3A_26 = arith.constant 0 : i32
    %swap3A_27 = arith.index_cast %swap3A_26 : i32 to index
    %swap3A_28 = arith.constant 0 : index
    %swap3A_29 = tpu.vector_load %arg8[%swap3A_27, %swap3A_28] {strides = array<i32>} : memref<202x64xf32, #tpu.memory_space<vmem>>, vector<16xf32>,
    tpu.vector_store %arg8[%swap3A_27, %swap3A_28], %add3A_25 {strides = array<i32>} : memref<202x64xf32, #tpu.memory_space<vmem>>, vector<16xf32>,
    %add3A_30 = arith.addf %get3A_24, %get3A_24 : vector<16xf32>
    %swap3A_31 = arith.constant 201 : i32
    %swap3A_32 = arith.index_cast %swap3A_31 : i32 to index
    %swap3A_33 = arith.constant 0 : index
    %swap3A_34 = tpu.vector_load %arg8[%swap3A_32, %swap3A_33] {strides = array<i32>} : memref<202x64xf32, #tpu.memory_space<vmem>>, vector<16xf32>,
    tpu.vector_store %arg8[%swap3A_32, %swap3A_33], %add3A_30 {strides = array<i32>} : memref<202x64xf32, #tpu.memory_space<vmem>>, vector<16xf32>,
    %get3A_35 = arith.constant 0 : i32
    %get3A_36 = arith.index_cast %get3A_35 : i32 to index
    %get3A_37 = arith.constant 16 : index
    %get3A_38 = tpu.vector_load %arg6[%get3A_36, %get3A_37] {strides = array<i32>} : memref<400x64xf32, #tpu.memory_space<vmem>>, vector<16xf32>,
    %get3A_39 = arith.constant 1 : i32
    %get3A_40 = arith.index_cast %get3A_39 : i32 to index
    %get3A_41 = arith.constant 16 : index
    %get3A_42 = tpu.vector_load %arg6[%get3A_40, %get3A_41] {strides = array<i32>} : memref<400x64xf32, #tpu.memory_space<vmem>>, vector<16xf32>,
    %add3A_43 = arith.addf %get3A_38, %get3A_38 : vector<16xf32>
    %swap3A_44 = arith.constant 0 : i32
    %swap3A_45 = arith.index_cast %swap3A_44 : i32 to index
    %swap3A_46 = arith.constant 16 : index
    %swap3A_47 = tpu.vector_load %arg8[%swap3A_45, %swap3A_46] {strides = array<i32>} : memref<202x64xf32, #tpu.memory_space<vmem>>, vector<16xf32>,
    tpu.vector_store %arg8[%swap3A_45, %swap3A_46], %add3A_43 {strides = array<i32>} : memref<202x64xf32, #tpu.memory_space<vmem>>, vector<16xf32>,
    %add3A_48 = arith.addf %get3A_42, %get3A_42 : vector<16xf32>
    %swap3A_49 = arith.constant 201 : i32
    %swap3A_50 = arith.index_cast %swap3A_49 : i32 to index
    %swap3A_51 = arith.constant 16 : index
    %swap3A_52 = tpu.vector_load %arg8[%swap3A_50, %swap3A_51] {strides = array<i32>} : memref<202x64xf32, #tpu.memory_space<vmem>>, vector<16xf32>,
    tpu.vector_store %arg8[%swap3A_50, %swap3A_51], %add3A_48 {strides = array<i32>} : memref<202x64xf32, #tpu.memory_space<vmem>>, vector<16xf32>,
    %get3A_53 = arith.constant 0 : i32
    %get3A_54 = arith.index_cast %get3A_53 : i32 to index
    %get3A_55 = arith.constant 32 : index
    %get3A_56 = tpu.vector_load %arg6[%get3A_54, %get3A_55] {strides = array<i32>} : memref<400x64xf32, #tpu.memory_space<vmem>>, vector<16xf32>,
    %get3A_57 = arith.constant 1 : i32
    %get3A_58 = arith.index_cast %get3A_57 : i32 to index
    %get3A_59 = arith.constant 32 : index
    %get3A_60 = tpu.vector_load %arg6[%get3A_58, %get3A_59] {strides = array<i32>} : memref<400x64xf32, #tpu.memory_space<vmem>>, vector<16xf32>,
    %add3A_61 = arith.addf %get3A_56, %get3A_56 : vector<16xf32>
    %swap3A_62 = arith.constant 0 : i32
    %swap3A_63 = arith.index_cast %swap3A_62 : i32 to index
    %swap3A_64 = arith.constant 32 : index
    %swap3A_65 = tpu.vector_load %arg8[%swap3A_63, %swap3A_64] {strides = array<i32>} : memref<202x64xf32, #tpu.memory_space<vmem>>, vector<16xf32>,
    tpu.vector_store %arg8[%swap3A_63, %swap3A_64], %add3A_61 {strides = array<i32>} : memref<202x64xf32, #tpu.memory_space<vmem>>, vector<16xf32>,
    %add3A_66 = arith.addf %get3A_60, %get3A_60 : vector<16xf32>
    %swap3A_67 = arith.constant 201 : i32
    %swap3A_68 = arith.index_cast %swap3A_67 : i32 to index
    %swap3A_69 = arith.constant 32 : index
    %swap3A_70 = tpu.vector_load %arg8[%swap3A_68, %swap3A_69] {strides = array<i32>} : memref<202x64xf32, #tpu.memory_space<vmem>>, vector<16xf32>,
    tpu.vector_store %arg8[%swap3A_68, %swap3A_69], %add3A_66 {strides = array<i32>} : memref<202x64xf32, #tpu.memory_space<vmem>>, vector<16xf32>,
    %get3A_71 = arith.constant 0 : i32
    %get3A_72 = arith.index_cast %get3A_71 : i32 to index
    %get3A_73 = arith.constant 48 : index
    %get3A_74 = tpu.vector_load %arg6[%get3A_72, %get3A_73] {strides = array<i32>} : memref<400x64xf32, #tpu.memory_space<vmem>>, vector<16xf32>,
    %get3A_75 = arith.constant 1 : i32
    %get3A_76 = arith.index_cast %get3A_75 : i32 to index
    %get3A_77 = arith.constant 48 : index
    %get3A_78 = tpu.vector_load %arg6[%get3A_76, %get3A_77] {strides = array<i32>} : memref<400x64xf32, #tpu.memory_space<vmem>>, vector<16xf32>,
    %add3A_79 = arith.addf %get3A_74, %get3A_74 : vector<16xf32>
    %swap3A_80 = arith.constant 0 : i32
    %swap3A_81 = arith.index_cast %swap3A_80 : i32 to index
    %swap3A_82 = arith.constant 48 : index
    %swap3A_83 = tpu.vector_load %arg8[%swap3A_81, %swap3A_82] {strides = array<i32>} : memref<202x64xf32, #tpu.memory_space<vmem>>, vector<16xf32>,
    tpu.vector_store %arg8[%swap3A_81, %swap3A_82], %add3A_79 {strides = array<i32>} : memref<202x64xf32, #tpu.memory_space<vmem>>, vector<16xf32>,
    %add3A_84 = arith.addf %get3A_78, %get3A_78 : vector<16xf32>
    %swap3A_85 = arith.constant 201 : i32
    %swap3A_86 = arith.index_cast %swap3A_85 : i32 to index
    %swap3A_87 = arith.constant 48 : index
    %swap3A_88 = tpu.vector_load %arg8[%swap3A_86, %swap3A_87] {strides = array<i32>} : memref<202x64xf32, #tpu.memory_space<vmem>>, vector<16xf32>,
    tpu.vector_store %arg8[%swap3A_86, %swap3A_87], %add3A_84 {strides = array<i32>} : memref<202x64xf32, #tpu.memory_space<vmem>>, vector<16xf32>,
    %get3A_89 = arith.constant 0 : i32
    %get3A_90 = arith.index_cast %get3A_89 : i32 to index
    %get3A_91 = arith.constant 0 : index
    %get3A_92 = tpu.vector_load %arg6[%get3A_90, %get3A_91] {strides = array<i32>} : memref<400x64xf32, #tpu.memory_space<vmem>>, vector<16xf32>,
    %get3A_93 = arith.constant 1 : i32
    %get3A_94 = arith.index_cast %get3A_93 : i32 to index
    %get3A_95 = arith.constant 0 : index
    %get3A_96 = tpu.vector_load %arg6[%get3A_94, %get3A_95] {strides = array<i32>} : memref<400x64xf32, #tpu.memory_space<vmem>>, vector<16xf32>,
    %add3A_97 = arith.addf %get3A_92, %get3A_92 : vector<16xf32>
    %swap3A_98 = arith.constant 0 : i32
    %swap3A_99 = arith.index_cast %swap3A_98 : i32 to index
    %swap3A_100 = arith.constant 0 : index
    %swap3A_101 = tpu.vector_load %arg9[%swap3A_99, %swap3A_100] {strides = array<i32>} : memref<202x64xf32, #tpu.memory_space<vmem>>, vector<16xf32>,
    tpu.vector_store %arg9[%swap3A_99, %swap3A_100], %add3A_97 {strides = array<i32>} : memref<202x64xf32, #tpu.memory_space<vmem>>, vector<16xf32>,
    %add3A_102 = arith.addf %get3A_96, %get3A_96 : vector<16xf32>
    %swap3A_103 = arith.constant 201 : i32
    %swap3A_104 = arith.index_cast %swap3A_103 : i32 to index
    %swap3A_105 = arith.constant 0 : index
    %swap3A_106 = tpu.vector_load %arg9[%swap3A_104, %swap3A_105] {strides = array<i32>} : memref<202x64xf32, #tpu.memory_space<vmem>>, vector<16xf32>,
    tpu.vector_store %arg9[%swap3A_104, %swap3A_105], %add3A_102 {strides = array<i32>} : memref<202x64xf32, #tpu.memory_space<vmem>>, vector<16xf32>,
    %get3A_107 = arith.constant 0 : i32
    %get3A_108 = arith.index_cast %get3A_107 : i32 to index
    %get3A_109 = arith.constant 16 : index
    %get3A_110 = tpu.vector_load %arg6[%get3A_108, %get3A_109] {strides = array<i32>} : memref<400x64xf32, #tpu.memory_space<vmem>>, vector<16xf32>,
    %get3A_111 = arith.constant 1 : i32
    %get3A_112 = arith.index_cast %get3A_111 : i32 to index
    %get3A_113 = arith.constant 16 : index
    %get3A_114 = tpu.vector_load %arg6[%get3A_112, %get3A_113] {strides = array<i32>} : memref<400x64xf32, #tpu.memory_space<vmem>>, vector<16xf32>,
    %add3A_115 = arith.addf %get3A_110, %get3A_110 : vector<16xf32>
    %swap3A_116 = arith.constant 0 : i32
    %swap3A_117 = arith.index_cast %swap3A_116 : i32 to index
    %swap3A_118 = arith.constant 16 : index
    %swap3A_119 = tpu.vector_load %arg9[%swap3A_117, %swap3A_118] {strides = array<i32>} : memref<202x64xf32, #tpu.memory_space<vmem>>, vector<16xf32>,
    tpu.vector_store %arg9[%swap3A_117, %swap3A_118], %add3A_115 {strides = array<i32>} : memref<202x64xf32, #tpu.memory_space<vmem>>, vector<16xf32>,
    %add3A_120 = arith.addf %get3A_114, %get3A_114 : vector<16xf32>
    %swap3A_121 = arith.constant 201 : i32
    %swap3A_122 = arith.index_cast %swap3A_121 : i32 to index
    %swap3A_123 = arith.constant 16 : index
    %swap3A_124 = tpu.vector_load %arg9[%swap3A_122, %swap3A_123] {strides = array<i32>} : memref<202x64xf32, #tpu.memory_space<vmem>>, vector<16xf32>,
    tpu.vector_store %arg9[%swap3A_122, %swap3A_123], %add3A_120 {strides = array<i32>} : memref<202x64xf32, #tpu.memory_space<vmem>>, vector<16xf32>,
    %get3A_125 = arith.constant 0 : i32
    %get3A_126 = arith.index_cast %get3A_125 : i32 to index
    %get3A_127 = arith.constant 32 : index
    %get3A_128 = tpu.vector_load %arg6[%get3A_126, %get3A_127] {strides = array<i32>} : memref<400x64xf32, #tpu.memory_space<vmem>>, vector<16xf32>,
    %get3A_129 = arith.constant 1 : i32
    %get3A_130 = arith.index_cast %get3A_129 : i32 to index
    %get3A_131 = arith.constant 32 : index
    %get3A_132 = tpu.vector_load %arg6[%get3A_130, %get3A_131] {strides = array<i32>} : memref<400x64xf32, #tpu.memory_space<vmem>>, vector<16xf32>,
    %add3A_133 = arith.addf %get3A_128, %get3A_128 : vector<16xf32>
    %swap3A_134 = arith.constant 0 : i32
    %swap3A_135 = arith.index_cast %swap3A_134 : i32 to index
    %swap3A_136 = arith.constant 32 : index
    %swap3A_137 = tpu.vector_load %arg9[%swap3A_135, %swap3A_136] {strides = array<i32>} : memref<202x64xf32, #tpu.memory_space<vmem>>, vector<16xf32>,
    tpu.vector_store %arg9[%swap3A_135, %swap3A_136], %add3A_133 {strides = array<i32>} : memref<202x64xf32, #tpu.memory_space<vmem>>, vector<16xf32>,
    %add3A_138 = arith.addf %get3A_132, %get3A_132 : vector<16xf32>
    %swap3A_139 = arith.constant 201 : i32
    %swap3A_140 = arith.index_cast %swap3A_139 : i32 to index
    %swap3A_141 = arith.constant 32 : index
    %swap3A_142 = tpu.vector_load %arg9[%swap3A_140, %swap3A_141] {strides = array<i32>} : memref<202x64xf32, #tpu.memory_space<vmem>>, vector<16xf32>,
    tpu.vector_store %arg9[%swap3A_140, %swap3A_141], %add3A_138 {strides = array<i32>} : memref<202x64xf32, #tpu.memory_space<vmem>>, vector<16xf32>,
    %get3A_143 = arith.constant 0 : i32
    %get3A_144 = arith.index_cast %get3A_143 : i32 to index
    %get3A_145 = arith.constant 48 : index
    %get3A_146 = tpu.vector_load %arg6[%get3A_144, %get3A_145] {strides = array<i32>} : memref<400x64xf32, #tpu.memory_space<vmem>>, vector<16xf32>,
    %get3A_147 = arith.constant 1 : i32
    %get3A_148 = arith.index_cast %get3A_147 : i32 to index
    %get3A_149 = arith.constant 48 : index
    %get3A_150 = tpu.vector_load %arg6[%get3A_148, %get3A_149] {strides = array<i32>} : memref<400x64xf32, #tpu.memory_space<vmem>>, vector<16xf32>,
    %add3A_151 = arith.addf %get3A_146, %get3A_146 : vector<16xf32>
    %swap3A_152 = arith.constant 0 : i32
    %swap3A_153 = arith.index_cast %swap3A_152 : i32 to index
    %swap3A_154 = arith.constant 48 : index
    %swap3A_155 = tpu.vector_load %arg9[%swap3A_153, %swap3A_154] {strides = array<i32>} : memref<202x64xf32, #tpu.memory_space<vmem>>, vector<16xf32>,
    tpu.vector_store %arg9[%swap3A_153, %swap3A_154], %add3A_151 {strides = array<i32>} : memref<202x64xf32, #tpu.memory_space<vmem>>, vector<16xf32>,
    %add3A_156 = arith.addf %get3A_150, %get3A_150 : vector<16xf32>
    %swap3A_157 = arith.constant 201 : i32
    %swap3A_158 = arith.index_cast %swap3A_157 : i32 to index
    %swap3A_159 = arith.constant 48 : index
    %swap3A_160 = tpu.vector_load %arg9[%swap3A_158, %swap3A_159] {strides = array<i32>} : memref<202x64xf32, #tpu.memory_space<vmem>>, vector<16xf32>,
    tpu.vector_store %arg9[%swap3A_158, %swap3A_159], %add3A_156 {strides = array<i32>} : memref<202x64xf32, #tpu.memory_space<vmem>>, vector<16xf32>,
    %dma_start3A_161 = arith.constant 0 : i32
    %dma_start3A_162 = arith.constant 0 : i32
    %dma_start3A_163 = arith.constant 0 : i32
    %dma_start3A_164 = arith.constant 0 : i32
    %dma_start3A_165 = tpu.memref_slice %arg6[%dma_start3A_163, %dma_start3A_164] : memref<400x64xf32, #tpu.memory_space<vmem>> -> memref<100x64xf32, #tpu.memory_space<vmem>>
    %dma_start3A_166 = arith.constant 0 : i32
    %dma_start3A_167 = tpu.memref_slice %arg5[%dma_start3A_161, %dma_start3A_162, %dma_start3A_166] : memref<128x4x100xi32, #tpu.memory_space<vmem>> -> memref<1x1x100xi32, #tpu.memory_space<vmem>>
    %dma_start3A_168 = tpu.memref_squeeze %dma_start3A_167 : memref<1x1x100xi32, #tpu.memory_space<vmem>> -> memref<100xi32, #tpu.memory_space<vmem>>
    %dma_start3A_169 = arith.constant 0 : i32
    %dma_start3A_170 = arith.constant 0 : i32
    %dma_start3A_171 = tpu.memref_slice %arg3[%dma_start3A_169, %dma_start3A_170] : memref<1000000x64xf32, #tpu.memory_space<hbm>> -> memref<1000000x64xf32, #tpu.memory_space<hbm>>
    tpu.enqueue_indirect_dma source(%dma_start3A_171 : memref<1000000x64xf32, #tpu.memory_space<hbm>>) target(%dma_start3A_165 : memref<100x64xf32, #tpu.memory_space<vmem>>) offsets(%dma_start3A_168 : memref<100xi32, #tpu.memory_space<vmem>>) semaphore(%arg11 : memref<!tpu.dma_semaphore, #tpu.memory_space<semaphore_mem>>)
    %dma_start3A_172 = arith.constant 0 : i32
    %dma_start3A_173 = arith.constant 1 : i32
    %dma_start3A_174 = arith.constant 100 : i32
    %dma_start3A_175 = arith.constant 0 : i32
    %dma_start3A_176 = tpu.memref_slice %arg6[%dma_start3A_174, %dma_start3A_175] : memref<400x64xf32, #tpu.memory_space<vmem>> -> memref<100x64xf32, #tpu.memory_space<vmem>>
    %dma_start3A_177 = arith.constant 0 : i32
    %dma_start3A_178 = tpu.memref_slice %arg5[%dma_start3A_172, %dma_start3A_173, %dma_start3A_177] : memref<128x4x100xi32, #tpu.memory_space<vmem>> -> memref<1x1x100xi32, #tpu.memory_space<vmem>>
    %dma_start3A_179 = tpu.memref_squeeze %dma_start3A_178 : memref<1x1x100xi32, #tpu.memory_space<vmem>> -> memref<100xi32, #tpu.memory_space<vmem>>
    %dma_start3A_180 = arith.constant 0 : i32
    %dma_start3A_181 = arith.constant 0 : i32
    %dma_start3A_182 = tpu.memref_slice %arg3[%dma_start3A_180, %dma_start3A_181] : memref<1000000x64xf32, #tpu.memory_space<hbm>> -> memref<1000000x64xf32, #tpu.memory_space<hbm>>
    tpu.enqueue_indirect_dma source(%dma_start3A_182 : memref<1000000x64xf32, #tpu.memory_space<hbm>>) target(%dma_start3A_176 : memref<100x64xf32, #tpu.memory_space<vmem>>) offsets(%dma_start3A_179 : memref<100xi32, #tpu.memory_space<vmem>>) semaphore(%arg11 : memref<!tpu.dma_semaphore, #tpu.memory_space<semaphore_mem>>)
    %dma_start3A_183 = arith.constant 0 : i32
    %dma_start3A_184 = arith.constant 2 : i32
    %dma_start3A_185 = arith.constant 200 : i32
    %dma_start3A_186 = arith.constant 0 : i32
    %dma_start3A_187 = tpu.memref_slice %arg6[%dma_start3A_185, %dma_start3A_186] : memref<400x64xf32, #tpu.memory_space<vmem>> -> memref<100x64xf32, #tpu.memory_space<vmem>>
    %dma_start3A_188 = arith.constant 0 : i32
    %dma_start3A_189 = tpu.memref_slice %arg5[%dma_start3A_183, %dma_start3A_184, %dma_start3A_188] : memref<128x4x100xi32, #tpu.memory_space<vmem>> -> memref<1x1x100xi32, #tpu.memory_space<vmem>>
    %dma_start3A_190 = tpu.memref_squeeze %dma_start3A_189 : memref<1x1x100xi32, #tpu.memory_space<vmem>> -> memref<100xi32, #tpu.memory_space<vmem>>
    %dma_start3A_191 = arith.constant 0 : i32
    %dma_start3A_192 = arith.constant 0 : i32
    %dma_start3A_193 = tpu.memref_slice %arg3[%dma_start3A_191, %dma_start3A_192] : memref<1000000x64xf32, #tpu.memory_space<hbm>> -> memref<1000000x64xf32, #tpu.memory_space<hbm>>
    tpu.enqueue_indirect_dma source(%dma_start3A_193 : memref<1000000x64xf32, #tpu.memory_space<hbm>>) target(%dma_start3A_187 : memref<100x64xf32, #tpu.memory_space<vmem>>) offsets(%dma_start3A_190 : memref<100xi32, #tpu.memory_space<vmem>>) semaphore(%arg11 : memref<!tpu.dma_semaphore, #tpu.memory_space<semaphore_mem>>)
    %dma_start3A_194 = arith.constant 0 : i32
    %dma_start3A_195 = arith.constant 3 : i32
    %dma_start3A_196 = arith.constant 300 : i32
    %dma_start3A_197 = arith.constant 0 : i32
    %dma_start3A_198 = tpu.memref_slice %arg6[%dma_start3A_196, %dma_start3A_197] : memref<400x64xf32, #tpu.memory_space<vmem>> -> memref<100x64xf32, #tpu.memory_space<vmem>>
    %dma_start3A_199 = arith.constant 0 : i32
    %dma_start3A_200 = tpu.memref_slice %arg5[%dma_start3A_194, %dma_start3A_195, %dma_start3A_199] : memref<128x4x100xi32, #tpu.memory_space<vmem>> -> memref<1x1x100xi32, #tpu.memory_space<vmem>>
    %dma_start3A_201 = tpu.memref_squeeze %dma_start3A_200 : memref<1x1x100xi32, #tpu.memory_space<vmem>> -> memref<100xi32, #tpu.memory_space<vmem>>
    %dma_start3A_202 = arith.constant 0 : i32
    %dma_start3A_203 = arith.constant 0 : i32
    %dma_start3A_204 = tpu.memref_slice %arg3[%dma_start3A_202, %dma_start3A_203] : memref<1000000x64xf32, #tpu.memory_space<hbm>> -> memref<1000000x64xf32, #tpu.memory_space<hbm>>
    tpu.enqueue_indirect_dma source(%dma_start3A_204 : memref<1000000x64xf32, #tpu.memory_space<hbm>>) target(%dma_start3A_198 : memref<100x64xf32, #tpu.memory_space<vmem>>) offsets(%dma_start3A_201 : memref<100xi32, #tpu.memory_space<vmem>>) semaphore(%arg11 : memref<!tpu.dma_semaphore, #tpu.memory_space<semaphore_mem>>)
    %dma_wait3A_205 = arith.constant 0 : i32
    %dma_wait3A_206 = arith.constant 0 : i32
    %dma_wait3A_207 = tpu.memref_slice %arg3[%dma_wait3A_205, %dma_wait3A_206] : memref<1000000x64xf32, #tpu.memory_space<hbm>> -> memref<400x64xf32, #tpu.memory_space<hbm>>
    %dma_wait3A_208 = arith.constant 0 : i32
    %dma_wait3A_209 = arith.constant 0 : i32
    %dma_wait3A_210 = tpu.memref_slice %arg3[%dma_wait3A_208, %dma_wait3A_209] : memref<1000000x64xf32, #tpu.memory_space<hbm>> -> memref<400x64xf32, #tpu.memory_space<hbm>>
    tpu.wait_dma2 semaphore(%arg11 : memref<!tpu.dma_semaphore, #tpu.memory_space<semaphore_mem>>) src(%dma_wait3A_210 : memref<400x64xf32, #tpu.memory_space<hbm>>) dst(%arg6 : memref<400x64xf32, #tpu.memory_space<vmem>>)
    %dma_start3A_211 = arith.constant 1 : i32
    %dma_start3A_212 = arith.constant 0 : i32
    %dma_start3A_213 = arith.constant 0 : i32
    %dma_start3A_214 = arith.constant 0 : i32
    %dma_start3A_215 = tpu.memref_slice %arg7[%dma_start3A_213, %dma_start3A_214] : memref<400x64xf32, #tpu.memory_space<vmem>> -> memref<100x64xf32, #tpu.memory_space<vmem>>
    %dma_start3A_216 = arith.constant 0 : i32
    %dma_start3A_217 = tpu.memref_slice %arg5[%dma_start3A_211, %dma_start3A_212, %dma_start3A_216] : memref<128x4x100xi32, #tpu.memory_space<vmem>> -> memref<1x1x100xi32, #tpu.memory_space<vmem>>
    %dma_start3A_218 = tpu.memref_squeeze %dma_start3A_217 : memref<1x1x100xi32, #tpu.memory_space<vmem>> -> memref<100xi32, #tpu.memory_space<vmem>>
    %dma_start3A_219 = arith.constant 0 : i32
    %dma_start3A_220 = arith.constant 0 : i32
    %dma_start3A_221 = tpu.memref_slice %arg3[%dma_start3A_219, %dma_start3A_220] : memref<1000000x64xf32, #tpu.memory_space<hbm>> -> memref<1000000x64xf32, #tpu.memory_space<hbm>>
    tpu.enqueue_indirect_dma source(%dma_start3A_221 : memref<1000000x64xf32, #tpu.memory_space<hbm>>) target(%dma_start3A_215 : memref<100x64xf32, #tpu.memory_space<vmem>>) offsets(%dma_start3A_218 : memref<100xi32, #tpu.memory_space<vmem>>) semaphore(%arg12 : memref<!tpu.dma_semaphore, #tpu.memory_space<semaphore_mem>>)
    %dma_start3A_222 = arith.constant 1 : i32
    %dma_start3A_223 = arith.constant 1 : i32
    %dma_start3A_224 = arith.constant 100 : i32
    %dma_start3A_225 = arith.constant 0 : i32
    %dma_start3A_226 = tpu.memref_slice %arg7[%dma_start3A_224, %dma_start3A_225] : memref<400x64xf32, #tpu.memory_space<vmem>> -> memref<100x64xf32, #tpu.memory_space<vmem>>
    %dma_start3A_227 = arith.constant 0 : i32
    %dma_start3A_228 = tpu.memref_slice %arg5[%dma_start3A_222, %dma_start3A_223, %dma_start3A_227] : memref<128x4x100xi32, #tpu.memory_space<vmem>> -> memref<1x1x100xi32, #tpu.memory_space<vmem>>
    %dma_start3A_229 = tpu.memref_squeeze %dma_start3A_228 : memref<1x1x100xi32, #tpu.memory_space<vmem>> -> memref<100xi32, #tpu.memory_space<vmem>>
    %dma_start3A_230 = arith.constant 0 : i32
    %dma_start3A_231 = arith.constant 0 : i32
    %dma_start3A_232 = tpu.memref_slice %arg3[%dma_start3A_230, %dma_start3A_231] : memref<1000000x64xf32, #tpu.memory_space<hbm>> -> memref<1000000x64xf32, #tpu.memory_space<hbm>>
    tpu.enqueue_indirect_dma source(%dma_start3A_232 : memref<1000000x64xf32, #tpu.memory_space<hbm>>) target(%dma_start3A_226 : memref<100x64xf32, #tpu.memory_space<vmem>>) offsets(%dma_start3A_229 : memref<100xi32, #tpu.memory_space<vmem>>) semaphore(%arg12 : memref<!tpu.dma_semaphore, #tpu.memory_space<semaphore_mem>>)
    %dma_start3A_233 = arith.constant 1 : i32
    %dma_start3A_234 = arith.constant 2 : i32
    %dma_start3A_235 = arith.constant 200 : i32
    %dma_start3A_236 = arith.constant 0 : i32
    %dma_start3A_237 = tpu.memref_slice %arg7[%dma_start3A_235, %dma_start3A_236] : memref<400x64xf32, #tpu.memory_space<vmem>> -> memref<100x64xf32, #tpu.memory_space<vmem>>
    %dma_start3A_238 = arith.constant 0 : i32
    %dma_start3A_239 = tpu.memref_slice %arg5[%dma_start3A_233, %dma_start3A_234, %dma_start3A_238] : memref<128x4x100xi32, #tpu.memory_space<vmem>> -> memref<1x1x100xi32, #tpu.memory_space<vmem>>
    %dma_start3A_240 = tpu.memref_squeeze %dma_start3A_239 : memref<1x1x100xi32, #tpu.memory_space<vmem>> -> memref<100xi32, #tpu.memory_space<vmem>>
    %dma_start3A_241 = arith.constant 0 : i32
    %dma_start3A_242 = arith.constant 0 : i32
    %dma_start3A_243 = tpu.memref_slice %arg3[%dma_start3A_241, %dma_start3A_242] : memref<1000000x64xf32, #tpu.memory_space<hbm>> -> memref<1000000x64xf32, #tpu.memory_space<hbm>>
    tpu.enqueue_indirect_dma source(%dma_start3A_243 : memref<1000000x64xf32, #tpu.memory_space<hbm>>) target(%dma_start3A_237 : memref<100x64xf32, #tpu.memory_space<vmem>>) offsets(%dma_start3A_240 : memref<100xi32, #tpu.memory_space<vmem>>) semaphore(%arg12 : memref<!tpu.dma_semaphore, #tpu.memory_space<semaphore_mem>>)
    %dma_start3A_244 = arith.constant 1 : i32
    %dma_start3A_245 = arith.constant 3 : i32
    %dma_start3A_246 = arith.constant 300 : i32
    %dma_start3A_247 = arith.constant 0 : i32
    %dma_start3A_248 = tpu.memref_slice %arg7[%dma_start3A_246, %dma_start3A_247] : memref<400x64xf32, #tpu.memory_space<vmem>> -> memref<100x64xf32, #tpu.memory_space<vmem>>
    %dma_start3A_249 = arith.constant 0 : i32
    %dma_start3A_250 = tpu.memref_slice %arg5[%dma_start3A_244, %dma_start3A_245, %dma_start3A_249] : memref<128x4x100xi32, #tpu.memory_space<vmem>> -> memref<1x1x100xi32, #tpu.memory_space<vmem>>
    %dma_start3A_251 = tpu.memref_squeeze %dma_start3A_250 : memref<1x1x100xi32, #tpu.memory_space<vmem>> -> memref<100xi32, #tpu.memory_space<vmem>>
    %dma_start3A_252 = arith.constant 0 : i32
    %dma_start3A_253 = arith.constant 0 : i32
    %dma_start3A_254 = tpu.memref_slice %arg3[%dma_start3A_252, %dma_start3A_253] : memref<1000000x64xf32, #tpu.memory_space<hbm>> -> memref<1000000x64xf32, #tpu.memory_space<hbm>>
    tpu.enqueue_indirect_dma source(%dma_start3A_254 : memref<1000000x64xf32, #tpu.memory_space<hbm>>) target(%dma_start3A_248 : memref<100x64xf32, #tpu.memory_space<vmem>>) offsets(%dma_start3A_251 : memref<100xi32, #tpu.memory_space<vmem>>) semaphore(%arg12 : memref<!tpu.dma_semaphore, #tpu.memory_space<semaphore_mem>>)
    %parallel_loop3A = arith.constant 0 : i32
    %parallel_loop3A_255 = arith.constant 200 : i32
    %parallel_loop3A_256 = arith.constant 1 : i32
    scf.for %parallel_loop3A_453 = %parallel_loop3A to %parallel_loop3A_255 step %parallel_loop3A_256  : i32 {
      %parallel_loop3A_454 = arith.constant 2 : i32
      %parallel_loop3A_455 = arith.muli %parallel_loop3A_454, %parallel_loop3A_453 : i32
      %parallel_loop3A_456 = arith.index_cast %parallel_loop3A_455 : i32 to index
      %parallel_loop3A_457 = arith.constant 0 : index
      %parallel_loop3A_458 = tpu.vector_load %arg6[%parallel_loop3A_456, %parallel_loop3A_457] {strides = array<i32>} : memref<400x64xf32, #tpu.memory_space<vmem>>, vector<16xf32>,
      %parallel_loop3A_459 = arith.constant 2 : i32
      %parallel_loop3A_460 = arith.muli %parallel_loop3A_459, %parallel_loop3A_453 : i32
      %parallel_loop3A_461 = arith.constant 1 : i32
      %parallel_loop3A_462 = arith.addi %parallel_loop3A_460, %parallel_loop3A_461 : i32
      %parallel_loop3A_463 = arith.index_cast %parallel_loop3A_462 : i32 to index
      %parallel_loop3A_464 = arith.constant 0 : index
      %parallel_loop3A_465 = tpu.vector_load %arg6[%parallel_loop3A_463, %parallel_loop3A_464] {strides = array<i32>} : memref<400x64xf32, #tpu.memory_space<vmem>>, vector<16xf32>,
      %parallel_loop3A_466 = arith.addf %parallel_loop3A_458, %parallel_loop3A_465 : vector<16xf32>
      %parallel_loop3A_467 = arith.constant 1 : i32
      %parallel_loop3A_468 = arith.addi %parallel_loop3A_467, %parallel_loop3A_453 : i32
      %parallel_loop3A_469 = arith.index_cast %parallel_loop3A_468 : i32 to index
      %parallel_loop3A_470 = arith.constant 0 : index
      %parallel_loop3A_471 = tpu.vector_load %arg8[%parallel_loop3A_469, %parallel_loop3A_470] {strides = array<i32>} : memref<202x64xf32, #tpu.memory_space<vmem>>, vector<16xf32>,
      tpu.vector_store %arg8[%parallel_loop3A_469, %parallel_loop3A_470], %parallel_loop3A_466 {strides = array<i32>} : memref<202x64xf32, #tpu.memory_space<vmem>>, vector<16xf32>,
      %parallel_loop3A_472 = arith.constant 2 : i32
      %parallel_loop3A_473 = arith.muli %parallel_loop3A_472, %parallel_loop3A_453 : i32
      %parallel_loop3A_474 = arith.index_cast %parallel_loop3A_473 : i32 to index
      %parallel_loop3A_475 = arith.constant 16 : index
      %parallel_loop3A_476 = tpu.vector_load %arg6[%parallel_loop3A_474, %parallel_loop3A_475] {strides = array<i32>} : memref<400x64xf32, #tpu.memory_space<vmem>>, vector<16xf32>,
      %parallel_loop3A_477 = arith.constant 2 : i32
      %parallel_loop3A_478 = arith.muli %parallel_loop3A_477, %parallel_loop3A_453 : i32
      %parallel_loop3A_479 = arith.constant 1 : i32
      %parallel_loop3A_480 = arith.addi %parallel_loop3A_478, %parallel_loop3A_479 : i32
      %parallel_loop3A_481 = arith.index_cast %parallel_loop3A_480 : i32 to index
      %parallel_loop3A_482 = arith.constant 16 : index
      %parallel_loop3A_483 = tpu.vector_load %arg6[%parallel_loop3A_481, %parallel_loop3A_482] {strides = array<i32>} : memref<400x64xf32, #tpu.memory_space<vmem>>, vector<16xf32>,
      %parallel_loop3A_484 = arith.addf %parallel_loop3A_476, %parallel_loop3A_483 : vector<16xf32>
      %parallel_loop3A_485 = arith.constant 1 : i32
      %parallel_loop3A_486 = arith.addi %parallel_loop3A_485, %parallel_loop3A_453 : i32
      %parallel_loop3A_487 = arith.index_cast %parallel_loop3A_486 : i32 to index
      %parallel_loop3A_488 = arith.constant 16 : index
      %parallel_loop3A_489 = tpu.vector_load %arg8[%parallel_loop3A_487, %parallel_loop3A_488] {strides = array<i32>} : memref<202x64xf32, #tpu.memory_space<vmem>>, vector<16xf32>,
      tpu.vector_store %arg8[%parallel_loop3A_487, %parallel_loop3A_488], %parallel_loop3A_484 {strides = array<i32>} : memref<202x64xf32, #tpu.memory_space<vmem>>, vector<16xf32>,
      %parallel_loop3A_490 = arith.constant 2 : i32
      %parallel_loop3A_491 = arith.muli %parallel_loop3A_490, %parallel_loop3A_453 : i32
      %parallel_loop3A_492 = arith.index_cast %parallel_loop3A_491 : i32 to index
      %parallel_loop3A_493 = arith.constant 32 : index
      %parallel_loop3A_494 = tpu.vector_load %arg6[%parallel_loop3A_492, %parallel_loop3A_493] {strides = array<i32>} : memref<400x64xf32, #tpu.memory_space<vmem>>, vector<16xf32>,
      %parallel_loop3A_495 = arith.constant 2 : i32
      %parallel_loop3A_496 = arith.muli %parallel_loop3A_495, %parallel_loop3A_453 : i32
      %parallel_loop3A_497 = arith.constant 1 : i32
      %parallel_loop3A_498 = arith.addi %parallel_loop3A_496, %parallel_loop3A_497 : i32
      %parallel_loop3A_499 = arith.index_cast %parallel_loop3A_498 : i32 to index
      %parallel_loop3A_500 = arith.constant 32 : index
      %parallel_loop3A_501 = tpu.vector_load %arg6[%parallel_loop3A_499, %parallel_loop3A_500] {strides = array<i32>} : memref<400x64xf32, #tpu.memory_space<vmem>>, vector<16xf32>,
      %parallel_loop3A_502 = arith.addf %parallel_loop3A_494, %parallel_loop3A_501 : vector<16xf32>
      %parallel_loop3A_503 = arith.constant 1 : i32
      %parallel_loop3A_504 = arith.addi %parallel_loop3A_503, %parallel_loop3A_453 : i32
      %parallel_loop3A_505 = arith.index_cast %parallel_loop3A_504 : i32 to index
      %parallel_loop3A_506 = arith.constant 32 : index
      %parallel_loop3A_507 = tpu.vector_load %arg8[%parallel_loop3A_505, %parallel_loop3A_506] {strides = array<i32>} : memref<202x64xf32, #tpu.memory_space<vmem>>, vector<16xf32>,
      tpu.vector_store %arg8[%parallel_loop3A_505, %parallel_loop3A_506], %parallel_loop3A_502 {strides = array<i32>} : memref<202x64xf32, #tpu.memory_space<vmem>>, vector<16xf32>,
      %parallel_loop3A_508 = arith.constant 2 : i32
      %parallel_loop3A_509 = arith.muli %parallel_loop3A_508, %parallel_loop3A_453 : i32
      %parallel_loop3A_510 = arith.index_cast %parallel_loop3A_509 : i32 to index
      %parallel_loop3A_511 = arith.constant 48 : index
      %parallel_loop3A_512 = tpu.vector_load %arg6[%parallel_loop3A_510, %parallel_loop3A_511] {strides = array<i32>} : memref<400x64xf32, #tpu.memory_space<vmem>>, vector<16xf32>,
      %parallel_loop3A_513 = arith.constant 2 : i32
      %parallel_loop3A_514 = arith.muli %parallel_loop3A_513, %parallel_loop3A_453 : i32
      %parallel_loop3A_515 = arith.constant 1 : i32
      %parallel_loop3A_516 = arith.addi %parallel_loop3A_514, %parallel_loop3A_515 : i32
      %parallel_loop3A_517 = arith.index_cast %parallel_loop3A_516 : i32 to index
      %parallel_loop3A_518 = arith.constant 48 : index
      %parallel_loop3A_519 = tpu.vector_load %arg6[%parallel_loop3A_517, %parallel_loop3A_518] {strides = array<i32>} : memref<400x64xf32, #tpu.memory_space<vmem>>, vector<16xf32>,
      %parallel_loop3A_520 = arith.addf %parallel_loop3A_512, %parallel_loop3A_519 : vector<16xf32>
      %parallel_loop3A_521 = arith.constant 1 : i32
      %parallel_loop3A_522 = arith.addi %parallel_loop3A_521, %parallel_loop3A_453 : i32
      %parallel_loop3A_523 = arith.index_cast %parallel_loop3A_522 : i32 to index
      %parallel_loop3A_524 = arith.constant 48 : index
      %parallel_loop3A_525 = tpu.vector_load %arg8[%parallel_loop3A_523, %parallel_loop3A_524] {strides = array<i32>} : memref<202x64xf32, #tpu.memory_space<vmem>>, vector<16xf32>,
      tpu.vector_store %arg8[%parallel_loop3A_523, %parallel_loop3A_524], %parallel_loop3A_520 {strides = array<i32>} : memref<202x64xf32, #tpu.memory_space<vmem>>, vector<16xf32>,
    } {sc.loop_unroll_factor = 8 : i64, sc.parallel_access}
    %add3A_257 = arith.constant 0 : i32
    %add3A_258 = arith.addi %mul3A_2, %add3A_257 : i32
    %dma_start3A_259 = arith.constant 0 : i32
    %dma_start3A_260 = arith.constant 0 : i32
    %dma_start3A_261 = tpu.memref_slice %arg4[%add3A_258, %dma_start3A_259, %dma_start3A_260] : memref<4096x202x64xf32, #tpu.memory_space<hbm>> -> memref<1x202x64xf32, #tpu.memory_space<hbm>>
    %dma_start3A_262 = tpu.memref_squeeze %dma_start3A_261 : memref<1x202x64xf32, #tpu.memory_space<hbm>> -> memref<202x64xf32, #tpu.memory_space<hbm>>
    %dma_start3A_263 = arith.constant 0 : i32
    %dma_start3A_264 = arith.constant 0 : i32
    %dma_start3A_265 = tpu.memref_slice %arg4[%add3A_258, %dma_start3A_263, %dma_start3A_264] : memref<4096x202x64xf32, #tpu.memory_space<hbm>> -> memref<1x202x64xf32, #tpu.memory_space<hbm>>
    %dma_start3A_266 = tpu.memref_squeeze %dma_start3A_265 : memref<1x202x64xf32, #tpu.memory_space<hbm>> -> memref<202x64xf32, #tpu.memory_space<hbm>>
    tpu.enqueue_dma source(%arg8 : memref<202x64xf32, #tpu.memory_space<vmem>>) target(%dma_start3A_266 : memref<202x64xf32, #tpu.memory_space<hbm>>) target_semaphore(%arg13 : memref<!tpu.dma_semaphore, #tpu.memory_space<semaphore_mem>>)
    %dma_wait3A_267 = arith.constant 0 : i32
    %dma_wait3A_268 = arith.constant 0 : i32
    %dma_wait3A_269 = tpu.memref_slice %arg3[%dma_wait3A_267, %dma_wait3A_268] : memref<1000000x64xf32, #tpu.memory_space<hbm>> -> memref<400x64xf32, #tpu.memory_space<hbm>>
    %dma_wait3A_270 = arith.constant 0 : i32
    %dma_wait3A_271 = arith.constant 0 : i32
    %dma_wait3A_272 = tpu.memref_slice %arg3[%dma_wait3A_270, %dma_wait3A_271] : memref<1000000x64xf32, #tpu.memory_space<hbm>> -> memref<400x64xf32, #tpu.memory_space<hbm>>
    tpu.wait_dma2 semaphore(%arg12 : memref<!tpu.dma_semaphore, #tpu.memory_space<semaphore_mem>>) src(%dma_wait3A_272 : memref<400x64xf32, #tpu.memory_space<hbm>>) dst(%arg7 : memref<400x64xf32, #tpu.memory_space<vmem>>)
    %dma_start3A_273 = arith.constant 2 : i32
    %dma_start3A_274 = arith.constant 0 : i32
    %dma_start3A_275 = arith.constant 0 : i32
    %dma_start3A_276 = arith.constant 0 : i32
    %dma_start3A_277 = tpu.memref_slice %arg6[%dma_start3A_275, %dma_start3A_276] : memref<400x64xf32, #tpu.memory_space<vmem>> -> memref<100x64xf32, #tpu.memory_space<vmem>>
    %dma_start3A_278 = arith.constant 0 : i32
    %dma_start3A_279 = tpu.memref_slice %arg5[%dma_start3A_273, %dma_start3A_274, %dma_start3A_278] : memref<128x4x100xi32, #tpu.memory_space<vmem>> -> memref<1x1x100xi32, #tpu.memory_space<vmem>>
    %dma_start3A_280 = tpu.memref_squeeze %dma_start3A_279 : memref<1x1x100xi32, #tpu.memory_space<vmem>> -> memref<100xi32, #tpu.memory_space<vmem>>
    %dma_start3A_281 = arith.constant 0 : i32
    %dma_start3A_282 = arith.constant 0 : i32
    %dma_start3A_283 = tpu.memref_slice %arg3[%dma_start3A_281, %dma_start3A_282] : memref<1000000x64xf32, #tpu.memory_space<hbm>> -> memref<1000000x64xf32, #tpu.memory_space<hbm>>
    tpu.enqueue_indirect_dma source(%dma_start3A_283 : memref<1000000x64xf32, #tpu.memory_space<hbm>>) target(%dma_start3A_277 : memref<100x64xf32, #tpu.memory_space<vmem>>) offsets(%dma_start3A_280 : memref<100xi32, #tpu.memory_space<vmem>>) semaphore(%arg11 : memref<!tpu.dma_semaphore, #tpu.memory_space<semaphore_mem>>)
    %dma_start3A_284 = arith.constant 2 : i32
    %dma_start3A_285 = arith.constant 1 : i32
    %dma_start3A_286 = arith.constant 100 : i32
    %dma_start3A_287 = arith.constant 0 : i32
    %dma_start3A_288 = tpu.memref_slice %arg6[%dma_start3A_286, %dma_start3A_287] : memref<400x64xf32, #tpu.memory_space<vmem>> -> memref<100x64xf32, #tpu.memory_space<vmem>>
    %dma_start3A_289 = arith.constant 0 : i32
    %dma_start3A_290 = tpu.memref_slice %arg5[%dma_start3A_284, %dma_start3A_285, %dma_start3A_289] : memref<128x4x100xi32, #tpu.memory_space<vmem>> -> memref<1x1x100xi32, #tpu.memory_space<vmem>>
    %dma_start3A_291 = tpu.memref_squeeze %dma_start3A_290 : memref<1x1x100xi32, #tpu.memory_space<vmem>> -> memref<100xi32, #tpu.memory_space<vmem>>
    %dma_start3A_292 = arith.constant 0 : i32
    %dma_start3A_293 = arith.constant 0 : i32
    %dma_start3A_294 = tpu.memref_slice %arg3[%dma_start3A_292, %dma_start3A_293] : memref<1000000x64xf32, #tpu.memory_space<hbm>> -> memref<1000000x64xf32, #tpu.memory_space<hbm>>
    tpu.enqueue_indirect_dma source(%dma_start3A_294 : memref<1000000x64xf32, #tpu.memory_space<hbm>>) target(%dma_start3A_288 : memref<100x64xf32, #tpu.memory_space<vmem>>) offsets(%dma_start3A_291 : memref<100xi32, #tpu.memory_space<vmem>>) semaphore(%arg11 : memref<!tpu.dma_semaphore, #tpu.memory_space<semaphore_mem>>)
    %dma_start3A_295 = arith.constant 2 : i32
    %dma_start3A_296 = arith.constant 2 : i32
    %dma_start3A_297 = arith.constant 200 : i32
    %dma_start3A_298 = arith.constant 0 : i32
    %dma_start3A_299 = tpu.memref_slice %arg6[%dma_start3A_297, %dma_start3A_298] : memref<400x64xf32, #tpu.memory_space<vmem>> -> memref<100x64xf32, #tpu.memory_space<vmem>>
    %dma_start3A_300 = arith.constant 0 : i32
    %dma_start3A_301 = tpu.memref_slice %arg5[%dma_start3A_295, %dma_start3A_296, %dma_start3A_300] : memref<128x4x100xi32, #tpu.memory_space<vmem>> -> memref<1x1x100xi32, #tpu.memory_space<vmem>>
    %dma_start3A_302 = tpu.memref_squeeze %dma_start3A_301 : memref<1x1x100xi32, #tpu.memory_space<vmem>> -> memref<100xi32, #tpu.memory_space<vmem>>
    %dma_start3A_303 = arith.constant 0 : i32
    %dma_start3A_304 = arith.constant 0 : i32
    %dma_start3A_305 = tpu.memref_slice %arg3[%dma_start3A_303, %dma_start3A_304] : memref<1000000x64xf32, #tpu.memory_space<hbm>> -> memref<1000000x64xf32, #tpu.memory_space<hbm>>
    tpu.enqueue_indirect_dma source(%dma_start3A_305 : memref<1000000x64xf32, #tpu.memory_space<hbm>>) target(%dma_start3A_299 : memref<100x64xf32, #tpu.memory_space<vmem>>) offsets(%dma_start3A_302 : memref<100xi32, #tpu.memory_space<vmem>>) semaphore(%arg11 : memref<!tpu.dma_semaphore, #tpu.memory_space<semaphore_mem>>)
    %dma_start3A_306 = arith.constant 2 : i32
    %dma_start3A_307 = arith.constant 3 : i32
    %dma_start3A_308 = arith.constant 300 : i32
    %dma_start3A_309 = arith.constant 0 : i32
    %dma_start3A_310 = tpu.memref_slice %arg6[%dma_start3A_308, %dma_start3A_309] : memref<400x64xf32, #tpu.memory_space<vmem>> -> memref<100x64xf32, #tpu.memory_space<vmem>>
    %dma_start3A_311 = arith.constant 0 : i32
    %dma_start3A_312 = tpu.memref_slice %arg5[%dma_start3A_306, %dma_start3A_307, %dma_start3A_311] : memref<128x4x100xi32, #tpu.memory_space<vmem>> -> memref<1x1x100xi32, #tpu.memory_space<vmem>>
    %dma_start3A_313 = tpu.memref_squeeze %dma_start3A_312 : memref<1x1x100xi32, #tpu.memory_space<vmem>> -> memref<100xi32, #tpu.memory_space<vmem>>
    %dma_start3A_314 = arith.constant 0 : i32
    %dma_start3A_315 = arith.constant 0 : i32
    %dma_start3A_316 = tpu.memref_slice %arg3[%dma_start3A_314, %dma_start3A_315] : memref<1000000x64xf32, #tpu.memory_space<hbm>> -> memref<1000000x64xf32, #tpu.memory_space<hbm>>
    tpu.enqueue_indirect_dma source(%dma_start3A_316 : memref<1000000x64xf32, #tpu.memory_space<hbm>>) target(%dma_start3A_310 : memref<100x64xf32, #tpu.memory_space<vmem>>) offsets(%dma_start3A_313 : memref<100xi32, #tpu.memory_space<vmem>>) semaphore(%arg11 : memref<!tpu.dma_semaphore, #tpu.memory_space<semaphore_mem>>)
    %parallel_loop3A_317 = arith.constant 0 : i32
    %parallel_loop3A_318 = arith.constant 200 : i32
    %parallel_loop3A_319 = arith.constant 1 : i32
    scf.for %parallel_loop3A_453 = %parallel_loop3A_317 to %parallel_loop3A_318 step %parallel_loop3A_319  : i32 {
      %parallel_loop3A_454 = arith.constant 2 : i32
      %parallel_loop3A_455 = arith.muli %parallel_loop3A_454, %parallel_loop3A_453 : i32
      %parallel_loop3A_456 = arith.index_cast %parallel_loop3A_455 : i32 to index
      %parallel_loop3A_457 = arith.constant 0 : index
      %parallel_loop3A_458 = tpu.vector_load %arg7[%parallel_loop3A_456, %parallel_loop3A_457] {strides = array<i32>} : memref<400x64xf32, #tpu.memory_space<vmem>>, vector<16xf32>,
      %parallel_loop3A_459 = arith.constant 2 : i32
      %parallel_loop3A_460 = arith.muli %parallel_loop3A_459, %parallel_loop3A_453 : i32
      %parallel_loop3A_461 = arith.constant 1 : i32
      %parallel_loop3A_462 = arith.addi %parallel_loop3A_460, %parallel_loop3A_461 : i32
      %parallel_loop3A_463 = arith.index_cast %parallel_loop3A_462 : i32 to index
      %parallel_loop3A_464 = arith.constant 0 : index
      %parallel_loop3A_465 = tpu.vector_load %arg7[%parallel_loop3A_463, %parallel_loop3A_464] {strides = array<i32>} : memref<400x64xf32, #tpu.memory_space<vmem>>, vector<16xf32>,
      %parallel_loop3A_466 = arith.addf %parallel_loop3A_458, %parallel_loop3A_465 : vector<16xf32>
      %parallel_loop3A_467 = arith.constant 1 : i32
      %parallel_loop3A_468 = arith.addi %parallel_loop3A_467, %parallel_loop3A_453 : i32
      %parallel_loop3A_469 = arith.index_cast %parallel_loop3A_468 : i32 to index
      %parallel_loop3A_470 = arith.constant 0 : index
      %parallel_loop3A_471 = tpu.vector_load %arg9[%parallel_loop3A_469, %parallel_loop3A_470] {strides = array<i32>} : memref<202x64xf32, #tpu.memory_space<vmem>>, vector<16xf32>,
      tpu.vector_store %arg9[%parallel_loop3A_469, %parallel_loop3A_470], %parallel_loop3A_466 {strides = array<i32>} : memref<202x64xf32, #tpu.memory_space<vmem>>, vector<16xf32>,
      %parallel_loop3A_472 = arith.constant 2 : i32
      %parallel_loop3A_473 = arith.muli %parallel_loop3A_472, %parallel_loop3A_453 : i32
      %parallel_loop3A_474 = arith.index_cast %parallel_loop3A_473 : i32 to index
      %parallel_loop3A_475 = arith.constant 16 : index
      %parallel_loop3A_476 = tpu.vector_load %arg7[%parallel_loop3A_474, %parallel_loop3A_475] {strides = array<i32>} : memref<400x64xf32, #tpu.memory_space<vmem>>, vector<16xf32>,
      %parallel_loop3A_477 = arith.constant 2 : i32
      %parallel_loop3A_478 = arith.muli %parallel_loop3A_477, %parallel_loop3A_453 : i32
      %parallel_loop3A_479 = arith.constant 1 : i32
      %parallel_loop3A_480 = arith.addi %parallel_loop3A_478, %parallel_loop3A_479 : i32
      %parallel_loop3A_481 = arith.index_cast %parallel_loop3A_480 : i32 to index
      %parallel_loop3A_482 = arith.constant 16 : index
      %parallel_loop3A_483 = tpu.vector_load %arg7[%parallel_loop3A_481, %parallel_loop3A_482] {strides = array<i32>} : memref<400x64xf32, #tpu.memory_space<vmem>>, vector<16xf32>,
      %parallel_loop3A_484 = arith.addf %parallel_loop3A_476, %parallel_loop3A_483 : vector<16xf32>
      %parallel_loop3A_485 = arith.constant 1 : i32
      %parallel_loop3A_486 = arith.addi %parallel_loop3A_485, %parallel_loop3A_453 : i32
      %parallel_loop3A_487 = arith.index_cast %parallel_loop3A_486 : i32 to index
      %parallel_loop3A_488 = arith.constant 16 : index
      %parallel_loop3A_489 = tpu.vector_load %arg9[%parallel_loop3A_487, %parallel_loop3A_488] {strides = array<i32>} : memref<202x64xf32, #tpu.memory_space<vmem>>, vector<16xf32>,
      tpu.vector_store %arg9[%parallel_loop3A_487, %parallel_loop3A_488], %parallel_loop3A_484 {strides = array<i32>} : memref<202x64xf32, #tpu.memory_space<vmem>>, vector<16xf32>,
      %parallel_loop3A_490 = arith.constant 2 : i32
      %parallel_loop3A_491 = arith.muli %parallel_loop3A_490, %parallel_loop3A_453 : i32
      %parallel_loop3A_492 = arith.index_cast %parallel_loop3A_491 : i32 to index
      %parallel_loop3A_493 = arith.constant 32 : index
      %parallel_loop3A_494 = tpu.vector_load %arg7[%parallel_loop3A_492, %parallel_loop3A_493] {strides = array<i32>} : memref<400x64xf32, #tpu.memory_space<vmem>>, vector<16xf32>,
      %parallel_loop3A_495 = arith.constant 2 : i32
      %parallel_loop3A_496 = arith.muli %parallel_loop3A_495, %parallel_loop3A_453 : i32
      %parallel_loop3A_497 = arith.constant 1 : i32
      %parallel_loop3A_498 = arith.addi %parallel_loop3A_496, %parallel_loop3A_497 : i32
      %parallel_loop3A_499 = arith.index_cast %parallel_loop3A_498 : i32 to index
      %parallel_loop3A_500 = arith.constant 32 : index
      %parallel_loop3A_501 = tpu.vector_load %arg7[%parallel_loop3A_499, %parallel_loop3A_500] {strides = array<i32>} : memref<400x64xf32, #tpu.memory_space<vmem>>, vector<16xf32>,
      %parallel_loop3A_502 = arith.addf %parallel_loop3A_494, %parallel_loop3A_501 : vector<16xf32>
      %parallel_loop3A_503 = arith.constant 1 : i32
      %parallel_loop3A_504 = arith.addi %parallel_loop3A_503, %parallel_loop3A_453 : i32
      %parallel_loop3A_505 = arith.index_cast %parallel_loop3A_504 : i32 to index
      %parallel_loop3A_506 = arith.constant 32 : index
      %parallel_loop3A_507 = tpu.vector_load %arg9[%parallel_loop3A_505, %parallel_loop3A_506] {strides = array<i32>} : memref<202x64xf32, #tpu.memory_space<vmem>>, vector<16xf32>,
      tpu.vector_store %arg9[%parallel_loop3A_505, %parallel_loop3A_506], %parallel_loop3A_502 {strides = array<i32>} : memref<202x64xf32, #tpu.memory_space<vmem>>, vector<16xf32>,
      %parallel_loop3A_508 = arith.constant 2 : i32
      %parallel_loop3A_509 = arith.muli %parallel_loop3A_508, %parallel_loop3A_453 : i32
      %parallel_loop3A_510 = arith.index_cast %parallel_loop3A_509 : i32 to index
      %parallel_loop3A_511 = arith.constant 48 : index
      %parallel_loop3A_512 = tpu.vector_load %arg7[%parallel_loop3A_510, %parallel_loop3A_511] {strides = array<i32>} : memref<400x64xf32, #tpu.memory_space<vmem>>, vector<16xf32>,
      %parallel_loop3A_513 = arith.constant 2 : i32
      %parallel_loop3A_514 = arith.muli %parallel_loop3A_513, %parallel_loop3A_453 : i32
      %parallel_loop3A_515 = arith.constant 1 : i32
      %parallel_loop3A_516 = arith.addi %parallel_loop3A_514, %parallel_loop3A_515 : i32
      %parallel_loop3A_517 = arith.index_cast %parallel_loop3A_516 : i32 to index
      %parallel_loop3A_518 = arith.constant 48 : index
      %parallel_loop3A_519 = tpu.vector_load %arg7[%parallel_loop3A_517, %parallel_loop3A_518] {strides = array<i32>} : memref<400x64xf32, #tpu.memory_space<vmem>>, vector<16xf32>,
      %parallel_loop3A_520 = arith.addf %parallel_loop3A_512, %parallel_loop3A_519 : vector<16xf32>
      %parallel_loop3A_521 = arith.constant 1 : i32
      %parallel_loop3A_522 = arith.addi %parallel_loop3A_521, %parallel_loop3A_453 : i32
      %parallel_loop3A_523 = arith.index_cast %parallel_loop3A_522 : i32 to index
      %parallel_loop3A_524 = arith.constant 48 : index
      %parallel_loop3A_525 = tpu.vector_load %arg9[%parallel_loop3A_523, %parallel_loop3A_524] {strides = array<i32>} : memref<202x64xf32, #tpu.memory_space<vmem>>, vector<16xf32>,
      tpu.vector_store %arg9[%parallel_loop3A_523, %parallel_loop3A_524], %parallel_loop3A_520 {strides = array<i32>} : memref<202x64xf32, #tpu.memory_space<vmem>>, vector<16xf32>,
    } {sc.loop_unroll_factor = 8 : i64, sc.parallel_access}
    %add3A_320 = arith.constant 0 : i32
    %add3A_321 = arith.addi %mul3A_2, %add3A_320 : i32
    %add3A_322 = arith.constant 1 : i32
    %add3A_323 = arith.addi %add3A_321, %add3A_322 : i32
    %dma_start3A_324 = arith.constant 0 : i32
    %dma_start3A_325 = arith.constant 0 : i32
    %dma_start3A_326 = tpu.memref_slice %arg4[%add3A_323, %dma_start3A_324, %dma_start3A_325] : memref<4096x202x64xf32, #tpu.memory_space<hbm>> -> memref<1x202x64xf32, #tpu.memory_space<hbm>>
    %dma_start3A_327 = tpu.memref_squeeze %dma_start3A_326 : memref<1x202x64xf32, #tpu.memory_space<hbm>> -> memref<202x64xf32, #tpu.memory_space<hbm>>
    %dma_start3A_328 = arith.constant 0 : i32
    %dma_start3A_329 = arith.constant 0 : i32
    %dma_start3A_330 = tpu.memref_slice %arg4[%add3A_323, %dma_start3A_328, %dma_start3A_329] : memref<4096x202x64xf32, #tpu.memory_space<hbm>> -> memref<1x202x64xf32, #tpu.memory_space<hbm>>
    %dma_start3A_331 = tpu.memref_squeeze %dma_start3A_330 : memref<1x202x64xf32, #tpu.memory_space<hbm>> -> memref<202x64xf32, #tpu.memory_space<hbm>>
    tpu.enqueue_dma source(%arg9 : memref<202x64xf32, #tpu.memory_space<vmem>>) target(%dma_start3A_331 : memref<202x64xf32, #tpu.memory_space<hbm>>) target_semaphore(%arg14 : memref<!tpu.dma_semaphore, #tpu.memory_space<semaphore_mem>>)
    %scan3A = arith.constant 0 : i32
    %scan3A_332 = arith.constant 1 : i32
    %scan3A_333 = arith.constant 62 : i32
    %scan3A_334 = arith.addi %scan3A_332, %scan3A_333 : i32
    %scan3A_335 = arith.constant 1 : i32
    scf.for %scan3A_453 = %scan3A_332 to %scan3A_334 step %scan3A_335  : i32 {
      %mul3A_454 = arith.constant 2 : i32
      %mul3A_455 = arith.muli %mul3A_454, %scan3A_453 : i32
      %dma_wait3A_456 = arith.constant 0 : i32
      %dma_wait3A_457 = arith.constant 0 : i32
      %dma_wait3A_458 = tpu.memref_slice %arg3[%dma_wait3A_456, %dma_wait3A_457] : memref<1000000x64xf32, #tpu.memory_space<hbm>> -> memref<400x64xf32, #tpu.memory_space<hbm>>
      %dma_wait3A_459 = arith.constant 0 : i32
      %dma_wait3A_460 = arith.constant 0 : i32
      %dma_wait3A_461 = tpu.memref_slice %arg3[%dma_wait3A_459, %dma_wait3A_460] : memref<1000000x64xf32, #tpu.memory_space<hbm>> -> memref<400x64xf32, #tpu.memory_space<hbm>>
      tpu.wait_dma2 semaphore(%arg11 : memref<!tpu.dma_semaphore, #tpu.memory_space<semaphore_mem>>) src(%dma_wait3A_461 : memref<400x64xf32, #tpu.memory_space<hbm>>) dst(%arg6 : memref<400x64xf32, #tpu.memory_space<vmem>>)
      %add3A_462 = arith.constant 1 : i32
      %add3A_463 = arith.addi %mul3A_455, %add3A_462 : i32
      %dma_start3A_464 = arith.constant 0 : i32
      %dma_start3A_465 = arith.constant 0 : i32
      %dma_start3A_466 = arith.constant 0 : i32
      %dma_start3A_467 = tpu.memref_slice %arg7[%dma_start3A_465, %dma_start3A_466] : memref<400x64xf32, #tpu.memory_space<vmem>> -> memref<100x64xf32, #tpu.memory_space<vmem>>
      %dma_start3A_468 = arith.constant 0 : i32
      %dma_start3A_469 = tpu.memref_slice %arg5[%add3A_463, %dma_start3A_464, %dma_start3A_468] : memref<128x4x100xi32, #tpu.memory_space<vmem>> -> memref<1x1x100xi32, #tpu.memory_space<vmem>>
      %dma_start3A_470 = tpu.memref_squeeze %dma_start3A_469 : memref<1x1x100xi32, #tpu.memory_space<vmem>> -> memref<100xi32, #tpu.memory_space<vmem>>
      %dma_start3A_471 = arith.constant 0 : i32
      %dma_start3A_472 = arith.constant 0 : i32
      %dma_start3A_473 = tpu.memref_slice %arg3[%dma_start3A_471, %dma_start3A_472] : memref<1000000x64xf32, #tpu.memory_space<hbm>> -> memref<1000000x64xf32, #tpu.memory_space<hbm>>
      tpu.enqueue_indirect_dma source(%dma_start3A_473 : memref<1000000x64xf32, #tpu.memory_space<hbm>>) target(%dma_start3A_467 : memref<100x64xf32, #tpu.memory_space<vmem>>) offsets(%dma_start3A_470 : memref<100xi32, #tpu.memory_space<vmem>>) semaphore(%arg12 : memref<!tpu.dma_semaphore, #tpu.memory_space<semaphore_mem>>)
      %dma_start3A_474 = arith.constant 1 : i32
      %dma_start3A_475 = arith.constant 100 : i32
      %dma_start3A_476 = arith.constant 0 : i32
      %dma_start3A_477 = tpu.memref_slice %arg7[%dma_start3A_475, %dma_start3A_476] : memref<400x64xf32, #tpu.memory_space<vmem>> -> memref<100x64xf32, #tpu.memory_space<vmem>>
      %dma_start3A_478 = arith.constant 0 : i32
      %dma_start3A_479 = tpu.memref_slice %arg5[%add3A_463, %dma_start3A_474, %dma_start3A_478] : memref<128x4x100xi32, #tpu.memory_space<vmem>> -> memref<1x1x100xi32, #tpu.memory_space<vmem>>
      %dma_start3A_480 = tpu.memref_squeeze %dma_start3A_479 : memref<1x1x100xi32, #tpu.memory_space<vmem>> -> memref<100xi32, #tpu.memory_space<vmem>>
      %dma_start3A_481 = arith.constant 0 : i32
      %dma_start3A_482 = arith.constant 0 : i32
      %dma_start3A_483 = tpu.memref_slice %arg3[%dma_start3A_481, %dma_start3A_482] : memref<1000000x64xf32, #tpu.memory_space<hbm>> -> memref<1000000x64xf32, #tpu.memory_space<hbm>>
      tpu.enqueue_indirect_dma source(%dma_start3A_483 : memref<1000000x64xf32, #tpu.memory_space<hbm>>) target(%dma_start3A_477 : memref<100x64xf32, #tpu.memory_space<vmem>>) offsets(%dma_start3A_480 : memref<100xi32, #tpu.memory_space<vmem>>) semaphore(%arg12 : memref<!tpu.dma_semaphore, #tpu.memory_space<semaphore_mem>>)
      %dma_start3A_484 = arith.constant 2 : i32
      %dma_start3A_485 = arith.constant 200 : i32
      %dma_start3A_486 = arith.constant 0 : i32
      %dma_start3A_487 = tpu.memref_slice %arg7[%dma_start3A_485, %dma_start3A_486] : memref<400x64xf32, #tpu.memory_space<vmem>> -> memref<100x64xf32, #tpu.memory_space<vmem>>
      %dma_start3A_488 = arith.constant 0 : i32
      %dma_start3A_489 = tpu.memref_slice %arg5[%add3A_463, %dma_start3A_484, %dma_start3A_488] : memref<128x4x100xi32, #tpu.memory_space<vmem>> -> memref<1x1x100xi32, #tpu.memory_space<vmem>>
      %dma_start3A_490 = tpu.memref_squeeze %dma_start3A_489 : memref<1x1x100xi32, #tpu.memory_space<vmem>> -> memref<100xi32, #tpu.memory_space<vmem>>
      %dma_start3A_491 = arith.constant 0 : i32
      %dma_start3A_492 = arith.constant 0 : i32
      %dma_start3A_493 = tpu.memref_slice %arg3[%dma_start3A_491, %dma_start3A_492] : memref<1000000x64xf32, #tpu.memory_space<hbm>> -> memref<1000000x64xf32, #tpu.memory_space<hbm>>
      tpu.enqueue_indirect_dma source(%dma_start3A_493 : memref<1000000x64xf32, #tpu.memory_space<hbm>>) target(%dma_start3A_487 : memref<100x64xf32, #tpu.memory_space<vmem>>) offsets(%dma_start3A_490 : memref<100xi32, #tpu.memory_space<vmem>>) semaphore(%arg12 : memref<!tpu.dma_semaphore, #tpu.memory_space<semaphore_mem>>)
      %dma_start3A_494 = arith.constant 3 : i32
      %dma_start3A_495 = arith.constant 300 : i32
      %dma_start3A_496 = arith.constant 0 : i32
      %dma_start3A_497 = tpu.memref_slice %arg7[%dma_start3A_495, %dma_start3A_496] : memref<400x64xf32, #tpu.memory_space<vmem>> -> memref<100x64xf32, #tpu.memory_space<vmem>>
      %dma_start3A_498 = arith.constant 0 : i32
      %dma_start3A_499 = tpu.memref_slice %arg5[%add3A_463, %dma_start3A_494, %dma_start3A_498] : memref<128x4x100xi32, #tpu.memory_space<vmem>> -> memref<1x1x100xi32, #tpu.memory_space<vmem>>
      %dma_start3A_500 = tpu.memref_squeeze %dma_start3A_499 : memref<1x1x100xi32, #tpu.memory_space<vmem>> -> memref<100xi32, #tpu.memory_space<vmem>>
      %dma_start3A_501 = arith.constant 0 : i32
      %dma_start3A_502 = arith.constant 0 : i32
      %dma_start3A_503 = tpu.memref_slice %arg3[%dma_start3A_501, %dma_start3A_502] : memref<1000000x64xf32, #tpu.memory_space<hbm>> -> memref<1000000x64xf32, #tpu.memory_space<hbm>>
      tpu.enqueue_indirect_dma source(%dma_start3A_503 : memref<1000000x64xf32, #tpu.memory_space<hbm>>) target(%dma_start3A_497 : memref<100x64xf32, #tpu.memory_space<vmem>>) offsets(%dma_start3A_500 : memref<100xi32, #tpu.memory_space<vmem>>) semaphore(%arg12 : memref<!tpu.dma_semaphore, #tpu.memory_space<semaphore_mem>>)
      %dma_wait3A_504 = arith.constant 0 : i32
      %dma_wait3A_505 = arith.constant 0 : i32
      %dma_wait3A_506 = tpu.memref_slice %arg4[%mul3A_2, %dma_wait3A_504, %dma_wait3A_505] : memref<4096x202x64xf32, #tpu.memory_space<hbm>> -> memref<1x202x64xf32, #tpu.memory_space<hbm>>
      %dma_wait3A_507 = tpu.memref_squeeze %dma_wait3A_506 : memref<1x202x64xf32, #tpu.memory_space<hbm>> -> memref<202x64xf32, #tpu.memory_space<hbm>>
      %dma_wait3A_508 = arith.constant 0 : i32
      %dma_wait3A_509 = arith.constant 0 : i32
      %dma_wait3A_510 = tpu.memref_slice %arg4[%mul3A_2, %dma_wait3A_508, %dma_wait3A_509] : memref<4096x202x64xf32, #tpu.memory_space<hbm>> -> memref<1x202x64xf32, #tpu.memory_space<hbm>>
      %dma_wait3A_511 = tpu.memref_squeeze %dma_wait3A_510 : memref<1x202x64xf32, #tpu.memory_space<hbm>> -> memref<202x64xf32, #tpu.memory_space<hbm>>
      tpu.wait_dma2 semaphore(%arg13 : memref<!tpu.dma_semaphore, #tpu.memory_space<semaphore_mem>>) src(%arg8 : memref<202x64xf32, #tpu.memory_space<vmem>>) dst(%dma_wait3A_511 : memref<202x64xf32, #tpu.memory_space<hbm>>)
      %parallel_loop3A_512 = arith.constant 0 : i32
      %parallel_loop3A_513 = arith.constant 200 : i32
      %parallel_loop3A_514 = arith.constant 1 : i32
      scf.for %parallel_loop3A_594 = %parallel_loop3A_512 to %parallel_loop3A_513 step %parallel_loop3A_514  : i32 {
        %parallel_loop3A_595 = arith.constant 2 : i32
        %parallel_loop3A_596 = arith.muli %parallel_loop3A_595, %parallel_loop3A_594 : i32
        %parallel_loop3A_597 = arith.index_cast %parallel_loop3A_596 : i32 to index
        %parallel_loop3A_598 = arith.constant 0 : index
        %parallel_loop3A_599 = tpu.vector_load %arg6[%parallel_loop3A_597, %parallel_loop3A_598] {strides = array<i32>} : memref<400x64xf32, #tpu.memory_space<vmem>>, vector<16xf32>,
        %parallel_loop3A_600 = arith.constant 2 : i32
        %parallel_loop3A_601 = arith.muli %parallel_loop3A_600, %parallel_loop3A_594 : i32
        %parallel_loop3A_602 = arith.constant 1 : i32
        %parallel_loop3A_603 = arith.addi %parallel_loop3A_601, %parallel_loop3A_602 : i32
        %parallel_loop3A_604 = arith.index_cast %parallel_loop3A_603 : i32 to index
        %parallel_loop3A_605 = arith.constant 0 : index
        %parallel_loop3A_606 = tpu.vector_load %arg6[%parallel_loop3A_604, %parallel_loop3A_605] {strides = array<i32>} : memref<400x64xf32, #tpu.memory_space<vmem>>, vector<16xf32>,
        %parallel_loop3A_607 = arith.addf %parallel_loop3A_599, %parallel_loop3A_606 : vector<16xf32>
        %parallel_loop3A_608 = arith.constant 1 : i32
        %parallel_loop3A_609 = arith.addi %parallel_loop3A_608, %parallel_loop3A_594 : i32
        %parallel_loop3A_610 = arith.index_cast %parallel_loop3A_609 : i32 to index
        %parallel_loop3A_611 = arith.constant 0 : index
        %parallel_loop3A_612 = tpu.vector_load %arg8[%parallel_loop3A_610, %parallel_loop3A_611] {strides = array<i32>} : memref<202x64xf32, #tpu.memory_space<vmem>>, vector<16xf32>,
        tpu.vector_store %arg8[%parallel_loop3A_610, %parallel_loop3A_611], %parallel_loop3A_607 {strides = array<i32>} : memref<202x64xf32, #tpu.memory_space<vmem>>, vector<16xf32>,
        %parallel_loop3A_613 = arith.constant 2 : i32
        %parallel_loop3A_614 = arith.muli %parallel_loop3A_613, %parallel_loop3A_594 : i32
        %parallel_loop3A_615 = arith.index_cast %parallel_loop3A_614 : i32 to index
        %parallel_loop3A_616 = arith.constant 16 : index
        %parallel_loop3A_617 = tpu.vector_load %arg6[%parallel_loop3A_615, %parallel_loop3A_616] {strides = array<i32>} : memref<400x64xf32, #tpu.memory_space<vmem>>, vector<16xf32>,
        %parallel_loop3A_618 = arith.constant 2 : i32
        %parallel_loop3A_619 = arith.muli %parallel_loop3A_618, %parallel_loop3A_594 : i32
        %parallel_loop3A_620 = arith.constant 1 : i32
        %parallel_loop3A_621 = arith.addi %parallel_loop3A_619, %parallel_loop3A_620 : i32
        %parallel_loop3A_622 = arith.index_cast %parallel_loop3A_621 : i32 to index
        %parallel_loop3A_623 = arith.constant 16 : index
        %parallel_loop3A_624 = tpu.vector_load %arg6[%parallel_loop3A_622, %parallel_loop3A_623] {strides = array<i32>} : memref<400x64xf32, #tpu.memory_space<vmem>>, vector<16xf32>,
        %parallel_loop3A_625 = arith.addf %parallel_loop3A_617, %parallel_loop3A_624 : vector<16xf32>
        %parallel_loop3A_626 = arith.constant 1 : i32
        %parallel_loop3A_627 = arith.addi %parallel_loop3A_626, %parallel_loop3A_594 : i32
        %parallel_loop3A_628 = arith.index_cast %parallel_loop3A_627 : i32 to index
        %parallel_loop3A_629 = arith.constant 16 : index
        %parallel_loop3A_630 = tpu.vector_load %arg8[%parallel_loop3A_628, %parallel_loop3A_629] {strides = array<i32>} : memref<202x64xf32, #tpu.memory_space<vmem>>, vector<16xf32>,
        tpu.vector_store %arg8[%parallel_loop3A_628, %parallel_loop3A_629], %parallel_loop3A_625 {strides = array<i32>} : memref<202x64xf32, #tpu.memory_space<vmem>>, vector<16xf32>,
        %parallel_loop3A_631 = arith.constant 2 : i32
        %parallel_loop3A_632 = arith.muli %parallel_loop3A_631, %parallel_loop3A_594 : i32
        %parallel_loop3A_633 = arith.index_cast %parallel_loop3A_632 : i32 to index
        %parallel_loop3A_634 = arith.constant 32 : index
        %parallel_loop3A_635 = tpu.vector_load %arg6[%parallel_loop3A_633, %parallel_loop3A_634] {strides = array<i32>} : memref<400x64xf32, #tpu.memory_space<vmem>>, vector<16xf32>,
        %parallel_loop3A_636 = arith.constant 2 : i32
        %parallel_loop3A_637 = arith.muli %parallel_loop3A_636, %parallel_loop3A_594 : i32
        %parallel_loop3A_638 = arith.constant 1 : i32
        %parallel_loop3A_639 = arith.addi %parallel_loop3A_637, %parallel_loop3A_638 : i32
        %parallel_loop3A_640 = arith.index_cast %parallel_loop3A_639 : i32 to index
        %parallel_loop3A_641 = arith.constant 32 : index
        %parallel_loop3A_642 = tpu.vector_load %arg6[%parallel_loop3A_640, %parallel_loop3A_641] {strides = array<i32>} : memref<400x64xf32, #tpu.memory_space<vmem>>, vector<16xf32>,
        %parallel_loop3A_643 = arith.addf %parallel_loop3A_635, %parallel_loop3A_642 : vector<16xf32>
        %parallel_loop3A_644 = arith.constant 1 : i32
        %parallel_loop3A_645 = arith.addi %parallel_loop3A_644, %parallel_loop3A_594 : i32
        %parallel_loop3A_646 = arith.index_cast %parallel_loop3A_645 : i32 to index
        %parallel_loop3A_647 = arith.constant 32 : index
        %parallel_loop3A_648 = tpu.vector_load %arg8[%parallel_loop3A_646, %parallel_loop3A_647] {strides = array<i32>} : memref<202x64xf32, #tpu.memory_space<vmem>>, vector<16xf32>,
        tpu.vector_store %arg8[%parallel_loop3A_646, %parallel_loop3A_647], %parallel_loop3A_643 {strides = array<i32>} : memref<202x64xf32, #tpu.memory_space<vmem>>, vector<16xf32>,
        %parallel_loop3A_649 = arith.constant 2 : i32
        %parallel_loop3A_650 = arith.muli %parallel_loop3A_649, %parallel_loop3A_594 : i32
        %parallel_loop3A_651 = arith.index_cast %parallel_loop3A_650 : i32 to index
        %parallel_loop3A_652 = arith.constant 48 : index
        %parallel_loop3A_653 = tpu.vector_load %arg6[%parallel_loop3A_651, %parallel_loop3A_652] {strides = array<i32>} : memref<400x64xf32, #tpu.memory_space<vmem>>, vector<16xf32>,
        %parallel_loop3A_654 = arith.constant 2 : i32
        %parallel_loop3A_655 = arith.muli %parallel_loop3A_654, %parallel_loop3A_594 : i32
        %parallel_loop3A_656 = arith.constant 1 : i32
        %parallel_loop3A_657 = arith.addi %parallel_loop3A_655, %parallel_loop3A_656 : i32
        %parallel_loop3A_658 = arith.index_cast %parallel_loop3A_657 : i32 to index
        %parallel_loop3A_659 = arith.constant 48 : index
        %parallel_loop3A_660 = tpu.vector_load %arg6[%parallel_loop3A_658, %parallel_loop3A_659] {strides = array<i32>} : memref<400x64xf32, #tpu.memory_space<vmem>>, vector<16xf32>,
        %parallel_loop3A_661 = arith.addf %parallel_loop3A_653, %parallel_loop3A_660 : vector<16xf32>
        %parallel_loop3A_662 = arith.constant 1 : i32
        %parallel_loop3A_663 = arith.addi %parallel_loop3A_662, %parallel_loop3A_594 : i32
        %parallel_loop3A_664 = arith.index_cast %parallel_loop3A_663 : i32 to index
        %parallel_loop3A_665 = arith.constant 48 : index
        %parallel_loop3A_666 = tpu.vector_load %arg8[%parallel_loop3A_664, %parallel_loop3A_665] {strides = array<i32>} : memref<202x64xf32, #tpu.memory_space<vmem>>, vector<16xf32>,
        tpu.vector_store %arg8[%parallel_loop3A_664, %parallel_loop3A_665], %parallel_loop3A_661 {strides = array<i32>} : memref<202x64xf32, #tpu.memory_space<vmem>>, vector<16xf32>,
      } {sc.loop_unroll_factor = 8 : i64, sc.parallel_access}
      %add3A_515 = arith.addi %mul3A_2, %mul3A_455 : i32
      %dma_start3A_516 = arith.constant 0 : i32
      %dma_start3A_517 = arith.constant 0 : i32
      %dma_start3A_518 = tpu.memref_slice %arg4[%add3A_515, %dma_start3A_516, %dma_start3A_517] : memref<4096x202x64xf32, #tpu.memory_space<hbm>> -> memref<1x202x64xf32, #tpu.memory_space<hbm>>
      %dma_start3A_519 = tpu.memref_squeeze %dma_start3A_518 : memref<1x202x64xf32, #tpu.memory_space<hbm>> -> memref<202x64xf32, #tpu.memory_space<hbm>>
      %dma_start3A_520 = arith.constant 0 : i32
      %dma_start3A_521 = arith.constant 0 : i32
      %dma_start3A_522 = tpu.memref_slice %arg4[%add3A_515, %dma_start3A_520, %dma_start3A_521] : memref<4096x202x64xf32, #tpu.memory_space<hbm>> -> memref<1x202x64xf32, #tpu.memory_space<hbm>>
      %dma_start3A_523 = tpu.memref_squeeze %dma_start3A_522 : memref<1x202x64xf32, #tpu.memory_space<hbm>> -> memref<202x64xf32, #tpu.memory_space<hbm>>
      tpu.enqueue_dma source(%arg8 : memref<202x64xf32, #tpu.memory_space<vmem>>) target(%dma_start3A_523 : memref<202x64xf32, #tpu.memory_space<hbm>>) target_semaphore(%arg13 : memref<!tpu.dma_semaphore, #tpu.memory_space<semaphore_mem>>)
      %dma_wait3A_524 = arith.constant 0 : i32
      %dma_wait3A_525 = arith.constant 0 : i32
      %dma_wait3A_526 = tpu.memref_slice %arg3[%dma_wait3A_524, %dma_wait3A_525] : memref<1000000x64xf32, #tpu.memory_space<hbm>> -> memref<400x64xf32, #tpu.memory_space<hbm>>
      %dma_wait3A_527 = arith.constant 0 : i32
      %dma_wait3A_528 = arith.constant 0 : i32
      %dma_wait3A_529 = tpu.memref_slice %arg3[%dma_wait3A_527, %dma_wait3A_528] : memref<1000000x64xf32, #tpu.memory_space<hbm>> -> memref<400x64xf32, #tpu.memory_space<hbm>>
      tpu.wait_dma2 semaphore(%arg12 : memref<!tpu.dma_semaphore, #tpu.memory_space<semaphore_mem>>) src(%dma_wait3A_529 : memref<400x64xf32, #tpu.memory_space<hbm>>) dst(%arg7 : memref<400x64xf32, #tpu.memory_space<vmem>>)
      %add3A_530 = arith.constant 2 : i32
      %add3A_531 = arith.addi %mul3A_455, %add3A_530 : i32
      %dma_start3A_532 = arith.constant 0 : i32
      %dma_start3A_533 = arith.constant 0 : i32
      %dma_start3A_534 = arith.constant 0 : i32
      %dma_start3A_535 = tpu.memref_slice %arg6[%dma_start3A_533, %dma_start3A_534] : memref<400x64xf32, #tpu.memory_space<vmem>> -> memref<100x64xf32, #tpu.memory_space<vmem>>
      %dma_start3A_536 = arith.constant 0 : i32
      %dma_start3A_537 = tpu.memref_slice %arg5[%add3A_531, %dma_start3A_532, %dma_start3A_536] : memref<128x4x100xi32, #tpu.memory_space<vmem>> -> memref<1x1x100xi32, #tpu.memory_space<vmem>>
      %dma_start3A_538 = tpu.memref_squeeze %dma_start3A_537 : memref<1x1x100xi32, #tpu.memory_space<vmem>> -> memref<100xi32, #tpu.memory_space<vmem>>
      %dma_start3A_539 = arith.constant 0 : i32
      %dma_start3A_540 = arith.constant 0 : i32
      %dma_start3A_541 = tpu.memref_slice %arg3[%dma_start3A_539, %dma_start3A_540] : memref<1000000x64xf32, #tpu.memory_space<hbm>> -> memref<1000000x64xf32, #tpu.memory_space<hbm>>
      tpu.enqueue_indirect_dma source(%dma_start3A_541 : memref<1000000x64xf32, #tpu.memory_space<hbm>>) target(%dma_start3A_535 : memref<100x64xf32, #tpu.memory_space<vmem>>) offsets(%dma_start3A_538 : memref<100xi32, #tpu.memory_space<vmem>>) semaphore(%arg11 : memref<!tpu.dma_semaphore, #tpu.memory_space<semaphore_mem>>)
      %dma_start3A_542 = arith.constant 1 : i32
      %dma_start3A_543 = arith.constant 100 : i32
      %dma_start3A_544 = arith.constant 0 : i32
      %dma_start3A_545 = tpu.memref_slice %arg6[%dma_start3A_543, %dma_start3A_544] : memref<400x64xf32, #tpu.memory_space<vmem>> -> memref<100x64xf32, #tpu.memory_space<vmem>>
      %dma_start3A_546 = arith.constant 0 : i32
      %dma_start3A_547 = tpu.memref_slice %arg5[%add3A_531, %dma_start3A_542, %dma_start3A_546] : memref<128x4x100xi32, #tpu.memory_space<vmem>> -> memref<1x1x100xi32, #tpu.memory_space<vmem>>
      %dma_start3A_548 = tpu.memref_squeeze %dma_start3A_547 : memref<1x1x100xi32, #tpu.memory_space<vmem>> -> memref<100xi32, #tpu.memory_space<vmem>>
      %dma_start3A_549 = arith.constant 0 : i32
      %dma_start3A_550 = arith.constant 0 : i32
      %dma_start3A_551 = tpu.memref_slice %arg3[%dma_start3A_549, %dma_start3A_550] : memref<1000000x64xf32, #tpu.memory_space<hbm>> -> memref<1000000x64xf32, #tpu.memory_space<hbm>>
      tpu.enqueue_indirect_dma source(%dma_start3A_551 : memref<1000000x64xf32, #tpu.memory_space<hbm>>) target(%dma_start3A_545 : memref<100x64xf32, #tpu.memory_space<vmem>>) offsets(%dma_start3A_548 : memref<100xi32, #tpu.memory_space<vmem>>) semaphore(%arg11 : memref<!tpu.dma_semaphore, #tpu.memory_space<semaphore_mem>>)
      %dma_start3A_552 = arith.constant 2 : i32
      %dma_start3A_553 = arith.constant 200 : i32
      %dma_start3A_554 = arith.constant 0 : i32
      %dma_start3A_555 = tpu.memref_slice %arg6[%dma_start3A_553, %dma_start3A_554] : memref<400x64xf32, #tpu.memory_space<vmem>> -> memref<100x64xf32, #tpu.memory_space<vmem>>
      %dma_start3A_556 = arith.constant 0 : i32
      %dma_start3A_557 = tpu.memref_slice %arg5[%add3A_531, %dma_start3A_552, %dma_start3A_556] : memref<128x4x100xi32, #tpu.memory_space<vmem>> -> memref<1x1x100xi32, #tpu.memory_space<vmem>>
      %dma_start3A_558 = tpu.memref_squeeze %dma_start3A_557 : memref<1x1x100xi32, #tpu.memory_space<vmem>> -> memref<100xi32, #tpu.memory_space<vmem>>
      %dma_start3A_559 = arith.constant 0 : i32
      %dma_start3A_560 = arith.constant 0 : i32
      %dma_start3A_561 = tpu.memref_slice %arg3[%dma_start3A_559, %dma_start3A_560] : memref<1000000x64xf32, #tpu.memory_space<hbm>> -> memref<1000000x64xf32, #tpu.memory_space<hbm>>
      tpu.enqueue_indirect_dma source(%dma_start3A_561 : memref<1000000x64xf32, #tpu.memory_space<hbm>>) target(%dma_start3A_555 : memref<100x64xf32, #tpu.memory_space<vmem>>) offsets(%dma_start3A_558 : memref<100xi32, #tpu.memory_space<vmem>>) semaphore(%arg11 : memref<!tpu.dma_semaphore, #tpu.memory_space<semaphore_mem>>)
      %dma_start3A_562 = arith.constant 3 : i32
      %dma_start3A_563 = arith.constant 300 : i32
      %dma_start3A_564 = arith.constant 0 : i32
      %dma_start3A_565 = tpu.memref_slice %arg6[%dma_start3A_563, %dma_start3A_564] : memref<400x64xf32, #tpu.memory_space<vmem>> -> memref<100x64xf32, #tpu.memory_space<vmem>>
      %dma_start3A_566 = arith.constant 0 : i32
      %dma_start3A_567 = tpu.memref_slice %arg5[%add3A_531, %dma_start3A_562, %dma_start3A_566] : memref<128x4x100xi32, #tpu.memory_space<vmem>> -> memref<1x1x100xi32, #tpu.memory_space<vmem>>
      %dma_start3A_568 = tpu.memref_squeeze %dma_start3A_567 : memref<1x1x100xi32, #tpu.memory_space<vmem>> -> memref<100xi32, #tpu.memory_space<vmem>>
      %dma_start3A_569 = arith.constant 0 : i32
      %dma_start3A_570 = arith.constant 0 : i32
      %dma_start3A_571 = tpu.memref_slice %arg3[%dma_start3A_569, %dma_start3A_570] : memref<1000000x64xf32, #tpu.memory_space<hbm>> -> memref<1000000x64xf32, #tpu.memory_space<hbm>>
      tpu.enqueue_indirect_dma source(%dma_start3A_571 : memref<1000000x64xf32, #tpu.memory_space<hbm>>) target(%dma_start3A_565 : memref<100x64xf32, #tpu.memory_space<vmem>>) offsets(%dma_start3A_568 : memref<100xi32, #tpu.memory_space<vmem>>) semaphore(%arg11 : memref<!tpu.dma_semaphore, #tpu.memory_space<semaphore_mem>>)
      %dma_wait3A_572 = arith.constant 0 : i32
      %dma_wait3A_573 = arith.constant 0 : i32
      %dma_wait3A_574 = tpu.memref_slice %arg4[%mul3A_2, %dma_wait3A_572, %dma_wait3A_573] : memref<4096x202x64xf32, #tpu.memory_space<hbm>> -> memref<1x202x64xf32, #tpu.memory_space<hbm>>
      %dma_wait3A_575 = tpu.memref_squeeze %dma_wait3A_574 : memref<1x202x64xf32, #tpu.memory_space<hbm>> -> memref<202x64xf32, #tpu.memory_space<hbm>>
      %dma_wait3A_576 = arith.constant 0 : i32
      %dma_wait3A_577 = arith.constant 0 : i32
      %dma_wait3A_578 = tpu.memref_slice %arg4[%mul3A_2, %dma_wait3A_576, %dma_wait3A_577] : memref<4096x202x64xf32, #tpu.memory_space<hbm>> -> memref<1x202x64xf32, #tpu.memory_space<hbm>>
      %dma_wait3A_579 = tpu.memref_squeeze %dma_wait3A_578 : memref<1x202x64xf32, #tpu.memory_space<hbm>> -> memref<202x64xf32, #tpu.memory_space<hbm>>
      tpu.wait_dma2 semaphore(%arg14 : memref<!tpu.dma_semaphore, #tpu.memory_space<semaphore_mem>>) src(%arg9 : memref<202x64xf32, #tpu.memory_space<vmem>>) dst(%dma_wait3A_579 : memref<202x64xf32, #tpu.memory_space<hbm>>)
      %parallel_loop3A_580 = arith.constant 0 : i32
      %parallel_loop3A_581 = arith.constant 200 : i32
      %parallel_loop3A_582 = arith.constant 1 : i32
      scf.for %parallel_loop3A_594 = %parallel_loop3A_580 to %parallel_loop3A_581 step %parallel_loop3A_582  : i32 {
        %parallel_loop3A_595 = arith.constant 2 : i32
        %parallel_loop3A_596 = arith.muli %parallel_loop3A_595, %parallel_loop3A_594 : i32
        %parallel_loop3A_597 = arith.index_cast %parallel_loop3A_596 : i32 to index
        %parallel_loop3A_598 = arith.constant 0 : index
        %parallel_loop3A_599 = tpu.vector_load %arg7[%parallel_loop3A_597, %parallel_loop3A_598] {strides = array<i32>} : memref<400x64xf32, #tpu.memory_space<vmem>>, vector<16xf32>,
        %parallel_loop3A_600 = arith.constant 2 : i32
        %parallel_loop3A_601 = arith.muli %parallel_loop3A_600, %parallel_loop3A_594 : i32
        %parallel_loop3A_602 = arith.constant 1 : i32
        %parallel_loop3A_603 = arith.addi %parallel_loop3A_601, %parallel_loop3A_602 : i32
        %parallel_loop3A_604 = arith.index_cast %parallel_loop3A_603 : i32 to index
        %parallel_loop3A_605 = arith.constant 0 : index
        %parallel_loop3A_606 = tpu.vector_load %arg7[%parallel_loop3A_604, %parallel_loop3A_605] {strides = array<i32>} : memref<400x64xf32, #tpu.memory_space<vmem>>, vector<16xf32>,
        %parallel_loop3A_607 = arith.addf %parallel_loop3A_599, %parallel_loop3A_606 : vector<16xf32>
        %parallel_loop3A_608 = arith.constant 1 : i32
        %parallel_loop3A_609 = arith.addi %parallel_loop3A_608, %parallel_loop3A_594 : i32
        %parallel_loop3A_610 = arith.index_cast %parallel_loop3A_609 : i32 to index
        %parallel_loop3A_611 = arith.constant 0 : index
        %parallel_loop3A_612 = tpu.vector_load %arg9[%parallel_loop3A_610, %parallel_loop3A_611] {strides = array<i32>} : memref<202x64xf32, #tpu.memory_space<vmem>>, vector<16xf32>,
        tpu.vector_store %arg9[%parallel_loop3A_610, %parallel_loop3A_611], %parallel_loop3A_607 {strides = array<i32>} : memref<202x64xf32, #tpu.memory_space<vmem>>, vector<16xf32>,
        %parallel_loop3A_613 = arith.constant 2 : i32
        %parallel_loop3A_614 = arith.muli %parallel_loop3A_613, %parallel_loop3A_594 : i32
        %parallel_loop3A_615 = arith.index_cast %parallel_loop3A_614 : i32 to index
        %parallel_loop3A_616 = arith.constant 16 : index
        %parallel_loop3A_617 = tpu.vector_load %arg7[%parallel_loop3A_615, %parallel_loop3A_616] {strides = array<i32>} : memref<400x64xf32, #tpu.memory_space<vmem>>, vector<16xf32>,
        %parallel_loop3A_618 = arith.constant 2 : i32
        %parallel_loop3A_619 = arith.muli %parallel_loop3A_618, %parallel_loop3A_594 : i32
        %parallel_loop3A_620 = arith.constant 1 : i32
        %parallel_loop3A_621 = arith.addi %parallel_loop3A_619, %parallel_loop3A_620 : i32
        %parallel_loop3A_622 = arith.index_cast %parallel_loop3A_621 : i32 to index
        %parallel_loop3A_623 = arith.constant 16 : index
        %parallel_loop3A_624 = tpu.vector_load %arg7[%parallel_loop3A_622, %parallel_loop3A_623] {strides = array<i32>} : memref<400x64xf32, #tpu.memory_space<vmem>>, vector<16xf32>,
        %parallel_loop3A_625 = arith.addf %parallel_loop3A_617, %parallel_loop3A_624 : vector<16xf32>
        %parallel_loop3A_626 = arith.constant 1 : i32
        %parallel_loop3A_627 = arith.addi %parallel_loop3A_626, %parallel_loop3A_594 : i32
        %parallel_loop3A_628 = arith.index_cast %parallel_loop3A_627 : i32 to index
        %parallel_loop3A_629 = arith.constant 16 : index
        %parallel_loop3A_630 = tpu.vector_load %arg9[%parallel_loop3A_628, %parallel_loop3A_629] {strides = array<i32>} : memref<202x64xf32, #tpu.memory_space<vmem>>, vector<16xf32>,
        tpu.vector_store %arg9[%parallel_loop3A_628, %parallel_loop3A_629], %parallel_loop3A_625 {strides = array<i32>} : memref<202x64xf32, #tpu.memory_space<vmem>>, vector<16xf32>,
        %parallel_loop3A_631 = arith.constant 2 : i32
        %parallel_loop3A_632 = arith.muli %parallel_loop3A_631, %parallel_loop3A_594 : i32
        %parallel_loop3A_633 = arith.index_cast %parallel_loop3A_632 : i32 to index
        %parallel_loop3A_634 = arith.constant 32 : index
        %parallel_loop3A_635 = tpu.vector_load %arg7[%parallel_loop3A_633, %parallel_loop3A_634] {strides = array<i32>} : memref<400x64xf32, #tpu.memory_space<vmem>>, vector<16xf32>,
        %parallel_loop3A_636 = arith.constant 2 : i32
        %parallel_loop3A_637 = arith.muli %parallel_loop3A_636, %parallel_loop3A_594 : i32
        %parallel_loop3A_638 = arith.constant 1 : i32
        %parallel_loop3A_639 = arith.addi %parallel_loop3A_637, %parallel_loop3A_638 : i32
        %parallel_loop3A_640 = arith.index_cast %parallel_loop3A_639 : i32 to index
        %parallel_loop3A_641 = arith.constant 32 : index
        %parallel_loop3A_642 = tpu.vector_load %arg7[%parallel_loop3A_640, %parallel_loop3A_641] {strides = array<i32>} : memref<400x64xf32, #tpu.memory_space<vmem>>, vector<16xf32>,
        %parallel_loop3A_643 = arith.addf %parallel_loop3A_635, %parallel_loop3A_642 : vector<16xf32>
        %parallel_loop3A_644 = arith.constant 1 : i32
        %parallel_loop3A_645 = arith.addi %parallel_loop3A_644, %parallel_loop3A_594 : i32
        %parallel_loop3A_646 = arith.index_cast %parallel_loop3A_645 : i32 to index
        %parallel_loop3A_647 = arith.constant 32 : index
        %parallel_loop3A_648 = tpu.vector_load %arg9[%parallel_loop3A_646, %parallel_loop3A_647] {strides = array<i32>} : memref<202x64xf32, #tpu.memory_space<vmem>>, vector<16xf32>,
        tpu.vector_store %arg9[%parallel_loop3A_646, %parallel_loop3A_647], %parallel_loop3A_643 {strides = array<i32>} : memref<202x64xf32, #tpu.memory_space<vmem>>, vector<16xf32>,
        %parallel_loop3A_649 = arith.constant 2 : i32
        %parallel_loop3A_650 = arith.muli %parallel_loop3A_649, %parallel_loop3A_594 : i32
        %parallel_loop3A_651 = arith.index_cast %parallel_loop3A_650 : i32 to index
        %parallel_loop3A_652 = arith.constant 48 : index
        %parallel_loop3A_653 = tpu.vector_load %arg7[%parallel_loop3A_651, %parallel_loop3A_652] {strides = array<i32>} : memref<400x64xf32, #tpu.memory_space<vmem>>, vector<16xf32>,
        %parallel_loop3A_654 = arith.constant 2 : i32
        %parallel_loop3A_655 = arith.muli %parallel_loop3A_654, %parallel_loop3A_594 : i32
        %parallel_loop3A_656 = arith.constant 1 : i32
        %parallel_loop3A_657 = arith.addi %parallel_loop3A_655, %parallel_loop3A_656 : i32
        %parallel_loop3A_658 = arith.index_cast %parallel_loop3A_657 : i32 to index
        %parallel_loop3A_659 = arith.constant 48 : index
        %parallel_loop3A_660 = tpu.vector_load %arg7[%parallel_loop3A_658, %parallel_loop3A_659] {strides = array<i32>} : memref<400x64xf32, #tpu.memory_space<vmem>>, vector<16xf32>,
        %parallel_loop3A_661 = arith.addf %parallel_loop3A_653, %parallel_loop3A_660 : vector<16xf32>
        %parallel_loop3A_662 = arith.constant 1 : i32
        %parallel_loop3A_663 = arith.addi %parallel_loop3A_662, %parallel_loop3A_594 : i32
        %parallel_loop3A_664 = arith.index_cast %parallel_loop3A_663 : i32 to index
        %parallel_loop3A_665 = arith.constant 48 : index
        %parallel_loop3A_666 = tpu.vector_load %arg9[%parallel_loop3A_664, %parallel_loop3A_665] {strides = array<i32>} : memref<202x64xf32, #tpu.memory_space<vmem>>, vector<16xf32>,
        tpu.vector_store %arg9[%parallel_loop3A_664, %parallel_loop3A_665], %parallel_loop3A_661 {strides = array<i32>} : memref<202x64xf32, #tpu.memory_space<vmem>>, vector<16xf32>,
      } {sc.loop_unroll_factor = 8 : i64, sc.parallel_access}
      %add3A_583 = arith.addi %mul3A_2, %mul3A_455 : i32
      %add3A_584 = arith.constant 1 : i32
      %add3A_585 = arith.addi %add3A_583, %add3A_584 : i32
      %dma_start3A_586 = arith.constant 0 : i32
      %dma_start3A_587 = arith.constant 0 : i32
      %dma_start3A_588 = tpu.memref_slice %arg4[%add3A_585, %dma_start3A_586, %dma_start3A_587] : memref<4096x202x64xf32, #tpu.memory_space<hbm>> -> memref<1x202x64xf32, #tpu.memory_space<hbm>>
      %dma_start3A_589 = tpu.memref_squeeze %dma_start3A_588 : memref<1x202x64xf32, #tpu.memory_space<hbm>> -> memref<202x64xf32, #tpu.memory_space<hbm>>
      %dma_start3A_590 = arith.constant 0 : i32
      %dma_start3A_591 = arith.constant 0 : i32
      %dma_start3A_592 = tpu.memref_slice %arg4[%add3A_585, %dma_start3A_590, %dma_start3A_591] : memref<4096x202x64xf32, #tpu.memory_space<hbm>> -> memref<1x202x64xf32, #tpu.memory_space<hbm>>
      %dma_start3A_593 = tpu.memref_squeeze %dma_start3A_592 : memref<1x202x64xf32, #tpu.memory_space<hbm>> -> memref<202x64xf32, #tpu.memory_space<hbm>>
      tpu.enqueue_dma source(%arg9 : memref<202x64xf32, #tpu.memory_space<vmem>>) target(%dma_start3A_593 : memref<202x64xf32, #tpu.memory_space<hbm>>) target_semaphore(%arg14 : memref<!tpu.dma_semaphore, #tpu.memory_space<semaphore_mem>>)
    }
    %scan3A_336 = arith.constant 62 : i32
    %dma_wait3A_337 = arith.constant 0 : i32
    %dma_wait3A_338 = arith.constant 0 : i32
    %dma_wait3A_339 = tpu.memref_slice %arg3[%dma_wait3A_337, %dma_wait3A_338] : memref<1000000x64xf32, #tpu.memory_space<hbm>> -> memref<400x64xf32, #tpu.memory_space<hbm>>
    %dma_wait3A_340 = arith.constant 0 : i32
    %dma_wait3A_341 = arith.constant 0 : i32
    %dma_wait3A_342 = tpu.memref_slice %arg3[%dma_wait3A_340, %dma_wait3A_341] : memref<1000000x64xf32, #tpu.memory_space<hbm>> -> memref<400x64xf32, #tpu.memory_space<hbm>>
    tpu.wait_dma2 semaphore(%arg11 : memref<!tpu.dma_semaphore, #tpu.memory_space<semaphore_mem>>) src(%dma_wait3A_342 : memref<400x64xf32, #tpu.memory_space<hbm>>) dst(%arg6 : memref<400x64xf32, #tpu.memory_space<vmem>>)
    %dma_start3A_343 = arith.constant 127 : i32
    %dma_start3A_344 = arith.constant 0 : i32
    %dma_start3A_345 = arith.constant 0 : i32
    %dma_start3A_346 = arith.constant 0 : i32
    %dma_start3A_347 = tpu.memref_slice %arg7[%dma_start3A_345, %dma_start3A_346] : memref<400x64xf32, #tpu.memory_space<vmem>> -> memref<100x64xf32, #tpu.memory_space<vmem>>
    %dma_start3A_348 = arith.constant 0 : i32
    %dma_start3A_349 = tpu.memref_slice %arg5[%dma_start3A_343, %dma_start3A_344, %dma_start3A_348] : memref<128x4x100xi32, #tpu.memory_space<vmem>> -> memref<1x1x100xi32, #tpu.memory_space<vmem>>
    %dma_start3A_350 = tpu.memref_squeeze %dma_start3A_349 : memref<1x1x100xi32, #tpu.memory_space<vmem>> -> memref<100xi32, #tpu.memory_space<vmem>>
    %dma_start3A_351 = arith.constant 0 : i32
    %dma_start3A_352 = arith.constant 0 : i32
    %dma_start3A_353 = tpu.memref_slice %arg3[%dma_start3A_351, %dma_start3A_352] : memref<1000000x64xf32, #tpu.memory_space<hbm>> -> memref<1000000x64xf32, #tpu.memory_space<hbm>>
    tpu.enqueue_indirect_dma source(%dma_start3A_353 : memref<1000000x64xf32, #tpu.memory_space<hbm>>) target(%dma_start3A_347 : memref<100x64xf32, #tpu.memory_space<vmem>>) offsets(%dma_start3A_350 : memref<100xi32, #tpu.memory_space<vmem>>) semaphore(%arg12 : memref<!tpu.dma_semaphore, #tpu.memory_space<semaphore_mem>>)
    %dma_start3A_354 = arith.constant 127 : i32
    %dma_start3A_355 = arith.constant 1 : i32
    %dma_start3A_356 = arith.constant 100 : i32
    %dma_start3A_357 = arith.constant 0 : i32
    %dma_start3A_358 = tpu.memref_slice %arg7[%dma_start3A_356, %dma_start3A_357] : memref<400x64xf32, #tpu.memory_space<vmem>> -> memref<100x64xf32, #tpu.memory_space<vmem>>
    %dma_start3A_359 = arith.constant 0 : i32
    %dma_start3A_360 = tpu.memref_slice %arg5[%dma_start3A_354, %dma_start3A_355, %dma_start3A_359] : memref<128x4x100xi32, #tpu.memory_space<vmem>> -> memref<1x1x100xi32, #tpu.memory_space<vmem>>
    %dma_start3A_361 = tpu.memref_squeeze %dma_start3A_360 : memref<1x1x100xi32, #tpu.memory_space<vmem>> -> memref<100xi32, #tpu.memory_space<vmem>>
    %dma_start3A_362 = arith.constant 0 : i32
    %dma_start3A_363 = arith.constant 0 : i32
    %dma_start3A_364 = tpu.memref_slice %arg3[%dma_start3A_362, %dma_start3A_363] : memref<1000000x64xf32, #tpu.memory_space<hbm>> -> memref<1000000x64xf32, #tpu.memory_space<hbm>>
    tpu.enqueue_indirect_dma source(%dma_start3A_364 : memref<1000000x64xf32, #tpu.memory_space<hbm>>) target(%dma_start3A_358 : memref<100x64xf32, #tpu.memory_space<vmem>>) offsets(%dma_start3A_361 : memref<100xi32, #tpu.memory_space<vmem>>) semaphore(%arg12 : memref<!tpu.dma_semaphore, #tpu.memory_space<semaphore_mem>>)
    %dma_start3A_365 = arith.constant 127 : i32
    %dma_start3A_366 = arith.constant 2 : i32
    %dma_start3A_367 = arith.constant 200 : i32
    %dma_start3A_368 = arith.constant 0 : i32
    %dma_start3A_369 = tpu.memref_slice %arg7[%dma_start3A_367, %dma_start3A_368] : memref<400x64xf32, #tpu.memory_space<vmem>> -> memref<100x64xf32, #tpu.memory_space<vmem>>
    %dma_start3A_370 = arith.constant 0 : i32
    %dma_start3A_371 = tpu.memref_slice %arg5[%dma_start3A_365, %dma_start3A_366, %dma_start3A_370] : memref<128x4x100xi32, #tpu.memory_space<vmem>> -> memref<1x1x100xi32, #tpu.memory_space<vmem>>
    %dma_start3A_372 = tpu.memref_squeeze %dma_start3A_371 : memref<1x1x100xi32, #tpu.memory_space<vmem>> -> memref<100xi32, #tpu.memory_space<vmem>>
    %dma_start3A_373 = arith.constant 0 : i32
    %dma_start3A_374 = arith.constant 0 : i32
    %dma_start3A_375 = tpu.memref_slice %arg3[%dma_start3A_373, %dma_start3A_374] : memref<1000000x64xf32, #tpu.memory_space<hbm>> -> memref<1000000x64xf32, #tpu.memory_space<hbm>>
    tpu.enqueue_indirect_dma source(%dma_start3A_375 : memref<1000000x64xf32, #tpu.memory_space<hbm>>) target(%dma_start3A_369 : memref<100x64xf32, #tpu.memory_space<vmem>>) offsets(%dma_start3A_372 : memref<100xi32, #tpu.memory_space<vmem>>) semaphore(%arg12 : memref<!tpu.dma_semaphore, #tpu.memory_space<semaphore_mem>>)
    %dma_start3A_376 = arith.constant 127 : i32
    %dma_start3A_377 = arith.constant 3 : i32
    %dma_start3A_378 = arith.constant 300 : i32
    %dma_start3A_379 = arith.constant 0 : i32
    %dma_start3A_380 = tpu.memref_slice %arg7[%dma_start3A_378, %dma_start3A_379] : memref<400x64xf32, #tpu.memory_space<vmem>> -> memref<100x64xf32, #tpu.memory_space<vmem>>
    %dma_start3A_381 = arith.constant 0 : i32
    %dma_start3A_382 = tpu.memref_slice %arg5[%dma_start3A_376, %dma_start3A_377, %dma_start3A_381] : memref<128x4x100xi32, #tpu.memory_space<vmem>> -> memref<1x1x100xi32, #tpu.memory_space<vmem>>
    %dma_start3A_383 = tpu.memref_squeeze %dma_start3A_382 : memref<1x1x100xi32, #tpu.memory_space<vmem>> -> memref<100xi32, #tpu.memory_space<vmem>>
    %dma_start3A_384 = arith.constant 0 : i32
    %dma_start3A_385 = arith.constant 0 : i32
    %dma_start3A_386 = tpu.memref_slice %arg3[%dma_start3A_384, %dma_start3A_385] : memref<1000000x64xf32, #tpu.memory_space<hbm>> -> memref<1000000x64xf32, #tpu.memory_space<hbm>>
    tpu.enqueue_indirect_dma source(%dma_start3A_386 : memref<1000000x64xf32, #tpu.memory_space<hbm>>) target(%dma_start3A_380 : memref<100x64xf32, #tpu.memory_space<vmem>>) offsets(%dma_start3A_383 : memref<100xi32, #tpu.memory_space<vmem>>) semaphore(%arg12 : memref<!tpu.dma_semaphore, #tpu.memory_space<semaphore_mem>>)
    %dma_wait3A_387 = arith.constant 0 : i32
    %dma_wait3A_388 = arith.constant 0 : i32
    %dma_wait3A_389 = tpu.memref_slice %arg4[%mul3A_2, %dma_wait3A_387, %dma_wait3A_388] : memref<4096x202x64xf32, #tpu.memory_space<hbm>> -> memref<1x202x64xf32, #tpu.memory_space<hbm>>
    %dma_wait3A_390 = tpu.memref_squeeze %dma_wait3A_389 : memref<1x202x64xf32, #tpu.memory_space<hbm>> -> memref<202x64xf32, #tpu.memory_space<hbm>>
    %dma_wait3A_391 = arith.constant 0 : i32
    %dma_wait3A_392 = arith.constant 0 : i32
    %dma_wait3A_393 = tpu.memref_slice %arg4[%mul3A_2, %dma_wait3A_391, %dma_wait3A_392] : memref<4096x202x64xf32, #tpu.memory_space<hbm>> -> memref<1x202x64xf32, #tpu.memory_space<hbm>>
    %dma_wait3A_394 = tpu.memref_squeeze %dma_wait3A_393 : memref<1x202x64xf32, #tpu.memory_space<hbm>> -> memref<202x64xf32, #tpu.memory_space<hbm>>
    tpu.wait_dma2 semaphore(%arg13 : memref<!tpu.dma_semaphore, #tpu.memory_space<semaphore_mem>>) src(%arg8 : memref<202x64xf32, #tpu.memory_space<vmem>>) dst(%dma_wait3A_394 : memref<202x64xf32, #tpu.memory_space<hbm>>)
    %parallel_loop3A_395 = arith.constant 0 : i32
    %parallel_loop3A_396 = arith.constant 200 : i32
    %parallel_loop3A_397 = arith.constant 1 : i32
    scf.for %parallel_loop3A_453 = %parallel_loop3A_395 to %parallel_loop3A_396 step %parallel_loop3A_397  : i32 {
      %parallel_loop3A_454 = arith.constant 2 : i32
      %parallel_loop3A_455 = arith.muli %parallel_loop3A_454, %parallel_loop3A_453 : i32
      %parallel_loop3A_456 = arith.index_cast %parallel_loop3A_455 : i32 to index
      %parallel_loop3A_457 = arith.constant 0 : index
      %parallel_loop3A_458 = tpu.vector_load %arg6[%parallel_loop3A_456, %parallel_loop3A_457] {strides = array<i32>} : memref<400x64xf32, #tpu.memory_space<vmem>>, vector<16xf32>,
      %parallel_loop3A_459 = arith.constant 2 : i32
      %parallel_loop3A_460 = arith.muli %parallel_loop3A_459, %parallel_loop3A_453 : i32
      %parallel_loop3A_461 = arith.constant 1 : i32
      %parallel_loop3A_462 = arith.addi %parallel_loop3A_460, %parallel_loop3A_461 : i32
      %parallel_loop3A_463 = arith.index_cast %parallel_loop3A_462 : i32 to index
      %parallel_loop3A_464 = arith.constant 0 : index
      %parallel_loop3A_465 = tpu.vector_load %arg6[%parallel_loop3A_463, %parallel_loop3A_464] {strides = array<i32>} : memref<400x64xf32, #tpu.memory_space<vmem>>, vector<16xf32>,
      %parallel_loop3A_466 = arith.addf %parallel_loop3A_458, %parallel_loop3A_465 : vector<16xf32>
      %parallel_loop3A_467 = arith.constant 1 : i32
      %parallel_loop3A_468 = arith.addi %parallel_loop3A_467, %parallel_loop3A_453 : i32
      %parallel_loop3A_469 = arith.index_cast %parallel_loop3A_468 : i32 to index
      %parallel_loop3A_470 = arith.constant 0 : index
      %parallel_loop3A_471 = tpu.vector_load %arg8[%parallel_loop3A_469, %parallel_loop3A_470] {strides = array<i32>} : memref<202x64xf32, #tpu.memory_space<vmem>>, vector<16xf32>,
      tpu.vector_store %arg8[%parallel_loop3A_469, %parallel_loop3A_470], %parallel_loop3A_466 {strides = array<i32>} : memref<202x64xf32, #tpu.memory_space<vmem>>, vector<16xf32>,
      %parallel_loop3A_472 = arith.constant 2 : i32
      %parallel_loop3A_473 = arith.muli %parallel_loop3A_472, %parallel_loop3A_453 : i32
      %parallel_loop3A_474 = arith.index_cast %parallel_loop3A_473 : i32 to index
      %parallel_loop3A_475 = arith.constant 16 : index
      %parallel_loop3A_476 = tpu.vector_load %arg6[%parallel_loop3A_474, %parallel_loop3A_475] {strides = array<i32>} : memref<400x64xf32, #tpu.memory_space<vmem>>, vector<16xf32>,
      %parallel_loop3A_477 = arith.constant 2 : i32
      %parallel_loop3A_478 = arith.muli %parallel_loop3A_477, %parallel_loop3A_453 : i32
      %parallel_loop3A_479 = arith.constant 1 : i32
      %parallel_loop3A_480 = arith.addi %parallel_loop3A_478, %parallel_loop3A_479 : i32
      %parallel_loop3A_481 = arith.index_cast %parallel_loop3A_480 : i32 to index
      %parallel_loop3A_482 = arith.constant 16 : index
      %parallel_loop3A_483 = tpu.vector_load %arg6[%parallel_loop3A_481, %parallel_loop3A_482] {strides = array<i32>} : memref<400x64xf32, #tpu.memory_space<vmem>>, vector<16xf32>,
      %parallel_loop3A_484 = arith.addf %parallel_loop3A_476, %parallel_loop3A_483 : vector<16xf32>
      %parallel_loop3A_485 = arith.constant 1 : i32
      %parallel_loop3A_486 = arith.addi %parallel_loop3A_485, %parallel_loop3A_453 : i32
      %parallel_loop3A_487 = arith.index_cast %parallel_loop3A_486 : i32 to index
      %parallel_loop3A_488 = arith.constant 16 : index
      %parallel_loop3A_489 = tpu.vector_load %arg8[%parallel_loop3A_487, %parallel_loop3A_488] {strides = array<i32>} : memref<202x64xf32, #tpu.memory_space<vmem>>, vector<16xf32>,
      tpu.vector_store %arg8[%parallel_loop3A_487, %parallel_loop3A_488], %parallel_loop3A_484 {strides = array<i32>} : memref<202x64xf32, #tpu.memory_space<vmem>>, vector<16xf32>,
      %parallel_loop3A_490 = arith.constant 2 : i32
      %parallel_loop3A_491 = arith.muli %parallel_loop3A_490, %parallel_loop3A_453 : i32
      %parallel_loop3A_492 = arith.index_cast %parallel_loop3A_491 : i32 to index
      %parallel_loop3A_493 = arith.constant 32 : index
      %parallel_loop3A_494 = tpu.vector_load %arg6[%parallel_loop3A_492, %parallel_loop3A_493] {strides = array<i32>} : memref<400x64xf32, #tpu.memory_space<vmem>>, vector<16xf32>,
      %parallel_loop3A_495 = arith.constant 2 : i32
      %parallel_loop3A_496 = arith.muli %parallel_loop3A_495, %parallel_loop3A_453 : i32
      %parallel_loop3A_497 = arith.constant 1 : i32
      %parallel_loop3A_498 = arith.addi %parallel_loop3A_496, %parallel_loop3A_497 : i32
      %parallel_loop3A_499 = arith.index_cast %parallel_loop3A_498 : i32 to index
      %parallel_loop3A_500 = arith.constant 32 : index
      %parallel_loop3A_501 = tpu.vector_load %arg6[%parallel_loop3A_499, %parallel_loop3A_500] {strides = array<i32>} : memref<400x64xf32, #tpu.memory_space<vmem>>, vector<16xf32>,
      %parallel_loop3A_502 = arith.addf %parallel_loop3A_494, %parallel_loop3A_501 : vector<16xf32>
      %parallel_loop3A_503 = arith.constant 1 : i32
      %parallel_loop3A_504 = arith.addi %parallel_loop3A_503, %parallel_loop3A_453 : i32
      %parallel_loop3A_505 = arith.index_cast %parallel_loop3A_504 : i32 to index
      %parallel_loop3A_506 = arith.constant 32 : index
      %parallel_loop3A_507 = tpu.vector_load %arg8[%parallel_loop3A_505, %parallel_loop3A_506] {strides = array<i32>} : memref<202x64xf32, #tpu.memory_space<vmem>>, vector<16xf32>,
      tpu.vector_store %arg8[%parallel_loop3A_505, %parallel_loop3A_506], %parallel_loop3A_502 {strides = array<i32>} : memref<202x64xf32, #tpu.memory_space<vmem>>, vector<16xf32>,
      %parallel_loop3A_508 = arith.constant 2 : i32
      %parallel_loop3A_509 = arith.muli %parallel_loop3A_508, %parallel_loop3A_453 : i32
      %parallel_loop3A_510 = arith.index_cast %parallel_loop3A_509 : i32 to index
      %parallel_loop3A_511 = arith.constant 48 : index
      %parallel_loop3A_512 = tpu.vector_load %arg6[%parallel_loop3A_510, %parallel_loop3A_511] {strides = array<i32>} : memref<400x64xf32, #tpu.memory_space<vmem>>, vector<16xf32>,
      %parallel_loop3A_513 = arith.constant 2 : i32
      %parallel_loop3A_514 = arith.muli %parallel_loop3A_513, %parallel_loop3A_453 : i32
      %parallel_loop3A_515 = arith.constant 1 : i32
      %parallel_loop3A_516 = arith.addi %parallel_loop3A_514, %parallel_loop3A_515 : i32
      %parallel_loop3A_517 = arith.index_cast %parallel_loop3A_516 : i32 to index
      %parallel_loop3A_518 = arith.constant 48 : index
      %parallel_loop3A_519 = tpu.vector_load %arg6[%parallel_loop3A_517, %parallel_loop3A_518] {strides = array<i32>} : memref<400x64xf32, #tpu.memory_space<vmem>>, vector<16xf32>,
      %parallel_loop3A_520 = arith.addf %parallel_loop3A_512, %parallel_loop3A_519 : vector<16xf32>
      %parallel_loop3A_521 = arith.constant 1 : i32
      %parallel_loop3A_522 = arith.addi %parallel_loop3A_521, %parallel_loop3A_453 : i32
      %parallel_loop3A_523 = arith.index_cast %parallel_loop3A_522 : i32 to index
      %parallel_loop3A_524 = arith.constant 48 : index
      %parallel_loop3A_525 = tpu.vector_load %arg8[%parallel_loop3A_523, %parallel_loop3A_524] {strides = array<i32>} : memref<202x64xf32, #tpu.memory_space<vmem>>, vector<16xf32>,
      tpu.vector_store %arg8[%parallel_loop3A_523, %parallel_loop3A_524], %parallel_loop3A_520 {strides = array<i32>} : memref<202x64xf32, #tpu.memory_space<vmem>>, vector<16xf32>,
    } {sc.loop_unroll_factor = 8 : i64, sc.parallel_access}
    %add3A_398 = arith.constant 126 : i32
    %add3A_399 = arith.addi %mul3A_2, %add3A_398 : i32
    %dma_start3A_400 = arith.constant 0 : i32
    %dma_start3A_401 = arith.constant 0 : i32
    %dma_start3A_402 = tpu.memref_slice %arg4[%add3A_399, %dma_start3A_400, %dma_start3A_401] : memref<4096x202x64xf32, #tpu.memory_space<hbm>> -> memref<1x202x64xf32, #tpu.memory_space<hbm>>
    %dma_start3A_403 = tpu.memref_squeeze %dma_start3A_402 : memref<1x202x64xf32, #tpu.memory_space<hbm>> -> memref<202x64xf32, #tpu.memory_space<hbm>>
    %dma_start3A_404 = arith.constant 0 : i32
    %dma_start3A_405 = arith.constant 0 : i32
    %dma_start3A_406 = tpu.memref_slice %arg4[%add3A_399, %dma_start3A_404, %dma_start3A_405] : memref<4096x202x64xf32, #tpu.memory_space<hbm>> -> memref<1x202x64xf32, #tpu.memory_space<hbm>>
    %dma_start3A_407 = tpu.memref_squeeze %dma_start3A_406 : memref<1x202x64xf32, #tpu.memory_space<hbm>> -> memref<202x64xf32, #tpu.memory_space<hbm>>
    tpu.enqueue_dma source(%arg8 : memref<202x64xf32, #tpu.memory_space<vmem>>) target(%dma_start3A_407 : memref<202x64xf32, #tpu.memory_space<hbm>>) target_semaphore(%arg13 : memref<!tpu.dma_semaphore, #tpu.memory_space<semaphore_mem>>)
    %dma_wait3A_408 = arith.constant 0 : i32
    %dma_wait3A_409 = arith.constant 0 : i32
    %dma_wait3A_410 = tpu.memref_slice %arg3[%dma_wait3A_408, %dma_wait3A_409] : memref<1000000x64xf32, #tpu.memory_space<hbm>> -> memref<400x64xf32, #tpu.memory_space<hbm>>
    %dma_wait3A_411 = arith.constant 0 : i32
    %dma_wait3A_412 = arith.constant 0 : i32
    %dma_wait3A_413 = tpu.memref_slice %arg3[%dma_wait3A_411, %dma_wait3A_412] : memref<1000000x64xf32, #tpu.memory_space<hbm>> -> memref<400x64xf32, #tpu.memory_space<hbm>>
    tpu.wait_dma2 semaphore(%arg12 : memref<!tpu.dma_semaphore, #tpu.memory_space<semaphore_mem>>) src(%dma_wait3A_413 : memref<400x64xf32, #tpu.memory_space<hbm>>) dst(%arg7 : memref<400x64xf32, #tpu.memory_space<vmem>>)
    %dma_wait3A_414 = arith.constant 0 : i32
    %dma_wait3A_415 = arith.constant 0 : i32
    %dma_wait3A_416 = tpu.memref_slice %arg4[%mul3A_2, %dma_wait3A_414, %dma_wait3A_415] : memref<4096x202x64xf32, #tpu.memory_space<hbm>> -> memref<1x202x64xf32, #tpu.memory_space<hbm>>
    %dma_wait3A_417 = tpu.memref_squeeze %dma_wait3A_416 : memref<1x202x64xf32, #tpu.memory_space<hbm>> -> memref<202x64xf32, #tpu.memory_space<hbm>>
    %dma_wait3A_418 = arith.constant 0 : i32
    %dma_wait3A_419 = arith.constant 0 : i32
    %dma_wait3A_420 = tpu.memref_slice %arg4[%mul3A_2, %dma_wait3A_418, %dma_wait3A_419] : memref<4096x202x64xf32, #tpu.memory_space<hbm>> -> memref<1x202x64xf32, #tpu.memory_space<hbm>>
    %dma_wait3A_421 = tpu.memref_squeeze %dma_wait3A_420 : memref<1x202x64xf32, #tpu.memory_space<hbm>> -> memref<202x64xf32, #tpu.memory_space<hbm>>
    tpu.wait_dma2 semaphore(%arg14 : memref<!tpu.dma_semaphore, #tpu.memory_space<semaphore_mem>>) src(%arg9 : memref<202x64xf32, #tpu.memory_space<vmem>>) dst(%dma_wait3A_421 : memref<202x64xf32, #tpu.memory_space<hbm>>)
    %parallel_loop3A_422 = arith.constant 0 : i32
    %parallel_loop3A_423 = arith.constant 200 : i32
    %parallel_loop3A_424 = arith.constant 1 : i32
    scf.for %parallel_loop3A_453 = %parallel_loop3A_422 to %parallel_loop3A_423 step %parallel_loop3A_424  : i32 {
      %parallel_loop3A_454 = arith.constant 2 : i32
      %parallel_loop3A_455 = arith.muli %parallel_loop3A_454, %parallel_loop3A_453 : i32
      %parallel_loop3A_456 = arith.index_cast %parallel_loop3A_455 : i32 to index
      %parallel_loop3A_457 = arith.constant 0 : index
      %parallel_loop3A_458 = tpu.vector_load %arg7[%parallel_loop3A_456, %parallel_loop3A_457] {strides = array<i32>} : memref<400x64xf32, #tpu.memory_space<vmem>>, vector<16xf32>,
      %parallel_loop3A_459 = arith.constant 2 : i32
      %parallel_loop3A_460 = arith.muli %parallel_loop3A_459, %parallel_loop3A_453 : i32
      %parallel_loop3A_461 = arith.constant 1 : i32
      %parallel_loop3A_462 = arith.addi %parallel_loop3A_460, %parallel_loop3A_461 : i32
      %parallel_loop3A_463 = arith.index_cast %parallel_loop3A_462 : i32 to index
      %parallel_loop3A_464 = arith.constant 0 : index
      %parallel_loop3A_465 = tpu.vector_load %arg7[%parallel_loop3A_463, %parallel_loop3A_464] {strides = array<i32>} : memref<400x64xf32, #tpu.memory_space<vmem>>, vector<16xf32>,
      %parallel_loop3A_466 = arith.addf %parallel_loop3A_458, %parallel_loop3A_465 : vector<16xf32>
      %parallel_loop3A_467 = arith.constant 1 : i32
      %parallel_loop3A_468 = arith.addi %parallel_loop3A_467, %parallel_loop3A_453 : i32
      %parallel_loop3A_469 = arith.index_cast %parallel_loop3A_468 : i32 to index
      %parallel_loop3A_470 = arith.constant 0 : index
      %parallel_loop3A_471 = tpu.vector_load %arg9[%parallel_loop3A_469, %parallel_loop3A_470] {strides = array<i32>} : memref<202x64xf32, #tpu.memory_space<vmem>>, vector<16xf32>,
      tpu.vector_store %arg9[%parallel_loop3A_469, %parallel_loop3A_470], %parallel_loop3A_466 {strides = array<i32>} : memref<202x64xf32, #tpu.memory_space<vmem>>, vector<16xf32>,
      %parallel_loop3A_472 = arith.constant 2 : i32
      %parallel_loop3A_473 = arith.muli %parallel_loop3A_472, %parallel_loop3A_453 : i32
      %parallel_loop3A_474 = arith.index_cast %parallel_loop3A_473 : i32 to index
      %parallel_loop3A_475 = arith.constant 16 : index
      %parallel_loop3A_476 = tpu.vector_load %arg7[%parallel_loop3A_474, %parallel_loop3A_475] {strides = array<i32>} : memref<400x64xf32, #tpu.memory_space<vmem>>, vector<16xf32>,
      %parallel_loop3A_477 = arith.constant 2 : i32
      %parallel_loop3A_478 = arith.muli %parallel_loop3A_477, %parallel_loop3A_453 : i32
      %parallel_loop3A_479 = arith.constant 1 : i32
      %parallel_loop3A_480 = arith.addi %parallel_loop3A_478, %parallel_loop3A_479 : i32
      %parallel_loop3A_481 = arith.index_cast %parallel_loop3A_480 : i32 to index
      %parallel_loop3A_482 = arith.constant 16 : index
      %parallel_loop3A_483 = tpu.vector_load %arg7[%parallel_loop3A_481, %parallel_loop3A_482] {strides = array<i32>} : memref<400x64xf32, #tpu.memory_space<vmem>>, vector<16xf32>,
      %parallel_loop3A_484 = arith.addf %parallel_loop3A_476, %parallel_loop3A_483 : vector<16xf32>
      %parallel_loop3A_485 = arith.constant 1 : i32
      %parallel_loop3A_486 = arith.addi %parallel_loop3A_485, %parallel_loop3A_453 : i32
      %parallel_loop3A_487 = arith.index_cast %parallel_loop3A_486 : i32 to index
      %parallel_loop3A_488 = arith.constant 16 : index
      %parallel_loop3A_489 = tpu.vector_load %arg9[%parallel_loop3A_487, %parallel_loop3A_488] {strides = array<i32>} : memref<202x64xf32, #tpu.memory_space<vmem>>, vector<16xf32>,
      tpu.vector_store %arg9[%parallel_loop3A_487, %parallel_loop3A_488], %parallel_loop3A_484 {strides = array<i32>} : memref<202x64xf32, #tpu.memory_space<vmem>>, vector<16xf32>,
      %parallel_loop3A_490 = arith.constant 2 : i32
      %parallel_loop3A_491 = arith.muli %parallel_loop3A_490, %parallel_loop3A_453 : i32
      %parallel_loop3A_492 = arith.index_cast %parallel_loop3A_491 : i32 to index
      %parallel_loop3A_493 = arith.constant 32 : index
      %parallel_loop3A_494 = tpu.vector_load %arg7[%parallel_loop3A_492, %parallel_loop3A_493] {strides = array<i32>} : memref<400x64xf32, #tpu.memory_space<vmem>>, vector<16xf32>,
      %parallel_loop3A_495 = arith.constant 2 : i32
      %parallel_loop3A_496 = arith.muli %parallel_loop3A_495, %parallel_loop3A_453 : i32
      %parallel_loop3A_497 = arith.constant 1 : i32
      %parallel_loop3A_498 = arith.addi %parallel_loop3A_496, %parallel_loop3A_497 : i32
      %parallel_loop3A_499 = arith.index_cast %parallel_loop3A_498 : i32 to index
      %parallel_loop3A_500 = arith.constant 32 : index
      %parallel_loop3A_501 = tpu.vector_load %arg7[%parallel_loop3A_499, %parallel_loop3A_500] {strides = array<i32>} : memref<400x64xf32, #tpu.memory_space<vmem>>, vector<16xf32>,
      %parallel_loop3A_502 = arith.addf %parallel_loop3A_494, %parallel_loop3A_501 : vector<16xf32>
      %parallel_loop3A_503 = arith.constant 1 : i32
      %parallel_loop3A_504 = arith.addi %parallel_loop3A_503, %parallel_loop3A_453 : i32
      %parallel_loop3A_505 = arith.index_cast %parallel_loop3A_504 : i32 to index
      %parallel_loop3A_506 = arith.constant 32 : index
      %parallel_loop3A_507 = tpu.vector_load %arg9[%parallel_loop3A_505, %parallel_loop3A_506] {strides = array<i32>} : memref<202x64xf32, #tpu.memory_space<vmem>>, vector<16xf32>,
      tpu.vector_store %arg9[%parallel_loop3A_505, %parallel_loop3A_506], %parallel_loop3A_502 {strides = array<i32>} : memref<202x64xf32, #tpu.memory_space<vmem>>, vector<16xf32>,
      %parallel_loop3A_508 = arith.constant 2 : i32
      %parallel_loop3A_509 = arith.muli %parallel_loop3A_508, %parallel_loop3A_453 : i32
      %parallel_loop3A_510 = arith.index_cast %parallel_loop3A_509 : i32 to index
      %parallel_loop3A_511 = arith.constant 48 : index
      %parallel_loop3A_512 = tpu.vector_load %arg7[%parallel_loop3A_510, %parallel_loop3A_511] {strides = array<i32>} : memref<400x64xf32, #tpu.memory_space<vmem>>, vector<16xf32>,
      %parallel_loop3A_513 = arith.constant 2 : i32
      %parallel_loop3A_514 = arith.muli %parallel_loop3A_513, %parallel_loop3A_453 : i32
      %parallel_loop3A_515 = arith.constant 1 : i32
      %parallel_loop3A_516 = arith.addi %parallel_loop3A_514, %parallel_loop3A_515 : i32
      %parallel_loop3A_517 = arith.index_cast %parallel_loop3A_516 : i32 to index
      %parallel_loop3A_518 = arith.constant 48 : index
      %parallel_loop3A_519 = tpu.vector_load %arg7[%parallel_loop3A_517, %parallel_loop3A_518] {strides = array<i32>} : memref<400x64xf32, #tpu.memory_space<vmem>>, vector<16xf32>,
      %parallel_loop3A_520 = arith.addf %parallel_loop3A_512, %parallel_loop3A_519 : vector<16xf32>
      %parallel_loop3A_521 = arith.constant 1 : i32
      %parallel_loop3A_522 = arith.addi %parallel_loop3A_521, %parallel_loop3A_453 : i32
      %parallel_loop3A_523 = arith.index_cast %parallel_loop3A_522 : i32 to index
      %parallel_loop3A_524 = arith.constant 48 : index
      %parallel_loop3A_525 = tpu.vector_load %arg9[%parallel_loop3A_523, %parallel_loop3A_524] {strides = array<i32>} : memref<202x64xf32, #tpu.memory_space<vmem>>, vector<16xf32>,
      tpu.vector_store %arg9[%parallel_loop3A_523, %parallel_loop3A_524], %parallel_loop3A_520 {strides = array<i32>} : memref<202x64xf32, #tpu.memory_space<vmem>>, vector<16xf32>,
    } {sc.loop_unroll_factor = 8 : i64, sc.parallel_access}
    %add3A_425 = arith.constant 126 : i32
    %add3A_426 = arith.addi %mul3A_2, %add3A_425 : i32
    %add3A_427 = arith.constant 1 : i32
    %add3A_428 = arith.addi %add3A_426, %add3A_427 : i32
    %dma_start3A_429 = arith.constant 0 : i32
    %dma_start3A_430 = arith.constant 0 : i32
    %dma_start3A_431 = tpu.memref_slice %arg4[%add3A_428, %dma_start3A_429, %dma_start3A_430] : memref<4096x202x64xf32, #tpu.memory_space<hbm>> -> memref<1x202x64xf32, #tpu.memory_space<hbm>>
    %dma_start3A_432 = tpu.memref_squeeze %dma_start3A_431 : memref<1x202x64xf32, #tpu.memory_space<hbm>> -> memref<202x64xf32, #tpu.memory_space<hbm>>
    %dma_start3A_433 = arith.constant 0 : i32
    %dma_start3A_434 = arith.constant 0 : i32
    %dma_start3A_435 = tpu.memref_slice %arg4[%add3A_428, %dma_start3A_433, %dma_start3A_434] : memref<4096x202x64xf32, #tpu.memory_space<hbm>> -> memref<1x202x64xf32, #tpu.memory_space<hbm>>
    %dma_start3A_436 = tpu.memref_squeeze %dma_start3A_435 : memref<1x202x64xf32, #tpu.memory_space<hbm>> -> memref<202x64xf32, #tpu.memory_space<hbm>>
    tpu.enqueue_dma source(%arg9 : memref<202x64xf32, #tpu.memory_space<vmem>>) target(%dma_start3A_436 : memref<202x64xf32, #tpu.memory_space<hbm>>) target_semaphore(%arg14 : memref<!tpu.dma_semaphore, #tpu.memory_space<semaphore_mem>>)
    %dma_wait3A_437 = arith.constant 0 : i32
    %dma_wait3A_438 = arith.constant 0 : i32
    %dma_wait3A_439 = tpu.memref_slice %arg4[%mul3A_2, %dma_wait3A_437, %dma_wait3A_438] : memref<4096x202x64xf32, #tpu.memory_space<hbm>> -> memref<1x202x64xf32, #tpu.memory_space<hbm>>
    %dma_wait3A_440 = tpu.memref_squeeze %dma_wait3A_439 : memref<1x202x64xf32, #tpu.memory_space<hbm>> -> memref<202x64xf32, #tpu.memory_space<hbm>>
    %dma_wait3A_441 = arith.constant 0 : i32
    %dma_wait3A_442 = arith.constant 0 : i32
    %dma_wait3A_443 = tpu.memref_slice %arg4[%mul3A_2, %dma_wait3A_441, %dma_wait3A_442] : memref<4096x202x64xf32, #tpu.memory_space<hbm>> -> memref<1x202x64xf32, #tpu.memory_space<hbm>>
    %dma_wait3A_444 = tpu.memref_squeeze %dma_wait3A_443 : memref<1x202x64xf32, #tpu.memory_space<hbm>> -> memref<202x64xf32, #tpu.memory_space<hbm>>
    tpu.wait_dma2 semaphore(%arg13 : memref<!tpu.dma_semaphore, #tpu.memory_space<semaphore_mem>>) src(%arg8 : memref<202x64xf32, #tpu.memory_space<vmem>>) dst(%dma_wait3A_444 : memref<202x64xf32, #tpu.memory_space<hbm>>)
    %dma_wait3A_445 = arith.constant 0 : i32
    %dma_wait3A_446 = arith.constant 0 : i32
    %dma_wait3A_447 = tpu.memref_slice %arg4[%mul3A_2, %dma_wait3A_445, %dma_wait3A_446] : memref<4096x202x64xf32, #tpu.memory_space<hbm>> -> memref<1x202x64xf32, #tpu.memory_space<hbm>>
    %dma_wait3A_448 = tpu.memref_squeeze %dma_wait3A_447 : memref<1x202x64xf32, #tpu.memory_space<hbm>> -> memref<202x64xf32, #tpu.memory_space<hbm>>
    %dma_wait3A_449 = arith.constant 0 : i32
    %dma_wait3A_450 = arith.constant 0 : i32
    %dma_wait3A_451 = tpu.memref_slice %arg4[%mul3A_2, %dma_wait3A_449, %dma_wait3A_450] : memref<4096x202x64xf32, #tpu.memory_space<hbm>> -> memref<1x202x64xf32, #tpu.memory_space<hbm>>
    %dma_wait3A_452 = tpu.memref_squeeze %dma_wait3A_451 : memref<1x202x64xf32, #tpu.memory_space<hbm>> -> memref<202x64xf32, #tpu.memory_space<hbm>>
    tpu.wait_dma2 semaphore(%arg14 : memref<!tpu.dma_semaphore, #tpu.memory_space<semaphore_mem>>) src(%arg9 : memref<202x64xf32, #tpu.memory_space<vmem>>) dst(%dma_wait3A_452 : memref<202x64xf32, #tpu.memory_space<hbm>>)
    return
  }
}

</mosaic_0001>

<sc_bundles>
// kernel: kernel.3.cloned.1.call-start
scs
__scs_entry_jumppad:
0x0: {  	(pc) =	sbr.rel $0x88, $3  }
0x1: {  	(tag) =	ssettag $0x0;
	lr =	simm.s32 $0x1  }
0x2: {  	[smem:$0x3F9F] =	sst lr;
	_ =	strace $0xD0000000  }
0x3: {  	_ = 	snop  }
0x4: {  	_ = 	snop  }
0x5: {  	_ = 	snop  }
0x6: {  	_ = 	snop  }
0x7: {  	_ = 	snop  }
__scs_overlays_trampoline_lowered:
0x8: {  	[smem:$0x3FAE] =	sst s0  }
0x9: {  	[smem:$0x3FAF] =	sst s1  }
0xa: {  	[smem:$0x3FB0] =	sst s2  }
0xb: {  	[smem:$0x3FB1] =	sst s3  }
0xc: {  	[smem:$0x3FB2] =	sst s4  }
0xd: {  	[smem:$0x3FB3] =	sst s5  }
0xe: {  	[smem:$0x3FB4] =	sst s6  }
0xf: {  	[smem:$0x3FB5] =	sst s7  }
0x10: {  	[smem:$0x3FB6] =	sst s8  }
0x11: {  	[smem:$0x3FB7] =	sst s9;
	s0 =	simm.s32 @!p0 $0x0  }
0x12: {  	s1 =	sld [smem:$0x3F9D];
	s0 =	simm.s32 @p0 $0x1  }
0x13: {  	[smem:$0x3FB8] =	sst s0;
	s0 =	simm.s32 @!p1 $0x0  }
0x14: {  	s2 =	sld [smem:$0x3F9C];
	s0 =	simm.s32 @p1 $0x1  }
0x15: {  	[smem:$0x3FB9] =	sst s0;
	s0 =	simm.s32 @!p2 $0x0  }
0x16: {  	s3 =	sld [smem:$0x3FDB];
	s0 =	simm.s32 @p2 $0x1  }
0x17: {  	s4 =	simm.s32 $0x1BF5;
	[smem:$0x3FBB] =	sst s0  }
0x18: {  	s0 =	sld [smem:$0x3F9E];
	_ =	swait.ge [sflag:s4], $0x0  }
0x19: {  	s7 =	sld [smem:$0x3F9F]  }
0x1a: {  	s8 =	sadd.s32 $0xFFFFE003, lr  }
0x1b: {  	s9 =	sadd.s32 $0xFFFFFEF7, lr;
	s5 =	simm.s32 $0xFFFFFFFF;
	p2 =	slt.u32 s8, $0xFFFFF086  }
0x1c: {  	p1 =	slt.u32 s9, $0xF7A;
	s5 =	simm.s32 @!p2 $0x0  }
0x1d: {  	s5 =	simm.s32 @p1 $0x1;
	p0 =	seq.s32 s7, s2  }
0x1e: {  	s7 =	smul.u32 @!p0 $0xF7A, s2;
	p2 =	seq.s32 @!p0 s5, $0x0  }
0x1f: {  	s9 =	smul.u32 $0xF7A, s1;
	s8 =	simm.s32 @!p0 $0x1BF5;
	p2 =	por !p2, p0  }
0x20: {  	[sflag:s8] =	ssyncset.s32 @!p0 $0xFFFFF086;
	s6 =	sadd.s32 @!p0 s3, s7;
	s7 =	simm.s32 @!p0 $0x108  }
0x21: {  	s3 =	sadd.s32 s3, s9;
	s6 =	sadd.s32 @!p0 $0x88, s6;
	s7 =	simm.s32 @p2 $0x1082  }
0x22: {  	[simem:s7], [sflag:s8] =	dma.local @!p0 [hbm:s6], $0xF7A  }
0x23: {  	s9 =	sor.u32 $0xD0000000, s2;
	s6 =	simm.s32 $0x108;
	_ =	swait.ge @!p0 [sflag:s8], $0x0  }
0x24: {  	s3 =	sadd.s32 $0x88, s3;
	s6 =	simm.s32 @!p1 $0x1082;
	[sflag:s4] =	ssyncset.s32 $0xFFFFF086  }
0x25: {  	[simem:s6], [sflag:s4] =	dma.local [hbm:s3], $0xF7A  }
0x26: {  	[smem:$0x3F9F] =	sst s1;
	(tag) =	ssettag s2;
	_ =	strace s9  }
0x27: {  	s1 =	sld [smem:$0x3FAF]  }
0x28: {  	s2 =	sld [smem:$0x3FB0]  }
0x29: {  	s4 =	sld [smem:$0x3FB2]  }
0x2a: {  	p0 =	seq.s32 s5, $0x0;
	s5 =	sld [smem:$0x3FB3]  }
0x2b: {  	s6 =	sld [smem:$0x3FB4]  }
0x2c: {  	s7 =	sld [smem:$0x3FB5]  }
0x2d: {  	s3 =	simm.s32 $0x108;
	s8 =	sld [smem:$0x3FB6]  }
0x2e: {  	s3 =	simm.s32 @!p0 $0x1082;
	s9 =	sld [smem:$0x3FB7]  }
0x2f: {  	lr =	sadd.s32 s0, s3;
	s0 =	sld [smem:$0x3FAE]  }
0x30: {  	s3 =	sld [smem:$0x3FB1]  }
0x31: {  	[smem:$0x3FBA] =	sst s10  }
0x32: {  	s10 =	sld [smem:$0x3FB8];
	_ =	sdelay $0x3  }
0x33: {  	p0 =	seq.s32 s10, $0x1;
	s10 =	sld [smem:$0x3FBA];
	_ =	sdelay $0x3  }
0x34: {  	[smem:$0x3FBA] =	sst s10  }
0x35: {  	s10 =	sld [smem:$0x3FB9];
	_ =	sdelay $0x3  }
0x36: {  	p1 =	seq.s32 s10, $0x1;
	s10 =	sld [smem:$0x3FBA];
	_ =	sdelay $0x3  }
0x37: {  	[smem:$0x3FBA] =	sst s10  }
0x38: {  	s10 =	sld [smem:$0x3FBB]  }
0x39: {  	_ = 	snop;
	(pc) =	sbr.ind lr, $3  }
0x3a: {  	_ = 	snop  }
0x3b: {  	_ = 	snop  }
0x3c: {  	p2 =	seq.s32 s10, $0x1;
	s10 =	sld [smem:$0x3FBA]  }
0x3d: {  	_ =	shalt  }
0x3e: {  	_ =	shalt  }
0x3f: {  	_ =	shalt  }
0x40: {  	_ =	shalt  }
0x41: {  	_ =	shalt  }
0x42: {  	_ =	shalt  }
0x43: {  	_ =	shalt  }
0x44: {  	_ =	shalt  }
0x45: {  	_ =	shalt  }
0x46: {  	_ =	shalt  }
0x47: {  	_ =	shalt  }
0x48: {  	_ =	shalt  }
0x49: {  	_ =	shalt  }
0x4a: {  	_ =	shalt  }
0x4b: {  	_ =	shalt  }
0x4c: {  	_ =	shalt  }
0x4d: {  	_ =	shalt  }
0x4e: {  	_ =	shalt  }
0x4f: {  	_ =	shalt  }
0x50: {  	_ =	shalt  }
0x51: {  	_ =	shalt  }
0x52: {  	_ =	shalt  }
0x53: {  	_ =	shalt  }
0x54: {  	_ =	shalt  }
0x55: {  	_ =	shalt  }
0x56: {  	_ =	shalt  }
0x57: {  	_ =	shalt  }
0x58: {  	_ =	shalt  }
0x59: {  	_ =	shalt  }
0x5a: {  	_ =	shalt  }
0x5b: {  	_ =	shalt  }
0x5c: {  	_ =	shalt  }
0x5d: {  	_ =	shalt  }
0x5e: {  	_ =	shalt  }
0x5f: {  	_ =	shalt  }
0x60: {  	_ =	shalt  }
0x61: {  	_ =	shalt  }
0x62: {  	_ =	shalt  }
0x63: {  	_ =	shalt  }
0x64: {  	_ =	shalt  }
0x65: {  	_ =	shalt  }
0x66: {  	_ =	shalt  }
0x67: {  	_ =	shalt  }
0x68: {  	_ =	shalt  }
0x69: {  	_ =	shalt  }
0x6a: {  	_ =	shalt  }
0x6b: {  	_ =	shalt  }
0x6c: {  	_ =	shalt  }
0x6d: {  	_ =	shalt  }
0x6e: {  	_ =	shalt  }
0x6f: {  	_ =	shalt  }
0x70: {  	_ =	shalt  }
0x71: {  	_ =	shalt  }
0x72: {  	_ =	shalt  }
0x73: {  	_ =	shalt  }
0x74: {  	_ =	shalt  }
0x75: {  	_ =	shalt  }
0x76: {  	_ =	shalt  }
0x77: {  	_ =	shalt  }
0x78: {  	_ =	shalt  }
0x79: {  	_ =	shalt  }
0x7a: {  	_ =	shalt  }
0x7b: {  	_ =	shalt  }
0x7c: {  	_ =	shalt  }
0x7d: {  	_ =	shalt  }
0x7e: {  	_ =	shalt  }
0x7f: {  	_ =	shalt  }
0x80: {  	_ =	shalt  }
0x81: {  	_ =	shalt  }
0x82: {  	_ =	shalt  }
0x83: {  	_ =	shalt  }
0x84: {  	_ =	shalt  }
0x85: {  	_ =	shalt  }
0x86: {  	_ =	shalt  }
0x87: {  	_ =	shalt  }
.Lfunc_end0:
.L_simem_size_0:
called_computation.1_lowered:
.L_overlay_start_0:
0x88: {  	s2 =	sld [smem:$0x3FD9]  }
0x89: {  	s3 =	sld [smem:$0x3FFE];
	_ =	sdelay $0x1  }
0x8a: {  	s1 =	srdreg.scid  }
0x8b: {  	s0 =	sand.u32 $0x1, s1  }
0x8c: {  	s17 =	sshll.u32 s0, $0xA;
	s2 =	sadd.s32 s3, s2  }
0x8d: {  	s2 =	sadd.s32 s2, s17  }
0x8e: {  	[smem:$0x3FC6] =	sst s2  }
0x8f: {  	_ = 	snop  }
0x90: {  	s2 =	sld [smem:$0x3FD0];
	(tm) =	ssettm $0x1  }
0x91: {  	s18 =	sld [smem:$0x3FFB];
	_ =	sdelay $0x3  }
0x92: {  	_ =	strace s18  }
0x93: {  	s3 =	sld [smem:$0x3FFC];
	_ =	sdelay $0x3  }
0x94: {  	_ =	strace s3  }
0x95: {  	s3 =	sld [smem:$0x3FFD];
	_ =	sdelay $0x3  }
0x96: {  	_ =	strace s3  }
0x97: {  	_ =	strace $0x8FFFFFFF  }
0x98: {  	s19 =	sld [smem:$0x3FDB];
	_ =	sdelay $0x1  }
0x99: {  	s4 =	simm.s32 $_scs_section_size  }
0x9a: {  	s5 =	simm.s32 $_size__tile_overlayer_lowered;
	s6 =	simm.s32 $_tile_overlayer_lowered  }
0x9b: {  	s22 =	simm.s32 $0x1BFF;
	s21 =	sshll.u32 s6, $0x1;
	s3 =	sadd.s32 s4, s19  }
0x9c: {  	s7 =	simm.s32 $0x0;
	s20 =	sshll.u32 s5, $0x1;
	s5 =	sadd.s32 s21, s3  }
0x9d: {  	[timem:s7], [sflag:s22] =	dma.local [hbm:s5], s20  }
0x9e: {  	_ =	swait.ge [sflag:s22], s20  }
0x9f: {  	s4 =	ssub.s32 $0x0, s20;
	[sflag:s22] =	ssyncset.done $0x0  }
0xa0: {  	[sflag:s22] =	ssyncadd.s32 s4;
	_ =	sdelay $0x1  }
0xa1: {  	s23 =	simm.s32 $0x1B8B  }
0xa2: {  	_ =	swait.ge [sflag:s23], $0x1  }
0xa3: {  	[sflag:s23] =	ssyncset.done $0x0  }
0xa4: {  	s25 =	simm.s32 $0x1B8E;
	s24 =	sld [smem:$0x3FFE];
	[sflag:s23] =	ssyncadd.s32 $0xFFFFFFFF  }
0xa5: {  	s26 =	simm.s32 $execute0_lowered;
	[smem:$0x3FD2] =	sst s25  }
0xa6: {  	s5 =	sshll.u32 s26, $0x1;
	_ =	strace $0x80000046;
	[dreg:$0x1] =	wrdreg $0xFFFFFFFF  }
0xa7: {  	s28 =	simm.s32 $_size_execute0_lowered;
	s3 =	sadd.s32 s3, s5;
	[dreg:$0x0] =	wrdreg $0x0  }
0xa8: {  	s5 =	sshll.u32 s28, $0x1;
	[dreg:$0x2] =	wrdreg s3  }
0xa9: {  	[dreg:$0x3] =	wrdreg s5  }
0xaa: {  	[dreg:$0x4] =	wrdreg $0xC0  }
0xab: {  	_ =	task [dreg:s7], $0x5FFFF  }
0xac: {  	[dreg:$0x1] =	wrdreg $0xFFFFFFFF  }
0xad: {  	[dreg:$0x0] =	wrdreg $0x60  }
0xae: {  	[dreg:$0x2] =	wrdreg s24  }
0xaf: {  	[dreg:$0x3] =	wrdreg s2  }
0xb0: {  	[dreg:$0x4] =	wrdreg $0x9  }
0xb1: {  	_ =	task.clear_ibuf [dreg:s7], $0x5FFFF;
	_ =	strace $0x90000046  }
0xb2: {  	s29 =	simm.s32 $0x9;
	_ =	strace $0x80000048  }
0xb3: {  	_ =	swait.ge [sflag:s29], $0x1  }
0xb4: {  	[sflag:s29] =	ssyncadd.s32 $0xFFFFFFFF  }
0xb5: {  	_ =	strace $0x90000048  }
0xb6: {  	_ =	sfence  }
0xb7: {  	s30 =	sld [smem:$0x0];
	_ =	sdelay $0x2  }
0xb8: {  	s31 =	sshll.u32 s1, $0xD;
	s1 =	sshrl.u32 s1, $0x2  }
0xb9: {  	s3 =	sand.u32 $0x4000, s31;
	s1 =	sadd.s32 s1, s30  }
0xba: {  	s0 =	sor.u32 s3, s0;
	s1 =	sshll.u32 s1, $0x11  }
0xbb: {  	s0 =	sor.u32 s1, s0  }
0xbc: {  	s0 =	sadd.s32 $0x8F2B, s0  }
0xbd: {  	[sflag:s0] =	ssyncadd.remote.s32 $0x1  }
0xbe: {  	_ =	sfence.sel $0xFFFF  }
0xbf: {  	[dreg:$0x0] =	wrdreg $0xFFFFFFFF;
	(pc) =	sbr.abs _section_cstart, $3  }
0xc0: {  	[dreg:$0x1] =	wrdreg $0xFFFFFFFF  }
0xc1: {  	_ =	task.clear_ibuf [dreg:s7], $0x2FFFF;
	_ =	strace $0x9FFFFFFF  }
0xc2: {  	(tm) =	ssettm $0x7FFFFFFF  }
0xc3: {  	_ =	shalt  }
tec
execute0_lowered:
.L_overlay_start_1:
0x0: {  	(tag) =	ssettag $0x1  }
0x1: {  	s0 =	rddreg [dreg:$0x0];
	s1 =	srdreg.scid  }
0x2: {  	s3 =	stileid.u32;
	s2 =	rddreg [dreg:$0x1];
	s12 =	simm.s32 $0x6  }
0x3: {  	s15 =	simm.s32 $0xD000;
	s16 =	simm.s32 $0x5;
	s17 =	simm.s32 $0x64  }
0x4: {  	s19 =	simm.s32 $0xE900;
	s21 =	simm.s32 $0x10200;
	s23 =	simm.s32 $0x11B00  }
0x5: {  	s29 =	simm.s32 $0x14D00;
	s31 =	simm.s32 $0x16600;
	s13 =	simm.s32 $0x19800  }
0x6: {  	s14 =	simm.s32 $0x2;
	s1 =	sand.u32 $0x1, s1;
	s4 =	sshll.u32 s3, $0x1  }
0x7: {  	s28 =	simm.s32 $0x1CA80;
	s30 =	simm.s32 $0x3;
	s5 =	sor.u32 s1, s4  }
0x8: {  	s18 =	simm.s32 $0x0;
	s3 =	simm.s32 $0x0;
	s4 =	smul.u32 $0x1A00, s5  }
0x9: {  	[smem:$0x7FF] =	sst s3;
	s1 =	ssub.s32 $0x2, s1;
	s7 =	smul.u32 $0x194000, s5  }
0xa: {  	_ =	strace $0x80000047;
	s24 =	sshrl.u32 s1, $0x1;
	s8 =	smul.u32 $0x32800, s5  }
0xb: {  	s5 =	sshll.u32 s5, $0x7;
	s6 =	sadd.s32 s4, s0;
	s4 =	sadd.s32 $0xF42E00, s0  }
0xc: {  	s0 =	ssub.s32 s1, s24;
	s25 =	sshrl.u32 s7, $0x3;
	s7 =	sadd.s32 s2, s8  }
0xd: {  	s24 =	simm.s32 $0x1;
	s6 =	sadd.s32 $0xA00, s6;
	s1 =	sadd.s32 s2, s25  }
0xe: {  	s26 =	sadd.s32 $0x650, s7;
	s11 =	smax.u32 s0, $0x1;
	[dreg:$0x3] =	wrdreg s6  }
0xf: {  	v0 =	vimm.s32 $0x0;
	vm0 =	vcmask $0x300;
	s0 =	simm.s32 $0x17F00;
	[dreg:$0x4] =	wrdreg s26;
	s9 =	sadd.s32 $0x31B60, s1  }
0x10: {  	v0 =	vsel vm0, $0x1, v0;
	s10 =	sadd.s32 $0x321B0, s1;
	s26 =	simm.s32 $0x13400;
	s1 =	simm.s32 $0x4  }
.LBB2_1:
0x11: {  	s6 =	rddreg [dreg:$0x3]  }
0x12: {  	[tilespmem:s3], [sflag:$0x6] =	stream.linear.gather [hbm4b:s6+s3], $0xD000, $0x38;
	[tilespmem:$0x1FD10] =	vst v63  }
0x13: {  	_ =	swait.ge [sflag:s12], $0xD000  }
0x14: {  	[sflag:s12] =	ssyncset.done $0x0  }
0x15: {  	[sflag:s12] =	ssyncadd.s32 $0xFFFF3000  }
0x16: {  	s25 =	simm.s32 $0x10;
	s8 =	simm.s32 $0x1FD00;
	[tilespmem:$0x1FD00] =	vst v0  }
0x17: {  	[tilespmem:s15], [sflag:$0x5] =	stream.indirect.gather [hbm4b:s4+s25], $0x40, s8, s25, $0xb8;
	[tilespmem:$0x1FD10] =	vst v63  }
0x18: {  	_ =	swait.ge [sflag:s16], $0x400  }
0x19: {  	[sflag:s16] =	ssyncset.done $0x0  }
0x1a: {  	[sflag:s16] =	ssyncadd.s32 $0xFFFFFC00  }
0x1b: {  	v1 =	vld [tilespmem:$0xD000]  }
0x1c: {  	v2 =	vld [tilespmem:$0xD040]  }
0x1d: {  	v3 =	vld [tilespmem:$0xD010]  }
0x1e: {  	v4 =	vld [tilespmem:$0xD050]  }
0x1f: {  	v5 =	vld [tilespmem:$0xD020]  }
0x20: {  	v6 =	vld [tilespmem:$0xD060];
	v1 =	vadd.f32 v1, v1  }
0x21: {  	v7 =	vld [tilespmem:$0xD030];
	v2 =	vadd.f32 v2, v2  }
0x22: {  	[tilespmem:$0x19800] =	vst v1;
	v1 =	vadd.f32 v3, v3;
	v3 =	vld [tilespmem:$0xD070]  }
0x23: {  	[tilespmem:$0x1CA40] =	vst v2;
	v2 =	vadd.f32 v4, v4;
	v4 =	vld [tilespmem:$0xD000]  }
0x24: {  	[tilespmem:$0x19810] =	vst v1;
	v1 =	vadd.f32 v5, v5;
	v5 =	vld [tilespmem:$0xD040]  }
0x25: {  	[tilespmem:$0x1CA50] =	vst v2;
	v2 =	vadd.f32 v6, v6;
	v6 =	vld [tilespmem:$0xD010]  }
0x26: {  	[tilespmem:$0x19820] =	vst v1;
	v1 =	vadd.f32 v7, v7;
	v7 =	vld [tilespmem:$0xD050]  }
0x27: {  	[tilespmem:$0x1CA60] =	vst v2;
	v2 =	vadd.f32 v3, v3;
	v3 =	vld [tilespmem:$0xD020]  }
0x28: {  	[tilespmem:$0x19830] =	vst v1;
	v1 =	vadd.f32 v4, v4;
	v4 =	vld [tilespmem:$0xD060]  }
0x29: {  	[tilespmem:$0x1CA70] =	vst v2;
	v2 =	vadd.f32 v5, v5;
	v5 =	vld [tilespmem:$0xD030]  }
0x2a: {  	[tilespmem:$0x1CA80] =	vst v1;
	v1 =	vadd.f32 v6, v6;
	v6 =	vld [tilespmem:$0xD070]  }
0x2b: {  	[tilespmem:$0x1FCC0] =	vst v2;
	v2 =	vadd.f32 v7, v7  }
0x2c: {  	[tilespmem:$0x1CA90] =	vst v1;
	v1 =	vadd.f32 v3, v3  }
0x2d: {  	[tilespmem:$0x1FCD0] =	vst v2;
	v2 =	vadd.f32 v4, v4  }
0x2e: {  	[tilespmem:$0x1CAA0] =	vst v1;
	v1 =	vadd.f32 v5, v5  }
0x2f: {  	[tilespmem:$0x1FCE0] =	vst v2;
	v2 =	vadd.f32 v6, v6  }
0x30: {  	[tilespmem:$0x1CAB0] =	vst v1  }
0x31: {  	[tilespmem:$0x1FCF0] =	vst v2  }
0x32: {  	[tilespmem:s15], [sflag:$0x1] =	stream.indirect.gather [hbm4b:s4+s17], $0x40, s3, s17, $0xb8;
	[tilespmem:$0x1FD10] =	vst v63  }
0x33: {  	s8 =	simm.s32 $0x68  }
0x34: {  	[tilespmem:s19], [sflag:$0x1] =	stream.indirect.gather [hbm4b:s4+s17], $0x40, s8, s17, $0xb8;
	[tilespmem:$0x1FD10] =	vst v63  }
0x35: {  	s20 =	simm.s32 $0xD0  }
0x36: {  	[tilespmem:s21], [sflag:$0x1] =	stream.indirect.gather [hbm4b:s4+s17], $0x40, s20, s17, $0xb8;
	[tilespmem:$0x1FD10] =	vst v63  }
0x37: {  	s22 =	simm.s32 $0x138  }
0x38: {  	[tilespmem:s23], [sflag:$0x1] =	stream.indirect.gather [hbm4b:s4+s17], $0x40, s22, s17, $0xb8;
	[tilespmem:$0x1FD10] =	vst v63  }
0x39: {  	_ =	swait.ge [sflag:s24], $0x6400  }
0x3a: {  	[sflag:s24] =	ssyncset.done $0x0  }
0x3b: {  	s25 =	simm.s32 $0x1A0;
	[sflag:s24] =	ssyncadd.s32 $0xFFFF9C00  }
0x3c: {  	[tilespmem:s26], [sflag:$0x2] =	stream.indirect.gather [hbm4b:s4+s17], $0x40, s25, s17, $0xb8;
	[tilespmem:$0x1FD10] =	vst v63  }
0x3d: {  	s8 =	simm.s32 $0x208  }
0x3e: {  	[tilespmem:s29], [sflag:$0x2] =	stream.indirect.gather [hbm4b:s4+s17], $0x40, s8, s17, $0xb8;
	[tilespmem:$0x1FD10] =	vst v63  }
0x3f: {  	s20 =	simm.s32 $0x270  }
0x40: {  	[tilespmem:s31], [sflag:$0x2] =	stream.indirect.gather [hbm4b:s4+s17], $0x40, s20, s17, $0xb8;
	[tilespmem:$0x1FD10] =	vst v63  }
0x41: {  	s22 =	simm.s32 $0x2D8;
	s25 =	simm.s32 $0xD200  }
0x42: {  	[tilespmem:s0], [sflag:$0x2] =	stream.indirect.gather [hbm4b:s4+s17], $0x40, s22, s17, $0xb8;
	[tilespmem:$0x1FD10] =	vst v63  }
0x43: {  	v1 =	vld [tilespmem:s25+$0x180]  }
0x44: {  	v2 =	vld [tilespmem:s25+$0x1C0]  }
0x45: {  	v3 =	vld [tilespmem:s25+$0xFFFFFE40]  }
0x46: {  	v4 =	vld [tilespmem:s25+$0xFFFFFE80]  }
0x47: {  	v5 =	vld [tilespmem:s25+$0xFFFFFEC0]  }
0x48: {  	v6 =	vld [tilespmem:s25+$0xFFFFFF00]  }
0x49: {  	v7 =	vld [tilespmem:s25+$0xFFFFFF40]  }
0x4a: {  	v8 =	vld [tilespmem:s25+$0xFFFFFFC0]  }
0x4b: {  	v10 =	vld [tilespmem:s25+$0x0]  }
0x4c: {  	v11 =	vld [tilespmem:s25+$0x40]  }
0x4d: {  	v12 =	vld [tilespmem:s25+$0x80]  }
0x4e: {  	v13 =	vld [tilespmem:s25+$0xC0]  }
0x4f: {  	v14 =	vld [tilespmem:s25+$0x100];
	v1 =	vadd.f32 v2, v1  }
0x50: {  	s6 =	simm.s32 $0x19920;
	v2 =	vld [tilespmem:s25+$0xFFFFFF80]  }
0x51: {  	v4 =	vadd.f32 v5, v4;
	v5 =	vld [tilespmem:s25+$0xFFFFFE00];
	[tilespmem:s6+$0xE0] =	vst v1  }
0x52: {  	v1 =	vld [tilespmem:s25+$0x190]  }
0x53: {  	v9 =	vld [tilespmem:s25+$0x1D0]  }
0x54: {  	v48 =	vld [tilespmem:s25+$0x140];
	[tilespmem:s6+$0xFFFFFF60] =	vst v4;
	v4 =	vadd.f32 v7, v6  }
0x55: {  	v7 =	vld [tilespmem:s25+$0xFFFFFE90]  }
0x56: {  	[tilespmem:s6+$0xFFFFFFA0] =	vst v4;
	v4 =	vld [tilespmem:s25+$0xFFFFFED0];
	v2 =	vadd.f32 v8, v2  }
0x57: {  	v3 =	vadd.f32 v3, v5;
	v5 =	vld [tilespmem:s25+$0xFFFFFF10]  }
0x58: {  	[tilespmem:s6+$0xFFFFFFE0] =	vst v2;
	v2 =	vld [tilespmem:s25+$0xFFFFFF50];
	v1 =	vadd.f32 v9, v1  }
0x59: {  	[tilespmem:s6+$0xFFFFFF20] =	vst v3;
	v3 =	vld [tilespmem:s25+$0xFFFFFF90]  }
0x5a: {  	v51 =	vld [tilespmem:s25+$0xFFFFFFD0];
	[tilespmem:s6+$0xF0] =	vst v1  }
0x5b: {  	v4 =	vadd.f32 v4, v7;
	v1 =	vld [tilespmem:s25+$0x1A0]  }
0x5c: {  	v6 =	vld [tilespmem:s25+$0x1E0]  }
0x5d: {  	v8 =	vld [tilespmem:s25+$0xFFFFFE50];
	[tilespmem:s6+$0xFFFFFF70] =	vst v4;
	v2 =	vadd.f32 v2, v5  }
0x5e: {  	v5 =	vld [tilespmem:s25+$0xFFFFFEA0]  }
0x5f: {  	[tilespmem:s6+$0xFFFFFFB0] =	vst v2;
	v2 =	vadd.f32 v51, v3;
	v3 =	vld [tilespmem:s25+$0xFFFFFEE0]  }
0x60: {  	v55 =	vld [tilespmem:s25+$0xFFFFFF20]  }
0x61: {  	v56 =	vld [tilespmem:s25+$0xFFFFFF60];
	v1 =	vadd.f32 v6, v1  }
0x62: {  	v6 =	vld [tilespmem:s25+$0xFFFFFE10];
	[tilespmem:s6+$0xFFFFFFF0] =	vst v2  }
0x63: {  	v57 =	vld [tilespmem:s25+$0xFFFFFFA0];
	[tilespmem:s6+$0x100] =	vst v1;
	v1 =	vadd.f32 v11, v10  }
0x64: {  	v49 =	vld [tilespmem:s25+$0x1B0]  }
0x65: {  	v50 =	vld [tilespmem:s25+$0x1F0];
	v3 =	vadd.f32 v3, v5;
	[tilespmem:s6+$0x20] =	vst v1  }
0x66: {  	v1 =	vadd.f32 v13, v12;
	v52 =	vld [tilespmem:s25+$0x10]  }
0x67: {  	v53 =	vld [tilespmem:s25+$0x50];
	[tilespmem:s6+$0xFFFFFF80] =	vst v3;
	v3 =	vadd.f32 v56, v55  }
0x68: {  	[tilespmem:s6+$0x60] =	vst v1;
	v1 =	vadd.f32 v48, v14;
	v60 =	vld [tilespmem:s25+$0xFFFFFEB0]  }
0x69: {  	v54 =	vld [tilespmem:s25+$0x90];
	[tilespmem:s6+$0xFFFFFFC0] =	vst v3  }
0x6a: {  	[tilespmem:s6+$0xA0] =	vst v1;
	v1 =	vadd.f32 v8, v6;
	v6 =	vld [tilespmem:s25+$0xD0]  }
0x6b: {  	v61 =	vld [tilespmem:s25+$0xFFFFFF30]  }
0x6c: {  	v62 =	vld [tilespmem:s25+$0xFFFFFF70]  }
0x6d: {  	v8 =	vld [tilespmem:s25+$0x110]  }
0x6e: {  	[tilespmem:s6+$0xFFFFFF30] =	vst v1;
	v1 =	vld [tilespmem:s25+$0x150]  }
0x6f: {  	v2 =	vadd.f32 v53, v52;
	v7 =	vld [tilespmem:s25+$0xFFFFFE20]  }
0x70: {  	v4 =	vld [tilespmem:s25+$0xFFFFFE60]  }
0x71: {  	[tilespmem:s6+$0x30] =	vst v2;
	v2 =	vadd.f32 v6, v54;
	v6 =	vld [tilespmem:s25+$0xFFFFFFE0]  }
0x72: {  	v58 =	vld [tilespmem:s25+$0x20]  }
0x73: {  	[tilespmem:s6+$0x70] =	vst v2;
	v1 =	vadd.f32 v1, v8;
	v2 =	vld [tilespmem:s25+$0x60]  }
0x74: {  	v8 =	vld [tilespmem:s25+$0xA0]  }
0x75: {  	v4 =	vadd.f32 v4, v7;
	[tilespmem:s6+$0xB0] =	vst v1;
	v1 =	vld [tilespmem:s25+$0xE0]  }
0x76: {  	v7 =	vld [tilespmem:s25+$0x120]  }
0x77: {  	[tilespmem:s6+$0xFFFFFF40] =	vst v4;
	v4 =	vld [tilespmem:s25+$0x160]  }
0x78: {  	v3 =	vadd.f32 v6, v57;
	v5 =	vld [tilespmem:s25+$0xFFFFFE30]  }
0x79: {  	v59 =	vld [tilespmem:s25+$0xFFFFFE70]  }
0x7a: {  	v6 =	vld [tilespmem:s25+$0xFFFFFEF0];
	[tilespmem:s6+$0x0] =	vst v3;
	v2 =	vadd.f32 v2, v58  }
0x7b: {  	v3 =	vadd.f32 v50, v49;
	v63 =	vld [tilespmem:s25+$0xFFFFFFB0]  }
0x7c: {  	[tilespmem:s6+$0x40] =	vst v2;
	v2 =	vadd.f32 v1, v8;
	v8 =	vld [tilespmem:s25+$0xFFFFFFF0]  }
0x7d: {  	[tilespmem:s6+$0x110] =	vst v3;
	v4 =	vadd.f32 v4, v7;
	v1 =	vld [tilespmem:s25+$0x30]  }
0x7e: {  	v3 =	vld [tilespmem:s25+$0x70];
	[tilespmem:s6+$0x80] =	vst v2;
	v5 =	vadd.f32 v59, v5  }
0x7f: {  	[tilespmem:s6+$0xC0] =	vst v4;
	v4 =	vadd.f32 v6, v60;
	v2 =	vld [tilespmem:s25+$0xB0]  }
0x80: {  	v6 =	vadd.f32 v62, v61;
	[tilespmem:s6+$0xFFFFFF50] =	vst v5;
	v5 =	vld [tilespmem:s25+$0xF0]  }
0x81: {  	[tilespmem:s6+$0xFFFFFF90] =	vst v4;
	v4 =	vld [tilespmem:s25+$0x130];
	v7 =	vadd.f32 v8, v63  }
0x82: {  	s20 =	simm.s32 $0x0;
	s22 =	simm.s32 $0xD600;
	[tilespmem:s6+$0xFFFFFFD0] =	vst v6;
	v6 =	vld [tilespmem:s25+$0x170]  }
.LBB2_2:
0x83: {  	v8 =	vld [tilespmem:s22+$0x180];
	[tilespmem:s6+$0x10] =	vst v7;
	v1 =	vadd.f32 v3, v1  }
0x84: {  	v3 =	vld [tilespmem:s22+$0x1C0]  }
0x85: {  	v7 =	vld [tilespmem:s22+$0xFFFFFE40];
	[tilespmem:s6+$0x50] =	vst v1;
	v1 =	vadd.f32 v5, v2  }
0x86: {  	v2 =	vld [tilespmem:s22+$0xFFFFFE80]  }
0x87: {  	s20 =	sadd.s32 $0x8, s20;
	v5 =	vld [tilespmem:s22+$0xFFFFFEC0];
	[tilespmem:s6+$0x90] =	vst v1;
	v1 =	vadd.f32 v6, v4  }
0x88: {  	p0 =	slt.u32 s20, $0xC0;
	v4 =	vld [tilespmem:s22+$0xFFFFFF00]  }
0x89: {  	v6 =	vld [tilespmem:s22+$0xFFFFFF40];
	v3 =	vadd.f32 v3, v8;
	[tilespmem:s6+$0xD0] =	vst v1  }
0x8a: {  	s6 =	sadd.s32 $0x200, s6;
	v1 =	vld [tilespmem:s22+$0xFFFFFF80]  }
0x8b: {  	v8 =	vld [tilespmem:s22+$0xFFFFFFC0];
	[tilespmem:s6+$0xE0] =	vst v3  }
0x8c: {  	v2 =	vadd.f32 v5, v2;
	v3 =	vld [tilespmem:s22+$0x190]  }
0x8d: {  	v5 =	vld [tilespmem:s22+$0x1D0]  }
0x8e: {  	[tilespmem:s6+$0xFFFFFF60] =	vst v2;
	v2 =	vadd.f32 v6, v4;
	v4 =	vld [tilespmem:s22+$0x0]  }
0x8f: {  	v6 =	vld [tilespmem:s22+$0x40]  }
0x90: {  	[tilespmem:s6+$0xFFFFFFA0] =	vst v2;
	v1 =	vadd.f32 v8, v1;
	v2 =	vld [tilespmem:s22+$0x80]  }
0x91: {  	v8 =	vld [tilespmem:s22+$0xC0]  }
0x92: {  	[tilespmem:s6+$0xFFFFFFE0] =	vst v1;
	v1 =	vld [tilespmem:s22+$0x100];
	v3 =	vadd.f32 v5, v3  }
0x93: {  	v5 =	vld [tilespmem:s22+$0x140]  }
0x94: {  	v9 =	vld [tilespmem:s22+$0xFFFFFE00];
	v4 =	vadd.f32 v6, v4;
	[tilespmem:s6+$0xF0] =	vst v3  }
0x95: {  	v3 =	vld [tilespmem:s22+$0x1A0]  }
0x96: {  	[tilespmem:s6+$0x20] =	vst v4;
	v2 =	vadd.f32 v8, v2;
	v4 =	vld [tilespmem:s22+$0x1E0]  }
0x97: {  	v6 =	vld [tilespmem:s22+$0xFFFFFE90]  }
0x98: {  	v8 =	vld [tilespmem:s22+$0xFFFFFED0];
	[tilespmem:s6+$0x60] =	vst v2;
	v1 =	vadd.f32 v5, v1  }
0x99: {  	v2 =	vadd.f32 v7, v9;
	v5 =	vld [tilespmem:s22+$0xFFFFFF10]  }
0x9a: {  	v7 =	vld [tilespmem:s22+$0xFFFFFF50];
	[tilespmem:s6+$0xA0] =	vst v1  }
0x9b: {  	[tilespmem:s6+$0xFFFFFF20] =	vst v2;
	v1 =	vld [tilespmem:s22+$0xFFFFFF90];
	v2 =	vadd.f32 v4, v3  }
0x9c: {  	v3 =	vld [tilespmem:s22+$0xFFFFFE10]  }
0x9d: {  	v4 =	vld [tilespmem:s22+$0xFFFFFE50];
	v6 =	vadd.f32 v8, v6;
	[tilespmem:s6+$0x100] =	vst v2  }
0x9e: {  	v2 =	vld [tilespmem:s22+$0x1B0]  }
0x9f: {  	[tilespmem:s6+$0xFFFFFF70] =	vst v6;
	v5 =	vadd.f32 v7, v5;
	v6 =	vld [tilespmem:s22+$0x1F0]  }
0xa0: {  	v7 =	vld [tilespmem:s22+$0xFFFFFFD0]  }
0xa1: {  	[tilespmem:s6+$0xFFFFFFB0] =	vst v5;
	v5 =	vld [tilespmem:s22+$0x10]  }
0xa2: {  	v3 =	vadd.f32 v4, v3;
	v4 =	vld [tilespmem:s22+$0x50]  }
0xa3: {  	v8 =	vld [tilespmem:s22+$0x90]  }
0xa4: {  	[tilespmem:s6+$0xFFFFFF30] =	vst v3;
	v3 =	vld [tilespmem:s22+$0xD0];
	v2 =	vadd.f32 v6, v2  }
0xa5: {  	v1 =	vadd.f32 v7, v1;
	v6 =	vld [tilespmem:s22+$0x110]  }
0xa6: {  	v7 =	vld [tilespmem:s22+$0x150];
	[tilespmem:s6+$0x110] =	vst v2  }
0xa7: {  	v2 =	vld [tilespmem:s22+$0xFFFFFE20];
	[tilespmem:s6+$0xFFFFFFF0] =	vst v1;
	v1 =	vadd.f32 v4, v5  }
0xa8: {  	v4 =	vld [tilespmem:s22+$0xFFFFFE60]  }
0xa9: {  	v5 =	vld [tilespmem:s22+$0xFFFFFEA0];
	[tilespmem:s6+$0x30] =	vst v1;
	v1 =	vadd.f32 v3, v8  }
0xaa: {  	v3 =	vld [tilespmem:s22+$0xFFFFFEE0]  }
0xab: {  	v8 =	vld [tilespmem:s22+$0xFFFFFF20];
	[tilespmem:s6+$0x70] =	vst v1;
	v1 =	vadd.f32 v7, v6  }
0xac: {  	v6 =	vld [tilespmem:s22+$0xFFFFFF60]  }
0xad: {  	v2 =	vadd.f32 v4, v2;
	v4 =	vld [tilespmem:s22+$0xFFFFFFA0];
	[tilespmem:s6+$0xB0] =	vst v1  }
0xae: {  	v1 =	vld [tilespmem:s22+$0xFFFFFFE0]  }
0xaf: {  	[tilespmem:s6+$0xFFFFFF40] =	vst v2;
	v2 =	vadd.f32 v3, v5;
	v3 =	vld [tilespmem:s22+$0x20]  }
0xb0: {  	v5 =	vld [tilespmem:s22+$0x60]  }
0xb1: {  	[tilespmem:s6+$0xFFFFFF80] =	vst v2;
	v2 =	vadd.f32 v6, v8;
	v6 =	vld [tilespmem:s22+$0xA0]  }
0xb2: {  	v7 =	vld [tilespmem:s22+$0xE0]  }
0xb3: {  	[tilespmem:s6+$0xFFFFFFC0] =	vst v2;
	v1 =	vadd.f32 v1, v4;
	v2 =	vld [tilespmem:s22+$0x120]  }
0xb4: {  	v4 =	vld [tilespmem:s22+$0x160]  }
0xb5: {  	v8 =	vld [tilespmem:s22+$0xFFFFFE30];
	[tilespmem:s6+$0x0] =	vst v1;
	v1 =	vadd.f32 v5, v3  }
0xb6: {  	v3 =	vld [tilespmem:s22+$0xFFFFFE70]  }
0xb7: {  	v5 =	vld [tilespmem:s22+$0xFFFFFEB0];
	[tilespmem:s6+$0x40] =	vst v1;
	v1 =	vadd.f32 v7, v6  }
0xb8: {  	v6 =	vld [tilespmem:s22+$0xFFFFFEF0]  }
0xb9: {  	v7 =	vld [tilespmem:s22+$0xFFFFFF30];
	[tilespmem:s6+$0x80] =	vst v1;
	v1 =	vadd.f32 v4, v2  }
0xba: {  	v2 =	vld [tilespmem:s22+$0xFFFFFF70]  }
0xbb: {  	v3 =	vadd.f32 v3, v8;
	v4 =	vld [tilespmem:s22+$0xFFFFFFB0];
	[tilespmem:s6+$0xC0] =	vst v1  }
0xbc: {  	v8 =	vld [tilespmem:s22+$0xFFFFFFF0]  }
0xbd: {  	[tilespmem:s6+$0xFFFFFF50] =	vst v3;
	v5 =	vadd.f32 v6, v5;
	v1 =	vld [tilespmem:s22+$0x30]  }
.Ltmp0:
0xbe: {  	v3 =	vld [tilespmem:s22+$0x70];
	(pc) =	sbr.rel @p0 .LBB2_2-.Ltmp0, $4  }
0xbf: {  	[tilespmem:s6+$0xFFFFFF90] =	vst v5;
	v6 =	vadd.f32 v2, v7;
	v2 =	vld [tilespmem:s22+$0xB0]  }
0xc0: {  	v5 =	vld [tilespmem:s22+$0xF0]  }
0xc1: {  	[tilespmem:s6+$0xFFFFFFD0] =	vst v6;
	v7 =	vadd.f32 v8, v4;
	v4 =	vld [tilespmem:s22+$0x130]  }
0xc2: {  	v6 =	vld [tilespmem:s22+$0x170];
	s22 =	sadd.s32 $0x400, s22  }
0xc3: {  	_ =	sdelay $0x1  }
0xc4: {  	v1 =	vadd.f32 v3, v1  }
0xc5: {  	[tilespmem:s6+$0x10] =	vst v7;
	v2 =	vadd.f32 v5, v2  }
0xc6: {  	[tilespmem:s6+$0x50] =	vst v1;
	v1 =	vadd.f32 v6, v4  }
0xc7: {  	[tilespmem:s6+$0x90] =	vst v2  }
0xc8: {  	[tilespmem:s6+$0xD0] =	vst v1  }
0xc9: {  	[hbm4b:s7+s3] =	stream.linear.scatter [tilespmem:s13], [sflag:$0x3], $0x3280, $0x38;
	[tilespmem:$0x1FD10] =	vst v63  }
0xca: {  	_ =	swait.ge [sflag:s14], $0x6400  }
0xcb: {  	[sflag:s14] =	ssyncset.done $0x0  }
0xcc: {  	s8 =	simm.s32 $0x340;
	[sflag:s14] =	ssyncadd.s32 $0xFFFF9C00  }
0xcd: {  	[tilespmem:s15], [sflag:$0x1] =	stream.indirect.gather [hbm4b:s4+s17], $0x40, s8, s17, $0xb8;
	[tilespmem:$0x1FD10] =	vst v63  }
0xce: {  	s20 =	simm.s32 $0x3A8  }
0xcf: {  	[tilespmem:s19], [sflag:$0x1] =	stream.indirect.gather [hbm4b:s4+s17], $0x40, s20, s17, $0xb8;
	[tilespmem:$0x1FD10] =	vst v63  }
0xd0: {  	s22 =	simm.s32 $0x410  }
0xd1: {  	[tilespmem:s21], [sflag:$0x1] =	stream.indirect.gather [hbm4b:s4+s17], $0x40, s22, s17, $0xb8;
	[tilespmem:$0x1FD10] =	vst v63  }
0xd2: {  	s25 =	simm.s32 $0x478;
	s8 =	simm.s32 $0x13600  }
0xd3: {  	[tilespmem:s23], [sflag:$0x1] =	stream.indirect.gather [hbm4b:s4+s17], $0x40, s25, s17, $0xb8;
	[tilespmem:$0x1FD10] =	vst v63  }
0xd4: {  	v1 =	vld [tilespmem:s8+$0x180]  }
0xd5: {  	v2 =	vld [tilespmem:s8+$0x1C0]  }
0xd6: {  	v3 =	vld [tilespmem:s8+$0xFFFFFE40]  }
0xd7: {  	v4 =	vld [tilespmem:s8+$0xFFFFFE80]  }
0xd8: {  	v5 =	vld [tilespmem:s8+$0xFFFFFEC0]  }
0xd9: {  	v6 =	vld [tilespmem:s8+$0xFFFFFF00]  }
0xda: {  	v7 =	vld [tilespmem:s8+$0xFFFFFF40]  }
0xdb: {  	v8 =	vld [tilespmem:s8+$0xFFFFFFC0]  }
0xdc: {  	v10 =	vld [tilespmem:s8+$0x0]  }
0xdd: {  	v11 =	vld [tilespmem:s8+$0x40]  }
0xde: {  	v12 =	vld [tilespmem:s8+$0x80]  }
0xdf: {  	v13 =	vld [tilespmem:s8+$0xC0]  }
0xe0: {  	v14 =	vld [tilespmem:s8+$0x100];
	v1 =	vadd.f32 v2, v1  }
0xe1: {  	s6 =	simm.s32 $0x1CBA0;
	v2 =	vld [tilespmem:s8+$0xFFFFFF80]  }
0xe2: {  	v4 =	vadd.f32 v5, v4;
	v5 =	vld [tilespmem:s8+$0xFFFFFE00];
	[tilespmem:s6+$0xE0] =	vst v1  }
0xe3: {  	v1 =	vld [tilespmem:s8+$0x190]  }
0xe4: {  	v9 =	vld [tilespmem:s8+$0x1D0]  }
0xe5: {  	v48 =	vld [tilespmem:s8+$0x140];
	[tilespmem:s6+$0xFFFFFF60] =	vst v4;
	v4 =	vadd.f32 v7, v6  }
0xe6: {  	v7 =	vld [tilespmem:s8+$0xFFFFFE90]  }
0xe7: {  	[tilespmem:s6+$0xFFFFFFA0] =	vst v4;
	v4 =	vld [tilespmem:s8+$0xFFFFFED0];
	v2 =	vadd.f32 v8, v2  }
0xe8: {  	v3 =	vadd.f32 v3, v5;
	v5 =	vld [tilespmem:s8+$0xFFFFFF10]  }
0xe9: {  	[tilespmem:s6+$0xFFFFFFE0] =	vst v2;
	v2 =	vld [tilespmem:s8+$0xFFFFFF50];
	v1 =	vadd.f32 v9, v1  }
0xea: {  	[tilespmem:s6+$0xFFFFFF20] =	vst v3;
	v3 =	vld [tilespmem:s8+$0xFFFFFF90]  }
0xeb: {  	v51 =	vld [tilespmem:s8+$0xFFFFFFD0];
	[tilespmem:s6+$0xF0] =	vst v1  }
0xec: {  	v4 =	vadd.f32 v4, v7;
	v1 =	vld [tilespmem:s8+$0x1A0]  }
0xed: {  	v6 =	vld [tilespmem:s8+$0x1E0]  }
0xee: {  	v8 =	vld [tilespmem:s8+$0xFFFFFE50];
	[tilespmem:s6+$0xFFFFFF70] =	vst v4;
	v2 =	vadd.f32 v2, v5  }
0xef: {  	v5 =	vld [tilespmem:s8+$0xFFFFFEA0]  }
0xf0: {  	[tilespmem:s6+$0xFFFFFFB0] =	vst v2;
	v2 =	vadd.f32 v51, v3;
	v3 =	vld [tilespmem:s8+$0xFFFFFEE0]  }
0xf1: {  	v55 =	vld [tilespmem:s8+$0xFFFFFF20]  }
0xf2: {  	v56 =	vld [tilespmem:s8+$0xFFFFFF60];
	v1 =	vadd.f32 v6, v1  }
0xf3: {  	v6 =	vld [tilespmem:s8+$0xFFFFFE10];
	[tilespmem:s6+$0xFFFFFFF0] =	vst v2  }
0xf4: {  	v57 =	vld [tilespmem:s8+$0xFFFFFFA0];
	[tilespmem:s6+$0x100] =	vst v1;
	v1 =	vadd.f32 v11, v10  }
0xf5: {  	v49 =	vld [tilespmem:s8+$0x1B0]  }
0xf6: {  	v50 =	vld [tilespmem:s8+$0x1F0];
	v3 =	vadd.f32 v3, v5;
	[tilespmem:s6+$0x20] =	vst v1  }
0xf7: {  	v1 =	vadd.f32 v13, v12;
	v52 =	vld [tilespmem:s8+$0x10]  }
0xf8: {  	v53 =	vld [tilespmem:s8+$0x50];
	[tilespmem:s6+$0xFFFFFF80] =	vst v3;
	v3 =	vadd.f32 v56, v55  }
0xf9: {  	[tilespmem:s6+$0x60] =	vst v1;
	v1 =	vadd.f32 v48, v14;
	v60 =	vld [tilespmem:s8+$0xFFFFFEB0]  }
0xfa: {  	v54 =	vld [tilespmem:s8+$0x90];
	[tilespmem:s6+$0xFFFFFFC0] =	vst v3  }
0xfb: {  	[tilespmem:s6+$0xA0] =	vst v1;
	v1 =	vadd.f32 v8, v6;
	v6 =	vld [tilespmem:s8+$0xD0]  }
0xfc: {  	v61 =	vld [tilespmem:s8+$0xFFFFFF30]  }
0xfd: {  	v62 =	vld [tilespmem:s8+$0xFFFFFF70]  }
0xfe: {  	v8 =	vld [tilespmem:s8+$0x110]  }
0xff: {  	[tilespmem:s6+$0xFFFFFF30] =	vst v1;
	v1 =	vld [tilespmem:s8+$0x150]  }
0x100: {  	v2 =	vadd.f32 v53, v52;
	v7 =	vld [tilespmem:s8+$0xFFFFFE20]  }
0x101: {  	v4 =	vld [tilespmem:s8+$0xFFFFFE60]  }
0x102: {  	[tilespmem:s6+$0x30] =	vst v2;
	v2 =	vadd.f32 v6, v54;
	v6 =	vld [tilespmem:s8+$0xFFFFFFE0]  }
0x103: {  	v58 =	vld [tilespmem:s8+$0x20]  }
0x104: {  	[tilespmem:s6+$0x70] =	vst v2;
	v1 =	vadd.f32 v1, v8;
	v2 =	vld [tilespmem:s8+$0x60]  }
0x105: {  	v8 =	vld [tilespmem:s8+$0xA0]  }
0x106: {  	v4 =	vadd.f32 v4, v7;
	[tilespmem:s6+$0xB0] =	vst v1;
	v1 =	vld [tilespmem:s8+$0xE0]  }
0x107: {  	v7 =	vld [tilespmem:s8+$0x120]  }
0x108: {  	[tilespmem:s6+$0xFFFFFF40] =	vst v4;
	v4 =	vld [tilespmem:s8+$0x160]  }
0x109: {  	v3 =	vadd.f32 v6, v57;
	v5 =	vld [tilespmem:s8+$0xFFFFFE30]  }
0x10a: {  	v59 =	vld [tilespmem:s8+$0xFFFFFE70]  }
0x10b: {  	v6 =	vld [tilespmem:s8+$0xFFFFFEF0];
	[tilespmem:s6+$0x0] =	vst v3;
	v2 =	vadd.f32 v2, v58  }
0x10c: {  	v3 =	vadd.f32 v50, v49;
	v63 =	vld [tilespmem:s8+$0xFFFFFFB0]  }
0x10d: {  	[tilespmem:s6+$0x40] =	vst v2;
	v2 =	vadd.f32 v1, v8;
	v8 =	vld [tilespmem:s8+$0xFFFFFFF0]  }
0x10e: {  	[tilespmem:s6+$0x110] =	vst v3;
	v4 =	vadd.f32 v4, v7;
	v1 =	vld [tilespmem:s8+$0x30]  }
0x10f: {  	v3 =	vld [tilespmem:s8+$0x70];
	[tilespmem:s6+$0x80] =	vst v2;
	v5 =	vadd.f32 v59, v5  }
0x110: {  	[tilespmem:s6+$0xC0] =	vst v4;
	v4 =	vadd.f32 v6, v60;
	v2 =	vld [tilespmem:s8+$0xB0]  }
0x111: {  	v6 =	vadd.f32 v62, v61;
	[tilespmem:s6+$0xFFFFFF50] =	vst v5;
	v5 =	vld [tilespmem:s8+$0xF0]  }
0x112: {  	[tilespmem:s6+$0xFFFFFF90] =	vst v4;
	v4 =	vld [tilespmem:s8+$0x130];
	v7 =	vadd.f32 v8, v63  }
0x113: {  	s20 =	simm.s32 $0x0;
	s22 =	simm.s32 $0x13A00;
	[tilespmem:s6+$0xFFFFFFD0] =	vst v6;
	v6 =	vld [tilespmem:s8+$0x170]  }
.LBB2_4:
0x114: {  	v8 =	vld [tilespmem:s22+$0x180];
	[tilespmem:s6+$0x10] =	vst v7;
	v1 =	vadd.f32 v3, v1  }
0x115: {  	v3 =	vld [tilespmem:s22+$0x1C0]  }
0x116: {  	v7 =	vld [tilespmem:s22+$0xFFFFFE40];
	[tilespmem:s6+$0x50] =	vst v1;
	v1 =	vadd.f32 v5, v2  }
0x117: {  	v2 =	vld [tilespmem:s22+$0xFFFFFE80]  }
0x118: {  	s20 =	sadd.s32 $0x8, s20;
	v5 =	vld [tilespmem:s22+$0xFFFFFEC0];
	[tilespmem:s6+$0x90] =	vst v1;
	v1 =	vadd.f32 v6, v4  }
0x119: {  	p0 =	slt.u32 s20, $0xC0;
	v4 =	vld [tilespmem:s22+$0xFFFFFF00]  }
0x11a: {  	v6 =	vld [tilespmem:s22+$0xFFFFFF40];
	v3 =	vadd.f32 v3, v8;
	[tilespmem:s6+$0xD0] =	vst v1  }
0x11b: {  	s6 =	sadd.s32 $0x200, s6;
	v1 =	vld [tilespmem:s22+$0xFFFFFF80]  }
0x11c: {  	v8 =	vld [tilespmem:s22+$0xFFFFFFC0];
	[tilespmem:s6+$0xE0] =	vst v3  }
0x11d: {  	v2 =	vadd.f32 v5, v2;
	v3 =	vld [tilespmem:s22+$0x190]  }
0x11e: {  	v5 =	vld [tilespmem:s22+$0x1D0]  }
0x11f: {  	[tilespmem:s6+$0xFFFFFF60] =	vst v2;
	v2 =	vadd.f32 v6, v4;
	v4 =	vld [tilespmem:s22+$0x0]  }
0x120: {  	v6 =	vld [tilespmem:s22+$0x40]  }
0x121: {  	[tilespmem:s6+$0xFFFFFFA0] =	vst v2;
	v1 =	vadd.f32 v8, v1;
	v2 =	vld [tilespmem:s22+$0x80]  }
0x122: {  	v8 =	vld [tilespmem:s22+$0xC0]  }
0x123: {  	[tilespmem:s6+$0xFFFFFFE0] =	vst v1;
	v1 =	vld [tilespmem:s22+$0x100];
	v3 =	vadd.f32 v5, v3  }
0x124: {  	v5 =	vld [tilespmem:s22+$0x140]  }
0x125: {  	v9 =	vld [tilespmem:s22+$0xFFFFFE00];
	v4 =	vadd.f32 v6, v4;
	[tilespmem:s6+$0xF0] =	vst v3  }
0x126: {  	v3 =	vld [tilespmem:s22+$0x1A0]  }
0x127: {  	[tilespmem:s6+$0x20] =	vst v4;
	v2 =	vadd.f32 v8, v2;
	v4 =	vld [tilespmem:s22+$0x1E0]  }
0x128: {  	v6 =	vld [tilespmem:s22+$0xFFFFFE90]  }
0x129: {  	v8 =	vld [tilespmem:s22+$0xFFFFFED0];
	[tilespmem:s6+$0x60] =	vst v2;
	v1 =	vadd.f32 v5, v1  }
0x12a: {  	v2 =	vadd.f32 v7, v9;
	v5 =	vld [tilespmem:s22+$0xFFFFFF10]  }
0x12b: {  	v7 =	vld [tilespmem:s22+$0xFFFFFF50];
	[tilespmem:s6+$0xA0] =	vst v1  }
0x12c: {  	[tilespmem:s6+$0xFFFFFF20] =	vst v2;
	v1 =	vld [tilespmem:s22+$0xFFFFFF90];
	v2 =	vadd.f32 v4, v3  }
0x12d: {  	v3 =	vld [tilespmem:s22+$0xFFFFFE10]  }
0x12e: {  	v4 =	vld [tilespmem:s22+$0xFFFFFE50];
	v6 =	vadd.f32 v8, v6;
	[tilespmem:s6+$0x100] =	vst v2  }
0x12f: {  	v2 =	vld [tilespmem:s22+$0x1B0]  }
0x130: {  	[tilespmem:s6+$0xFFFFFF70] =	vst v6;
	v5 =	vadd.f32 v7, v5;
	v6 =	vld [tilespmem:s22+$0x1F0]  }
0x131: {  	v7 =	vld [tilespmem:s22+$0xFFFFFFD0]  }
0x132: {  	[tilespmem:s6+$0xFFFFFFB0] =	vst v5;
	v5 =	vld [tilespmem:s22+$0x10]  }
0x133: {  	v3 =	vadd.f32 v4, v3;
	v4 =	vld [tilespmem:s22+$0x50]  }
0x134: {  	v8 =	vld [tilespmem:s22+$0x90]  }
0x135: {  	[tilespmem:s6+$0xFFFFFF30] =	vst v3;
	v3 =	vld [tilespmem:s22+$0xD0];
	v2 =	vadd.f32 v6, v2  }
0x136: {  	v1 =	vadd.f32 v7, v1;
	v6 =	vld [tilespmem:s22+$0x110]  }
0x137: {  	v7 =	vld [tilespmem:s22+$0x150];
	[tilespmem:s6+$0x110] =	vst v2  }
0x138: {  	v2 =	vld [tilespmem:s22+$0xFFFFFE20];
	[tilespmem:s6+$0xFFFFFFF0] =	vst v1;
	v1 =	vadd.f32 v4, v5  }
0x139: {  	v4 =	vld [tilespmem:s22+$0xFFFFFE60]  }
0x13a: {  	v5 =	vld [tilespmem:s22+$0xFFFFFEA0];
	[tilespmem:s6+$0x30] =	vst v1;
	v1 =	vadd.f32 v3, v8  }
0x13b: {  	v3 =	vld [tilespmem:s22+$0xFFFFFEE0]  }
0x13c: {  	v8 =	vld [tilespmem:s22+$0xFFFFFF20];
	[tilespmem:s6+$0x70] =	vst v1;
	v1 =	vadd.f32 v7, v6  }
0x13d: {  	v6 =	vld [tilespmem:s22+$0xFFFFFF60]  }
0x13e: {  	v2 =	vadd.f32 v4, v2;
	v4 =	vld [tilespmem:s22+$0xFFFFFFA0];
	[tilespmem:s6+$0xB0] =	vst v1  }
0x13f: {  	v1 =	vld [tilespmem:s22+$0xFFFFFFE0]  }
0x140: {  	[tilespmem:s6+$0xFFFFFF40] =	vst v2;
	v2 =	vadd.f32 v3, v5;
	v3 =	vld [tilespmem:s22+$0x20]  }
0x141: {  	v5 =	vld [tilespmem:s22+$0x60]  }
0x142: {  	[tilespmem:s6+$0xFFFFFF80] =	vst v2;
	v2 =	vadd.f32 v6, v8;
	v6 =	vld [tilespmem:s22+$0xA0]  }
0x143: {  	v7 =	vld [tilespmem:s22+$0xE0]  }
0x144: {  	[tilespmem:s6+$0xFFFFFFC0] =	vst v2;
	v1 =	vadd.f32 v1, v4;
	v2 =	vld [tilespmem:s22+$0x120]  }
0x145: {  	v4 =	vld [tilespmem:s22+$0x160]  }
0x146: {  	v8 =	vld [tilespmem:s22+$0xFFFFFE30];
	[tilespmem:s6+$0x0] =	vst v1;
	v1 =	vadd.f32 v5, v3  }
0x147: {  	v3 =	vld [tilespmem:s22+$0xFFFFFE70]  }
0x148: {  	v5 =	vld [tilespmem:s22+$0xFFFFFEB0];
	[tilespmem:s6+$0x40] =	vst v1;
	v1 =	vadd.f32 v7, v6  }
0x149: {  	v6 =	vld [tilespmem:s22+$0xFFFFFEF0]  }
0x14a: {  	v7 =	vld [tilespmem:s22+$0xFFFFFF30];
	[tilespmem:s6+$0x80] =	vst v1;
	v1 =	vadd.f32 v4, v2  }
0x14b: {  	v2 =	vld [tilespmem:s22+$0xFFFFFF70]  }
0x14c: {  	v3 =	vadd.f32 v3, v8;
	v4 =	vld [tilespmem:s22+$0xFFFFFFB0];
	[tilespmem:s6+$0xC0] =	vst v1  }
0x14d: {  	v8 =	vld [tilespmem:s22+$0xFFFFFFF0]  }
0x14e: {  	[tilespmem:s6+$0xFFFFFF50] =	vst v3;
	v5 =	vadd.f32 v6, v5;
	v1 =	vld [tilespmem:s22+$0x30]  }
.Ltmp1:
0x14f: {  	v3 =	vld [tilespmem:s22+$0x70];
	(pc) =	sbr.rel @p0 .LBB2_4-.Ltmp1, $4  }
0x150: {  	[tilespmem:s6+$0xFFFFFF90] =	vst v5;
	v6 =	vadd.f32 v2, v7;
	v2 =	vld [tilespmem:s22+$0xB0]  }
0x151: {  	v5 =	vld [tilespmem:s22+$0xF0]  }
0x152: {  	[tilespmem:s6+$0xFFFFFFD0] =	vst v6;
	v7 =	vadd.f32 v8, v4;
	v4 =	vld [tilespmem:s22+$0x130]  }
0x153: {  	v6 =	vld [tilespmem:s22+$0x170];
	s22 =	sadd.s32 $0x400, s22  }
0x154: {  	_ =	sdelay $0x1  }
0x155: {  	v1 =	vadd.f32 v3, v1  }
0x156: {  	[tilespmem:s6+$0x10] =	vst v7;
	v2 =	vadd.f32 v5, v2  }
0x157: {  	[tilespmem:s6+$0x50] =	vst v1;
	v1 =	vadd.f32 v6, v4  }
0x158: {  	[tilespmem:s6+$0x90] =	vst v2  }
0x159: {  	[tilespmem:s6+$0xD0] =	vst v1  }
0x15a: {  	s20 =	simm.s32 $0x1;
	s6 =	rddreg [dreg:$0x4]  }
0x15b: {  	[hbm4b:s6+s3] =	stream.linear.scatter [tilespmem:s28], [sflag:$0x4], $0x3280, $0x38;
	[tilespmem:$0x1FD10] =	vst v63  }
.LBB2_6:
0x15c: {  	s6 =	smul.u32 $0xD00, s20  }
0x15d: {  	_ =	swait.ge [sflag:s24], $0x6400  }
0x15e: {  	[sflag:s24] =	ssyncset.done $0x0;
	s22 =	sshra.s32 s6, $0x2  }
0x15f: {  	[sflag:s24] =	ssyncadd.s32 $0xFFFF9C00;
	s6 =	sadd.s32 $0x1A0, s22  }
0x160: {  	[tilespmem:s26], [sflag:$0x2] =	stream.indirect.gather [hbm4b:s4+s17], $0x40, s6, s17, $0xb8;
	[tilespmem:$0x1FD10] =	vst v63  }
0x161: {  	s25 =	sadd.s32 $0x208, s22  }
0x162: {  	[tilespmem:s29], [sflag:$0x2] =	stream.indirect.gather [hbm4b:s4+s17], $0x40, s25, s17, $0xb8;
	[tilespmem:$0x1FD10] =	vst v63  }
0x163: {  	s8 =	sadd.s32 $0x270, s22  }
0x164: {  	[tilespmem:s31], [sflag:$0x2] =	stream.indirect.gather [hbm4b:s4+s17], $0x40, s8, s17, $0xb8;
	[tilespmem:$0x1FD10] =	vst v63  }
0x165: {  	s25 =	sadd.s32 $0x2D8, s22  }
0x166: {  	[tilespmem:s0], [sflag:$0x2] =	stream.indirect.gather [hbm4b:s4+s17], $0x40, s25, s17, $0xb8;
	[tilespmem:$0x1FD10] =	vst v63  }
0x167: {  	_ =	swait.ge [sflag:s30], $0x3280  }
0x168: {  	[sflag:s30] =	ssyncset.done $0x0  }
0x169: {  	s8 =	simm.s32 $0xD200;
	[sflag:s30] =	ssyncadd.s32 $0xFFFFCD80  }
0x16a: {  	v1 =	vld [tilespmem:s8+$0x180]  }
0x16b: {  	v2 =	vld [tilespmem:s8+$0x1C0]  }
0x16c: {  	v3 =	vld [tilespmem:s8+$0xFFFFFE40]  }
0x16d: {  	v4 =	vld [tilespmem:s8+$0xFFFFFE80]  }
0x16e: {  	v5 =	vld [tilespmem:s8+$0xFFFFFEC0]  }
0x16f: {  	v6 =	vld [tilespmem:s8+$0xFFFFFF00]  }
0x170: {  	v7 =	vld [tilespmem:s8+$0xFFFFFF40]  }
0x171: {  	v8 =	vld [tilespmem:s8+$0xFFFFFFC0]  }
0x172: {  	v10 =	vld [tilespmem:s8+$0x0]  }
0x173: {  	v11 =	vld [tilespmem:s8+$0x40]  }
0x174: {  	v12 =	vld [tilespmem:s8+$0x80]  }
0x175: {  	v13 =	vld [tilespmem:s8+$0xC0]  }
0x176: {  	v14 =	vld [tilespmem:s8+$0x100];
	v1 =	vadd.f32 v2, v1  }
0x177: {  	s6 =	simm.s32 $0x19920;
	v2 =	vld [tilespmem:s8+$0xFFFFFF80]  }
0x178: {  	v4 =	vadd.f32 v5, v4;
	v5 =	vld [tilespmem:s8+$0xFFFFFE00];
	[tilespmem:s6+$0xE0] =	vst v1  }
0x179: {  	v1 =	vld [tilespmem:s8+$0x190]  }
0x17a: {  	v9 =	vld [tilespmem:s8+$0x1D0]  }
0x17b: {  	v49 =	vld [tilespmem:s8+$0x140];
	[tilespmem:s6+$0xFFFFFF60] =	vst v4;
	v4 =	vadd.f32 v7, v6  }
0x17c: {  	v7 =	vld [tilespmem:s8+$0xFFFFFE90]  }
0x17d: {  	[tilespmem:s6+$0xFFFFFFA0] =	vst v4;
	v4 =	vld [tilespmem:s8+$0xFFFFFED0];
	v2 =	vadd.f32 v8, v2  }
0x17e: {  	v3 =	vadd.f32 v3, v5;
	v5 =	vld [tilespmem:s8+$0xFFFFFF10]  }
0x17f: {  	[tilespmem:s6+$0xFFFFFFE0] =	vst v2;
	v2 =	vld [tilespmem:s8+$0xFFFFFF50];
	v1 =	vadd.f32 v9, v1  }
0x180: {  	[tilespmem:s6+$0xFFFFFF20] =	vst v3;
	v3 =	vld [tilespmem:s8+$0xFFFFFF90]  }
0x181: {  	v52 =	vld [tilespmem:s8+$0xFFFFFFD0];
	[tilespmem:s6+$0xF0] =	vst v1  }
0x182: {  	v4 =	vadd.f32 v4, v7;
	v1 =	vld [tilespmem:s8+$0x1A0]  }
0x183: {  	v6 =	vld [tilespmem:s8+$0x1E0]  }
0x184: {  	v8 =	vld [tilespmem:s8+$0xFFFFFE50];
	[tilespmem:s6+$0xFFFFFF70] =	vst v4;
	v2 =	vadd.f32 v2, v5  }
0x185: {  	v5 =	vld [tilespmem:s8+$0xFFFFFEA0]  }
0x186: {  	[tilespmem:s6+$0xFFFFFFB0] =	vst v2;
	v2 =	vadd.f32 v52, v3;
	v3 =	vld [tilespmem:s8+$0xFFFFFEE0]  }
0x187: {  	v56 =	vld [tilespmem:s8+$0xFFFFFF20]  }
0x188: {  	v57 =	vld [tilespmem:s8+$0xFFFFFF60];
	v1 =	vadd.f32 v6, v1  }
0x189: {  	v6 =	vld [tilespmem:s8+$0xFFFFFE10];
	[tilespmem:s6+$0xFFFFFFF0] =	vst v2  }
0x18a: {  	v58 =	vld [tilespmem:s8+$0xFFFFFFA0];
	[tilespmem:s6+$0x100] =	vst v1;
	v1 =	vadd.f32 v11, v10  }
0x18b: {  	v50 =	vld [tilespmem:s8+$0x1B0]  }
0x18c: {  	v51 =	vld [tilespmem:s8+$0x1F0];
	v3 =	vadd.f32 v3, v5;
	[tilespmem:s6+$0x20] =	vst v1  }
0x18d: {  	v1 =	vadd.f32 v13, v12;
	v53 =	vld [tilespmem:s8+$0x10]  }
0x18e: {  	v54 =	vld [tilespmem:s8+$0x50];
	[tilespmem:s6+$0xFFFFFF80] =	vst v3;
	v3 =	vadd.f32 v57, v56  }
0x18f: {  	[tilespmem:s6+$0x60] =	vst v1;
	v1 =	vadd.f32 v49, v14;
	v61 =	vld [tilespmem:s8+$0xFFFFFEB0]  }
0x190: {  	v55 =	vld [tilespmem:s8+$0x90];
	[tilespmem:s6+$0xFFFFFFC0] =	vst v3  }
0x191: {  	[tilespmem:s6+$0xA0] =	vst v1;
	v1 =	vadd.f32 v8, v6;
	v6 =	vld [tilespmem:s8+$0xD0]  }
0x192: {  	v62 =	vld [tilespmem:s8+$0xFFFFFF30]  }
0x193: {  	v8 =	vld [tilespmem:s8+$0x110]  }
0x194: {  	[tilespmem:s6+$0xFFFFFF30] =	vst v1;
	v1 =	vld [tilespmem:s8+$0x150]  }
0x195: {  	v2 =	vadd.f32 v54, v53;
	v7 =	vld [tilespmem:s8+$0xFFFFFE20]  }
0x196: {  	v4 =	vld [tilespmem:s8+$0xFFFFFE60]  }
0x197: {  	[tilespmem:s6+$0x30] =	vst v2;
	v2 =	vadd.f32 v6, v55;
	v6 =	vld [tilespmem:s8+$0xFFFFFFE0]  }
0x198: {  	v59 =	vld [tilespmem:s8+$0x20]  }
0x199: {  	[tilespmem:s6+$0x70] =	vst v2;
	v1 =	vadd.f32 v1, v8;
	v2 =	vld [tilespmem:s8+$0x60]  }
0x19a: {  	v8 =	vld [tilespmem:s8+$0xA0]  }
0x19b: {  	v4 =	vadd.f32 v4, v7;
	[tilespmem:s6+$0xB0] =	vst v1;
	v1 =	vld [tilespmem:s8+$0xE0]  }
0x19c: {  	v7 =	vld [tilespmem:s8+$0x120]  }
0x19d: {  	[tilespmem:s6+$0xFFFFFF40] =	vst v4;
	v4 =	vld [tilespmem:s8+$0x160]  }
0x19e: {  	v3 =	vadd.f32 v6, v58;
	v6 =	vld [tilespmem:s8+$0xFFFFFEF0]  }
0x19f: {  	v5 =	vld [tilespmem:s8+$0xFFFFFE30]  }
0x1a0: {  	v60 =	vld [tilespmem:s8+$0xFFFFFE70]  }
0x1a1: {  	[tilespmem:s6+$0x0] =	vst v3;
	v2 =	vadd.f32 v2, v59;
	v3 =	vld [tilespmem:s8+$0xFFFFFF70]  }
0x1a2: {  	v10 =	vadd.f32 v51, v50;
	v63 =	vld [tilespmem:s8+$0xFFFFFFB0]  }
0x1a3: {  	[tilespmem:s6+$0x40] =	vst v2;
	v2 =	vadd.f32 v1, v8;
	v8 =	vld [tilespmem:s8+$0xFFFFFFF0]  }
0x1a4: {  	[tilespmem:s6+$0x110] =	vst v10;
	v7 =	vadd.f32 v4, v7;
	v1 =	vld [tilespmem:s8+$0x30]  }
0x1a5: {  	v4 =	vld [tilespmem:s8+$0x70];
	[tilespmem:s6+$0x80] =	vst v2;
	v5 =	vadd.f32 v60, v5  }
0x1a6: {  	[tilespmem:s6+$0xC0] =	vst v7;
	v2 =	vld [tilespmem:s8+$0xB0];
	v7 =	vadd.f32 v3, v62  }
0x1a7: {  	v6 =	vadd.f32 v6, v61;
	[tilespmem:s6+$0xFFFFFF50] =	vst v5;
	v5 =	vld [tilespmem:s8+$0xF0]  }
0x1a8: {  	v3 =	vld [tilespmem:s8+$0x130];
	[tilespmem:s6+$0xFFFFFFD0] =	vst v7;
	v7 =	vadd.f32 v8, v63  }
0x1a9: {  	s25 =	simm.s32 $0x0;
	[tilespmem:s6+$0xFFFFFF90] =	vst v6;
	v6 =	vld [tilespmem:s8+$0x170];
	s8 =	simm.s32 $0xD600  }
.LBB2_7:
0x1aa: {  	v8 =	vld [tilespmem:s8+$0x180];
	[tilespmem:s6+$0x10] =	vst v7;
	v1 =	vadd.f32 v4, v1  }
0x1ab: {  	v4 =	vld [tilespmem:s8+$0x1C0]  }
0x1ac: {  	v7 =	vld [tilespmem:s8+$0xFFFFFE40];
	[tilespmem:s6+$0x50] =	vst v1;
	v1 =	vadd.f32 v5, v2  }
0x1ad: {  	v2 =	vld [tilespmem:s8+$0xFFFFFE80]  }
0x1ae: {  	s25 =	sadd.s32 $0x8, s25;
	v5 =	vld [tilespmem:s8+$0xFFFFFEC0];
	[tilespmem:s6+$0x90] =	vst v1;
	v1 =	vadd.f32 v6, v3  }
0x1af: {  	p0 =	slt.u32 s25, $0xC0;
	v3 =	vld [tilespmem:s8+$0xFFFFFF00]  }
0x1b0: {  	v6 =	vld [tilespmem:s8+$0xFFFFFF40];
	v4 =	vadd.f32 v4, v8;
	[tilespmem:s6+$0xD0] =	vst v1  }
0x1b1: {  	s6 =	sadd.s32 $0x200, s6;
	v1 =	vld [tilespmem:s8+$0xFFFFFF80]  }
0x1b2: {  	v8 =	vld [tilespmem:s8+$0xFFFFFFC0];
	[tilespmem:s6+$0xE0] =	vst v4  }
0x1b3: {  	v2 =	vadd.f32 v5, v2;
	v4 =	vld [tilespmem:s8+$0x190]  }
0x1b4: {  	v5 =	vld [tilespmem:s8+$0x1D0]  }
0x1b5: {  	[tilespmem:s6+$0xFFFFFF60] =	vst v2;
	v2 =	vadd.f32 v6, v3;
	v3 =	vld [tilespmem:s8+$0x0]  }
0x1b6: {  	v6 =	vld [tilespmem:s8+$0x40]  }
0x1b7: {  	[tilespmem:s6+$0xFFFFFFA0] =	vst v2;
	v1 =	vadd.f32 v8, v1;
	v2 =	vld [tilespmem:s8+$0x80]  }
0x1b8: {  	v8 =	vld [tilespmem:s8+$0xC0]  }
0x1b9: {  	[tilespmem:s6+$0xFFFFFFE0] =	vst v1;
	v1 =	vld [tilespmem:s8+$0x100];
	v4 =	vadd.f32 v5, v4  }
0x1ba: {  	v5 =	vld [tilespmem:s8+$0x140]  }
0x1bb: {  	v9 =	vld [tilespmem:s8+$0xFFFFFE00];
	v3 =	vadd.f32 v6, v3;
	[tilespmem:s6+$0xF0] =	vst v4  }
0x1bc: {  	v4 =	vld [tilespmem:s8+$0x1A0]  }
0x1bd: {  	[tilespmem:s6+$0x20] =	vst v3;
	v2 =	vadd.f32 v8, v2;
	v3 =	vld [tilespmem:s8+$0x1E0]  }
0x1be: {  	v6 =	vld [tilespmem:s8+$0xFFFFFE90]  }
0x1bf: {  	v8 =	vld [tilespmem:s8+$0xFFFFFED0];
	[tilespmem:s6+$0x60] =	vst v2;
	v1 =	vadd.f32 v5, v1  }
0x1c0: {  	v2 =	vadd.f32 v7, v9;
	v5 =	vld [tilespmem:s8+$0xFFFFFF10]  }
0x1c1: {  	v7 =	vld [tilespmem:s8+$0xFFFFFF50];
	[tilespmem:s6+$0xA0] =	vst v1  }
0x1c2: {  	[tilespmem:s6+$0xFFFFFF20] =	vst v2;
	v1 =	vld [tilespmem:s8+$0xFFFFFF90];
	v2 =	vadd.f32 v3, v4  }
0x1c3: {  	v3 =	vld [tilespmem:s8+$0xFFFFFE10]  }
0x1c4: {  	v4 =	vld [tilespmem:s8+$0xFFFFFE50];
	v6 =	vadd.f32 v8, v6;
	[tilespmem:s6+$0x100] =	vst v2  }
0x1c5: {  	v2 =	vld [tilespmem:s8+$0x1B0]  }
0x1c6: {  	[tilespmem:s6+$0xFFFFFF70] =	vst v6;
	v5 =	vadd.f32 v7, v5;
	v6 =	vld [tilespmem:s8+$0x1F0]  }
0x1c7: {  	v7 =	vld [tilespmem:s8+$0xFFFFFFD0]  }
0x1c8: {  	[tilespmem:s6+$0xFFFFFFB0] =	vst v5;
	v5 =	vld [tilespmem:s8+$0x10]  }
0x1c9: {  	v3 =	vadd.f32 v4, v3;
	v4 =	vld [tilespmem:s8+$0x50]  }
0x1ca: {  	v8 =	vld [tilespmem:s8+$0x90]  }
0x1cb: {  	[tilespmem:s6+$0xFFFFFF30] =	vst v3;
	v3 =	vld [tilespmem:s8+$0xD0];
	v2 =	vadd.f32 v6, v2  }
0x1cc: {  	v1 =	vadd.f32 v7, v1;
	v6 =	vld [tilespmem:s8+$0x110]  }
0x1cd: {  	v7 =	vld [tilespmem:s8+$0x150];
	[tilespmem:s6+$0x110] =	vst v2  }
0x1ce: {  	v2 =	vld [tilespmem:s8+$0xFFFFFE20];
	[tilespmem:s6+$0xFFFFFFF0] =	vst v1;
	v1 =	vadd.f32 v4, v5  }
0x1cf: {  	v4 =	vld [tilespmem:s8+$0xFFFFFE60]  }
0x1d0: {  	v5 =	vld [tilespmem:s8+$0xFFFFFEA0];
	[tilespmem:s6+$0x30] =	vst v1;
	v1 =	vadd.f32 v3, v8  }
0x1d1: {  	v3 =	vld [tilespmem:s8+$0xFFFFFEE0]  }
0x1d2: {  	v8 =	vld [tilespmem:s8+$0xFFFFFF20];
	[tilespmem:s6+$0x70] =	vst v1;
	v1 =	vadd.f32 v7, v6  }
0x1d3: {  	v6 =	vld [tilespmem:s8+$0xFFFFFF60]  }
0x1d4: {  	v2 =	vadd.f32 v4, v2;
	v4 =	vld [tilespmem:s8+$0xFFFFFFA0];
	[tilespmem:s6+$0xB0] =	vst v1  }
0x1d5: {  	v1 =	vld [tilespmem:s8+$0xFFFFFFE0]  }
0x1d6: {  	[tilespmem:s6+$0xFFFFFF40] =	vst v2;
	v2 =	vadd.f32 v3, v5;
	v3 =	vld [tilespmem:s8+$0x20]  }
0x1d7: {  	v5 =	vld [tilespmem:s8+$0x60]  }
0x1d8: {  	[tilespmem:s6+$0xFFFFFF80] =	vst v2;
	v2 =	vadd.f32 v6, v8;
	v6 =	vld [tilespmem:s8+$0xA0]  }
0x1d9: {  	v7 =	vld [tilespmem:s8+$0xE0]  }
0x1da: {  	[tilespmem:s6+$0xFFFFFFC0] =	vst v2;
	v1 =	vadd.f32 v1, v4;
	v2 =	vld [tilespmem:s8+$0x120]  }
0x1db: {  	v4 =	vld [tilespmem:s8+$0x160]  }
0x1dc: {  	v8 =	vld [tilespmem:s8+$0xFFFFFE30];
	[tilespmem:s6+$0x0] =	vst v1;
	v1 =	vadd.f32 v5, v3  }
0x1dd: {  	v3 =	vld [tilespmem:s8+$0xFFFFFE70]  }
0x1de: {  	v5 =	vld [tilespmem:s8+$0xFFFFFEB0];
	[tilespmem:s6+$0x40] =	vst v1;
	v1 =	vadd.f32 v7, v6  }
0x1df: {  	v6 =	vld [tilespmem:s8+$0xFFFFFEF0]  }
0x1e0: {  	v7 =	vld [tilespmem:s8+$0xFFFFFF30];
	[tilespmem:s6+$0x80] =	vst v1;
	v1 =	vadd.f32 v4, v2  }
0x1e1: {  	v2 =	vld [tilespmem:s8+$0xFFFFFF70]  }
0x1e2: {  	v3 =	vadd.f32 v3, v8;
	v8 =	vld [tilespmem:s8+$0xFFFFFFB0];
	[tilespmem:s6+$0xC0] =	vst v1  }
0x1e3: {  	v9 =	vld [tilespmem:s8+$0xFFFFFFF0]  }
0x1e4: {  	[tilespmem:s6+$0xFFFFFF50] =	vst v3;
	v3 =	vadd.f32 v6, v5;
	v1 =	vld [tilespmem:s8+$0x30]  }
.Ltmp2:
0x1e5: {  	v4 =	vld [tilespmem:s8+$0x70];
	(pc) =	sbr.rel @p0 .LBB2_7-.Ltmp2, $4  }
0x1e6: {  	[tilespmem:s6+$0xFFFFFF90] =	vst v3;
	v3 =	vadd.f32 v2, v7;
	v2 =	vld [tilespmem:s8+$0xB0]  }
0x1e7: {  	v5 =	vld [tilespmem:s8+$0xF0]  }
0x1e8: {  	[tilespmem:s6+$0xFFFFFFD0] =	vst v3;
	v7 =	vadd.f32 v9, v8;
	v3 =	vld [tilespmem:s8+$0x130]  }
0x1e9: {  	v6 =	vld [tilespmem:s8+$0x170];
	s8 =	sadd.s32 $0x400, s8  }
0x1ea: {  	_ =	sdelay $0x1  }
0x1eb: {  	v1 =	vadd.f32 v4, v1;
	s8 =	sshll.u32 s20, $0x1  }
0x1ec: {  	[tilespmem:s6+$0x10] =	vst v7;
	s25 =	sadd.s32 s5, s8;
	v2 =	vadd.f32 v5, v2  }
0x1ed: {  	[tilespmem:s6+$0x50] =	vst v1;
	s8 =	smul.u32 $0x650, s25;
	v1 =	vadd.f32 v6, v3  }
0x1ee: {  	[tilespmem:s6+$0x90] =	vst v2  }
0x1ef: {  	s8 =	sadd.s32 s2, s8;
	[tilespmem:s6+$0xD0] =	vst v1  }
0x1f0: {  	[hbm4b:s8+s3] =	stream.linear.scatter [tilespmem:s13], [sflag:$0x3], $0x3280, $0x38;
	[tilespmem:$0x1FD10] =	vst v63  }
0x1f1: {  	_ =	swait.ge [sflag:s14], $0x6400  }
0x1f2: {  	[sflag:s14] =	ssyncset.done $0x0  }
0x1f3: {  	s8 =	sadd.s32 $0x340, s22;
	[sflag:s14] =	ssyncadd.s32 $0xFFFF9C00  }
0x1f4: {  	[tilespmem:s15], [sflag:$0x1] =	stream.indirect.gather [hbm4b:s4+s17], $0x40, s8, s17, $0xb8;
	[tilespmem:$0x1FD10] =	vst v63  }
0x1f5: {  	s8 =	sadd.s32 $0x3A8, s22  }
0x1f6: {  	[tilespmem:s19], [sflag:$0x1] =	stream.indirect.gather [hbm4b:s4+s17], $0x40, s8, s17, $0xb8;
	[tilespmem:$0x1FD10] =	vst v63  }
0x1f7: {  	s8 =	sadd.s32 $0x410, s22  }
0x1f8: {  	[tilespmem:s21], [sflag:$0x1] =	stream.indirect.gather [hbm4b:s4+s17], $0x40, s8, s17, $0xb8;
	[tilespmem:$0x1FD10] =	vst v63  }
0x1f9: {  	s22 =	sadd.s32 $0x478, s22  }
0x1fa: {  	[tilespmem:s23], [sflag:$0x1] =	stream.indirect.gather [hbm4b:s4+s17], $0x40, s22, s17, $0xb8;
	[tilespmem:$0x1FD10] =	vst v63  }
0x1fb: {  	_ =	swait.ge [sflag:s1], $0x3280  }
0x1fc: {  	[sflag:s1] =	ssyncset.done $0x0  }
0x1fd: {  	s8 =	simm.s32 $0x13600;
	[sflag:s1] =	ssyncadd.s32 $0xFFFFCD80  }
0x1fe: {  	v1 =	vld [tilespmem:s8+$0x180]  }
0x1ff: {  	v2 =	vld [tilespmem:s8+$0x1C0]  }
0x200: {  	v3 =	vld [tilespmem:s8+$0xFFFFFE40]  }
0x201: {  	v4 =	vld [tilespmem:s8+$0xFFFFFE80]  }
0x202: {  	v5 =	vld [tilespmem:s8+$0xFFFFFEC0]  }
0x203: {  	v6 =	vld [tilespmem:s8+$0xFFFFFF00]  }
0x204: {  	v7 =	vld [tilespmem:s8+$0xFFFFFF40]  }
0x205: {  	v8 =	vld [tilespmem:s8+$0xFFFFFFC0]  }
0x206: {  	v10 =	vld [tilespmem:s8+$0x0]  }
0x207: {  	v11 =	vld [tilespmem:s8+$0x40]  }
0x208: {  	v12 =	vld [tilespmem:s8+$0x80]  }
0x209: {  	v13 =	vld [tilespmem:s8+$0xC0]  }
0x20a: {  	v14 =	vld [tilespmem:s8+$0x100];
	v1 =	vadd.f32 v2, v1  }
0x20b: {  	s6 =	simm.s32 $0x1CBA0;
	v2 =	vld [tilespmem:s8+$0xFFFFFF80]  }
0x20c: {  	v4 =	vadd.f32 v5, v4;
	v5 =	vld [tilespmem:s8+$0xFFFFFE00];
	[tilespmem:s6+$0xE0] =	vst v1  }
0x20d: {  	v1 =	vld [tilespmem:s8+$0x190]  }
0x20e: {  	v9 =	vld [tilespmem:s8+$0x1D0]  }
0x20f: {  	v48 =	vld [tilespmem:s8+$0x140];
	[tilespmem:s6+$0xFFFFFF60] =	vst v4;
	v4 =	vadd.f32 v7, v6  }
0x210: {  	v7 =	vld [tilespmem:s8+$0xFFFFFE90]  }
0x211: {  	[tilespmem:s6+$0xFFFFFFA0] =	vst v4;
	v4 =	vld [tilespmem:s8+$0xFFFFFED0];
	v2 =	vadd.f32 v8, v2  }
0x212: {  	v3 =	vadd.f32 v3, v5;
	v5 =	vld [tilespmem:s8+$0xFFFFFF10]  }
0x213: {  	[tilespmem:s6+$0xFFFFFFE0] =	vst v2;
	v2 =	vld [tilespmem:s8+$0xFFFFFF50];
	v1 =	vadd.f32 v9, v1  }
0x214: {  	[tilespmem:s6+$0xFFFFFF20] =	vst v3;
	v3 =	vld [tilespmem:s8+$0xFFFFFF90]  }
0x215: {  	v51 =	vld [tilespmem:s8+$0xFFFFFFD0];
	[tilespmem:s6+$0xF0] =	vst v1  }
0x216: {  	v4 =	vadd.f32 v4, v7;
	v1 =	vld [tilespmem:s8+$0x1A0]  }
0x217: {  	v6 =	vld [tilespmem:s8+$0x1E0]  }
0x218: {  	v8 =	vld [tilespmem:s8+$0xFFFFFE50];
	[tilespmem:s6+$0xFFFFFF70] =	vst v4;
	v2 =	vadd.f32 v2, v5  }
0x219: {  	v5 =	vld [tilespmem:s8+$0xFFFFFEA0]  }
0x21a: {  	[tilespmem:s6+$0xFFFFFFB0] =	vst v2;
	v2 =	vadd.f32 v51, v3;
	v3 =	vld [tilespmem:s8+$0xFFFFFEE0]  }
0x21b: {  	v55 =	vld [tilespmem:s8+$0xFFFFFF20]  }
0x21c: {  	v56 =	vld [tilespmem:s8+$0xFFFFFF60];
	v1 =	vadd.f32 v6, v1  }
0x21d: {  	v6 =	vld [tilespmem:s8+$0xFFFFFE10];
	[tilespmem:s6+$0xFFFFFFF0] =	vst v2  }
0x21e: {  	v57 =	vld [tilespmem:s8+$0xFFFFFFA0];
	[tilespmem:s6+$0x100] =	vst v1;
	v1 =	vadd.f32 v11, v10  }
0x21f: {  	v49 =	vld [tilespmem:s8+$0x1B0]  }
0x220: {  	v50 =	vld [tilespmem:s8+$0x1F0];
	v3 =	vadd.f32 v3, v5;
	[tilespmem:s6+$0x20] =	vst v1  }
0x221: {  	v1 =	vadd.f32 v13, v12;
	v52 =	vld [tilespmem:s8+$0x10]  }
0x222: {  	v53 =	vld [tilespmem:s8+$0x50];
	[tilespmem:s6+$0xFFFFFF80] =	vst v3;
	v3 =	vadd.f32 v56, v55  }
0x223: {  	[tilespmem:s6+$0x60] =	vst v1;
	v1 =	vadd.f32 v48, v14;
	v60 =	vld [tilespmem:s8+$0xFFFFFEB0]  }
0x224: {  	v54 =	vld [tilespmem:s8+$0x90];
	[tilespmem:s6+$0xFFFFFFC0] =	vst v3  }
0x225: {  	[tilespmem:s6+$0xA0] =	vst v1;
	v1 =	vadd.f32 v8, v6;
	v6 =	vld [tilespmem:s8+$0xD0]  }
0x226: {  	v61 =	vld [tilespmem:s8+$0xFFFFFF30]  }
0x227: {  	v62 =	vld [tilespmem:s8+$0xFFFFFF70]  }
0x228: {  	v8 =	vld [tilespmem:s8+$0x110]  }
0x229: {  	[tilespmem:s6+$0xFFFFFF30] =	vst v1;
	v1 =	vld [tilespmem:s8+$0x150]  }
0x22a: {  	v2 =	vadd.f32 v53, v52;
	v7 =	vld [tilespmem:s8+$0xFFFFFE20]  }
0x22b: {  	v4 =	vld [tilespmem:s8+$0xFFFFFE60]  }
0x22c: {  	[tilespmem:s6+$0x30] =	vst v2;
	v2 =	vadd.f32 v6, v54;
	v6 =	vld [tilespmem:s8+$0xFFFFFFE0]  }
0x22d: {  	v58 =	vld [tilespmem:s8+$0x20]  }
0x22e: {  	[tilespmem:s6+$0x70] =	vst v2;
	v1 =	vadd.f32 v1, v8;
	v2 =	vld [tilespmem:s8+$0x60]  }
0x22f: {  	v8 =	vld [tilespmem:s8+$0xA0]  }
0x230: {  	v4 =	vadd.f32 v4, v7;
	[tilespmem:s6+$0xB0] =	vst v1;
	v1 =	vld [tilespmem:s8+$0xE0]  }
0x231: {  	v7 =	vld [tilespmem:s8+$0x120]  }
0x232: {  	[tilespmem:s6+$0xFFFFFF40] =	vst v4;
	v4 =	vld [tilespmem:s8+$0x160]  }
0x233: {  	v3 =	vadd.f32 v6, v57;
	v5 =	vld [tilespmem:s8+$0xFFFFFE30]  }
0x234: {  	v59 =	vld [tilespmem:s8+$0xFFFFFE70]  }
0x235: {  	v6 =	vld [tilespmem:s8+$0xFFFFFEF0];
	[tilespmem:s6+$0x0] =	vst v3;
	v2 =	vadd.f32 v2, v58  }
0x236: {  	v3 =	vadd.f32 v50, v49;
	v63 =	vld [tilespmem:s8+$0xFFFFFFB0]  }
0x237: {  	[tilespmem:s6+$0x40] =	vst v2;
	v2 =	vadd.f32 v1, v8;
	v8 =	vld [tilespmem:s8+$0xFFFFFFF0]  }
0x238: {  	[tilespmem:s6+$0x110] =	vst v3;
	v4 =	vadd.f32 v4, v7;
	v1 =	vld [tilespmem:s8+$0x30]  }
0x239: {  	v3 =	vld [tilespmem:s8+$0x70];
	[tilespmem:s6+$0x80] =	vst v2;
	v5 =	vadd.f32 v59, v5  }
0x23a: {  	[tilespmem:s6+$0xC0] =	vst v4;
	v4 =	vadd.f32 v6, v60;
	v2 =	vld [tilespmem:s8+$0xB0]  }
0x23b: {  	v6 =	vadd.f32 v62, v61;
	[tilespmem:s6+$0xFFFFFF50] =	vst v5;
	v5 =	vld [tilespmem:s8+$0xF0]  }
0x23c: {  	[tilespmem:s6+$0xFFFFFF90] =	vst v4;
	v4 =	vld [tilespmem:s8+$0x130];
	v7 =	vadd.f32 v8, v63  }
0x23d: {  	s22 =	simm.s32 $0x0;
	[tilespmem:s6+$0xFFFFFFD0] =	vst v6;
	v6 =	vld [tilespmem:s8+$0x170];
	s8 =	simm.s32 $0x13A00  }
.LBB2_9:
0x23e: {  	v8 =	vld [tilespmem:s8+$0x180];
	[tilespmem:s6+$0x10] =	vst v7;
	v1 =	vadd.f32 v3, v1  }
0x23f: {  	v3 =	vld [tilespmem:s8+$0x1C0]  }
0x240: {  	v7 =	vld [tilespmem:s8+$0xFFFFFE40];
	[tilespmem:s6+$0x50] =	vst v1;
	v1 =	vadd.f32 v5, v2  }
0x241: {  	v2 =	vld [tilespmem:s8+$0xFFFFFE80]  }
0x242: {  	s22 =	sadd.s32 $0x8, s22;
	v5 =	vld [tilespmem:s8+$0xFFFFFEC0];
	[tilespmem:s6+$0x90] =	vst v1;
	v1 =	vadd.f32 v6, v4  }
0x243: {  	p0 =	slt.u32 s22, $0xC0;
	v4 =	vld [tilespmem:s8+$0xFFFFFF00]  }
0x244: {  	v6 =	vld [tilespmem:s8+$0xFFFFFF40];
	v3 =	vadd.f32 v3, v8;
	[tilespmem:s6+$0xD0] =	vst v1  }
0x245: {  	s6 =	sadd.s32 $0x200, s6;
	v1 =	vld [tilespmem:s8+$0xFFFFFF80]  }
0x246: {  	v8 =	vld [tilespmem:s8+$0xFFFFFFC0];
	[tilespmem:s6+$0xE0] =	vst v3  }
0x247: {  	v2 =	vadd.f32 v5, v2;
	v3 =	vld [tilespmem:s8+$0x190]  }
0x248: {  	v5 =	vld [tilespmem:s8+$0x1D0]  }
0x249: {  	[tilespmem:s6+$0xFFFFFF60] =	vst v2;
	v2 =	vadd.f32 v6, v4;
	v4 =	vld [tilespmem:s8+$0x0]  }
0x24a: {  	v6 =	vld [tilespmem:s8+$0x40]  }
0x24b: {  	[tilespmem:s6+$0xFFFFFFA0] =	vst v2;
	v1 =	vadd.f32 v8, v1;
	v2 =	vld [tilespmem:s8+$0x80]  }
0x24c: {  	v8 =	vld [tilespmem:s8+$0xC0]  }
0x24d: {  	[tilespmem:s6+$0xFFFFFFE0] =	vst v1;
	v1 =	vld [tilespmem:s8+$0x100];
	v3 =	vadd.f32 v5, v3  }
0x24e: {  	v5 =	vld [tilespmem:s8+$0x140]  }
0x24f: {  	v9 =	vld [tilespmem:s8+$0xFFFFFE00];
	v4 =	vadd.f32 v6, v4;
	[tilespmem:s6+$0xF0] =	vst v3  }
0x250: {  	v3 =	vld [tilespmem:s8+$0x1A0]  }
0x251: {  	[tilespmem:s6+$0x20] =	vst v4;
	v2 =	vadd.f32 v8, v2;
	v4 =	vld [tilespmem:s8+$0x1E0]  }
0x252: {  	v6 =	vld [tilespmem:s8+$0xFFFFFE90]  }
0x253: {  	v8 =	vld [tilespmem:s8+$0xFFFFFED0];
	[tilespmem:s6+$0x60] =	vst v2;
	v1 =	vadd.f32 v5, v1  }
0x254: {  	v2 =	vadd.f32 v7, v9;
	v5 =	vld [tilespmem:s8+$0xFFFFFF10]  }
0x255: {  	v7 =	vld [tilespmem:s8+$0xFFFFFF50];
	[tilespmem:s6+$0xA0] =	vst v1  }
0x256: {  	[tilespmem:s6+$0xFFFFFF20] =	vst v2;
	v1 =	vld [tilespmem:s8+$0xFFFFFF90];
	v2 =	vadd.f32 v4, v3  }
0x257: {  	v3 =	vld [tilespmem:s8+$0xFFFFFE10]  }
0x258: {  	v4 =	vld [tilespmem:s8+$0xFFFFFE50];
	v6 =	vadd.f32 v8, v6;
	[tilespmem:s6+$0x100] =	vst v2  }
0x259: {  	v2 =	vld [tilespmem:s8+$0x1B0]  }
0x25a: {  	[tilespmem:s6+$0xFFFFFF70] =	vst v6;
	v5 =	vadd.f32 v7, v5;
	v6 =	vld [tilespmem:s8+$0x1F0]  }
0x25b: {  	v7 =	vld [tilespmem:s8+$0xFFFFFFD0]  }
0x25c: {  	[tilespmem:s6+$0xFFFFFFB0] =	vst v5;
	v5 =	vld [tilespmem:s8+$0x10]  }
0x25d: {  	v3 =	vadd.f32 v4, v3;
	v4 =	vld [tilespmem:s8+$0x50]  }
0x25e: {  	v8 =	vld [tilespmem:s8+$0x90]  }
0x25f: {  	[tilespmem:s6+$0xFFFFFF30] =	vst v3;
	v3 =	vld [tilespmem:s8+$0xD0];
	v2 =	vadd.f32 v6, v2  }
0x260: {  	v1 =	vadd.f32 v7, v1;
	v6 =	vld [tilespmem:s8+$0x110]  }
0x261: {  	v7 =	vld [tilespmem:s8+$0x150];
	[tilespmem:s6+$0x110] =	vst v2  }
0x262: {  	v2 =	vld [tilespmem:s8+$0xFFFFFE20];
	[tilespmem:s6+$0xFFFFFFF0] =	vst v1;
	v1 =	vadd.f32 v4, v5  }
0x263: {  	v4 =	vld [tilespmem:s8+$0xFFFFFE60]  }
0x264: {  	v5 =	vld [tilespmem:s8+$0xFFFFFEA0];
	[tilespmem:s6+$0x30] =	vst v1;
	v1 =	vadd.f32 v3, v8  }
0x265: {  	v3 =	vld [tilespmem:s8+$0xFFFFFEE0]  }
0x266: {  	v8 =	vld [tilespmem:s8+$0xFFFFFF20];
	[tilespmem:s6+$0x70] =	vst v1;
	v1 =	vadd.f32 v7, v6  }
0x267: {  	v6 =	vld [tilespmem:s8+$0xFFFFFF60]  }
0x268: {  	v2 =	vadd.f32 v4, v2;
	v4 =	vld [tilespmem:s8+$0xFFFFFFA0];
	[tilespmem:s6+$0xB0] =	vst v1  }
0x269: {  	v1 =	vld [tilespmem:s8+$0xFFFFFFE0]  }
0x26a: {  	[tilespmem:s6+$0xFFFFFF40] =	vst v2;
	v2 =	vadd.f32 v3, v5;
	v3 =	vld [tilespmem:s8+$0x20]  }
0x26b: {  	v5 =	vld [tilespmem:s8+$0x60]  }
0x26c: {  	[tilespmem:s6+$0xFFFFFF80] =	vst v2;
	v2 =	vadd.f32 v6, v8;
	v6 =	vld [tilespmem:s8+$0xA0]  }
0x26d: {  	v7 =	vld [tilespmem:s8+$0xE0]  }
0x26e: {  	[tilespmem:s6+$0xFFFFFFC0] =	vst v2;
	v1 =	vadd.f32 v1, v4;
	v2 =	vld [tilespmem:s8+$0x120]  }
0x26f: {  	v4 =	vld [tilespmem:s8+$0x160]  }
0x270: {  	v8 =	vld [tilespmem:s8+$0xFFFFFE30];
	[tilespmem:s6+$0x0] =	vst v1;
	v1 =	vadd.f32 v5, v3  }
0x271: {  	v3 =	vld [tilespmem:s8+$0xFFFFFE70]  }
0x272: {  	v5 =	vld [tilespmem:s8+$0xFFFFFEB0];
	[tilespmem:s6+$0x40] =	vst v1;
	v1 =	vadd.f32 v7, v6  }
0x273: {  	v6 =	vld [tilespmem:s8+$0xFFFFFEF0]  }
0x274: {  	v7 =	vld [tilespmem:s8+$0xFFFFFF30];
	[tilespmem:s6+$0x80] =	vst v1;
	v1 =	vadd.f32 v4, v2  }
0x275: {  	v2 =	vld [tilespmem:s8+$0xFFFFFF70]  }
0x276: {  	v3 =	vadd.f32 v3, v8;
	v4 =	vld [tilespmem:s8+$0xFFFFFFB0];
	[tilespmem:s6+$0xC0] =	vst v1  }
0x277: {  	v8 =	vld [tilespmem:s8+$0xFFFFFFF0]  }
0x278: {  	[tilespmem:s6+$0xFFFFFF50] =	vst v3;
	v5 =	vadd.f32 v6, v5;
	v1 =	vld [tilespmem:s8+$0x30]  }
.Ltmp3:
0x279: {  	v3 =	vld [tilespmem:s8+$0x70];
	(pc) =	sbr.rel @p0 .LBB2_9-.Ltmp3, $4  }
0x27a: {  	[tilespmem:s6+$0xFFFFFF90] =	vst v5;
	v6 =	vadd.f32 v2, v7;
	v2 =	vld [tilespmem:s8+$0xB0]  }
0x27b: {  	v5 =	vld [tilespmem:s8+$0xF0]  }
0x27c: {  	[tilespmem:s6+$0xFFFFFFD0] =	vst v6;
	v7 =	vadd.f32 v8, v4;
	v4 =	vld [tilespmem:s8+$0x130]  }
0x27d: {  	v6 =	vld [tilespmem:s8+$0x170];
	s8 =	sadd.s32 $0x400, s8  }
0x27e: {  	_ = 	snop  }
0x27f: {  	s20 =	sadd.s32 $0x1, s20  }
0x280: {  	v1 =	vadd.f32 v3, v1;
	s8 =	smul.u32 $0x3280, s25;
	p0 =	sne.s32 s20, $0x3F  }
.Ltmp4:
0x281: {  	[tilespmem:s6+$0x10] =	vst v7;
	v2 =	vadd.f32 v5, v2;
	(pc) =	sbr.rel @p0 .LBB2_6-.Ltmp4, $4  }
0x282: {  	[tilespmem:s6+$0x50] =	vst v1;
	s8 =	sshrl.u32 s8, $0x3;
	v1 =	vadd.f32 v6, v4  }
0x283: {  	s8 =	sadd.s32 s2, s8;
	[tilespmem:s6+$0x90] =	vst v2  }
0x284: {  	s25 =	sadd.s32 $0x650, s8;
	[tilespmem:s6+$0xD0] =	vst v1  }
0x285: {  	[hbm4b:s25+s3] =	stream.linear.scatter [tilespmem:s28], [sflag:$0x4], $0x3280, $0x38;
	[tilespmem:$0x1FD10] =	vst v63  }
0x286: {  	_ =	swait.ge [sflag:s24], $0x6400  }
0x287: {  	[sflag:s24] =	ssyncset.done $0x0  }
0x288: {  	s6 =	simm.s32 $0xCE60;
	[sflag:s24] =	ssyncadd.s32 $0xFFFF9C00  }
0x289: {  	[tilespmem:s26], [sflag:$0x2] =	stream.indirect.gather [hbm4b:s4+s17], $0x40, s6, s17, $0xb8;
	[tilespmem:$0x1FD10] =	vst v63  }
0x28a: {  	s20 =	simm.s32 $0xCEC8  }
0x28b: {  	[tilespmem:s29], [sflag:$0x2] =	stream.indirect.gather [hbm4b:s4+s17], $0x40, s20, s17, $0xb8;
	[tilespmem:$0x1FD10] =	vst v63  }
0x28c: {  	s22 =	simm.s32 $0xCF30  }
0x28d: {  	[tilespmem:s31], [sflag:$0x2] =	stream.indirect.gather [hbm4b:s4+s17], $0x40, s22, s17, $0xb8;
	[tilespmem:$0x1FD10] =	vst v63  }
0x28e: {  	s25 =	simm.s32 $0xCF98  }
0x28f: {  	[tilespmem:s0], [sflag:$0x2] =	stream.indirect.gather [hbm4b:s4+s17], $0x40, s25, s17, $0xb8;
	[tilespmem:$0x1FD10] =	vst v63  }
0x290: {  	_ =	swait.ge [sflag:s30], $0x3280  }
0x291: {  	[sflag:s30] =	ssyncset.done $0x0  }
0x292: {  	s8 =	simm.s32 $0xD200;
	[sflag:s30] =	ssyncadd.s32 $0xFFFFCD80  }
0x293: {  	v1 =	vld [tilespmem:s8+$0x180]  }
0x294: {  	v2 =	vld [tilespmem:s8+$0x1C0]  }
0x295: {  	v3 =	vld [tilespmem:s8+$0xFFFFFE40]  }
0x296: {  	v4 =	vld [tilespmem:s8+$0xFFFFFE80]  }
0x297: {  	v5 =	vld [tilespmem:s8+$0xFFFFFEC0]  }
0x298: {  	v6 =	vld [tilespmem:s8+$0xFFFFFF00]  }
0x299: {  	v7 =	vld [tilespmem:s8+$0xFFFFFF40]  }
0x29a: {  	v8 =	vld [tilespmem:s8+$0xFFFFFFC0]  }
0x29b: {  	v10 =	vld [tilespmem:s8+$0x0]  }
0x29c: {  	v11 =	vld [tilespmem:s8+$0x40]  }
0x29d: {  	v12 =	vld [tilespmem:s8+$0x80]  }
0x29e: {  	v13 =	vld [tilespmem:s8+$0xC0]  }
0x29f: {  	v14 =	vld [tilespmem:s8+$0x100];
	v1 =	vadd.f32 v2, v1  }
0x2a0: {  	s6 =	simm.s32 $0x19920;
	v2 =	vld [tilespmem:s8+$0xFFFFFF80]  }
0x2a1: {  	v4 =	vadd.f32 v5, v4;
	v5 =	vld [tilespmem:s8+$0xFFFFFE00];
	[tilespmem:s6+$0xE0] =	vst v1  }
0x2a2: {  	v1 =	vld [tilespmem:s8+$0x190]  }
0x2a3: {  	v9 =	vld [tilespmem:s8+$0x1D0]  }
0x2a4: {  	v48 =	vld [tilespmem:s8+$0x140];
	[tilespmem:s6+$0xFFFFFF60] =	vst v4;
	v4 =	vadd.f32 v7, v6  }
0x2a5: {  	v7 =	vld [tilespmem:s8+$0xFFFFFE90]  }
0x2a6: {  	[tilespmem:s6+$0xFFFFFFA0] =	vst v4;
	v4 =	vld [tilespmem:s8+$0xFFFFFED0];
	v2 =	vadd.f32 v8, v2  }
0x2a7: {  	v3 =	vadd.f32 v3, v5;
	v5 =	vld [tilespmem:s8+$0xFFFFFF10]  }
0x2a8: {  	[tilespmem:s6+$0xFFFFFFE0] =	vst v2;
	v2 =	vld [tilespmem:s8+$0xFFFFFF50];
	v1 =	vadd.f32 v9, v1  }
0x2a9: {  	[tilespmem:s6+$0xFFFFFF20] =	vst v3;
	v3 =	vld [tilespmem:s8+$0xFFFFFF90]  }
0x2aa: {  	v51 =	vld [tilespmem:s8+$0xFFFFFFD0];
	[tilespmem:s6+$0xF0] =	vst v1  }
0x2ab: {  	v4 =	vadd.f32 v4, v7;
	v1 =	vld [tilespmem:s8+$0x1A0]  }
0x2ac: {  	v6 =	vld [tilespmem:s8+$0x1E0]  }
0x2ad: {  	v8 =	vld [tilespmem:s8+$0xFFFFFE50];
	[tilespmem:s6+$0xFFFFFF70] =	vst v4;
	v2 =	vadd.f32 v2, v5  }
0x2ae: {  	v5 =	vld [tilespmem:s8+$0xFFFFFEA0]  }
0x2af: {  	[tilespmem:s6+$0xFFFFFFB0] =	vst v2;
	v2 =	vadd.f32 v51, v3;
	v3 =	vld [tilespmem:s8+$0xFFFFFEE0]  }
0x2b0: {  	v55 =	vld [tilespmem:s8+$0xFFFFFF20]  }
0x2b1: {  	v56 =	vld [tilespmem:s8+$0xFFFFFF60];
	v1 =	vadd.f32 v6, v1  }
0x2b2: {  	v6 =	vld [tilespmem:s8+$0xFFFFFE10];
	[tilespmem:s6+$0xFFFFFFF0] =	vst v2  }
0x2b3: {  	v57 =	vld [tilespmem:s8+$0xFFFFFFA0];
	[tilespmem:s6+$0x100] =	vst v1;
	v1 =	vadd.f32 v11, v10  }
0x2b4: {  	v49 =	vld [tilespmem:s8+$0x1B0]  }
0x2b5: {  	v50 =	vld [tilespmem:s8+$0x1F0];
	v3 =	vadd.f32 v3, v5;
	[tilespmem:s6+$0x20] =	vst v1  }
0x2b6: {  	v1 =	vadd.f32 v13, v12;
	v52 =	vld [tilespmem:s8+$0x10]  }
0x2b7: {  	v53 =	vld [tilespmem:s8+$0x50];
	[tilespmem:s6+$0xFFFFFF80] =	vst v3;
	v3 =	vadd.f32 v56, v55  }
0x2b8: {  	[tilespmem:s6+$0x60] =	vst v1;
	v1 =	vadd.f32 v48, v14;
	v60 =	vld [tilespmem:s8+$0xFFFFFEB0]  }
0x2b9: {  	v54 =	vld [tilespmem:s8+$0x90];
	[tilespmem:s6+$0xFFFFFFC0] =	vst v3  }
0x2ba: {  	[tilespmem:s6+$0xA0] =	vst v1;
	v1 =	vadd.f32 v8, v6;
	v6 =	vld [tilespmem:s8+$0xD0]  }
0x2bb: {  	v61 =	vld [tilespmem:s8+$0xFFFFFF30]  }
0x2bc: {  	v62 =	vld [tilespmem:s8+$0xFFFFFF70]  }
0x2bd: {  	v8 =	vld [tilespmem:s8+$0x110]  }
0x2be: {  	[tilespmem:s6+$0xFFFFFF30] =	vst v1;
	v1 =	vld [tilespmem:s8+$0x150]  }
0x2bf: {  	v2 =	vadd.f32 v53, v52;
	v7 =	vld [tilespmem:s8+$0xFFFFFE20]  }
0x2c0: {  	v4 =	vld [tilespmem:s8+$0xFFFFFE60]  }
0x2c1: {  	[tilespmem:s6+$0x30] =	vst v2;
	v2 =	vadd.f32 v6, v54;
	v6 =	vld [tilespmem:s8+$0xFFFFFFE0]  }
0x2c2: {  	v58 =	vld [tilespmem:s8+$0x20]  }
0x2c3: {  	[tilespmem:s6+$0x70] =	vst v2;
	v1 =	vadd.f32 v1, v8;
	v2 =	vld [tilespmem:s8+$0x60]  }
0x2c4: {  	v8 =	vld [tilespmem:s8+$0xA0]  }
0x2c5: {  	v4 =	vadd.f32 v4, v7;
	[tilespmem:s6+$0xB0] =	vst v1;
	v1 =	vld [tilespmem:s8+$0xE0]  }
0x2c6: {  	v7 =	vld [tilespmem:s8+$0x120]  }
0x2c7: {  	[tilespmem:s6+$0xFFFFFF40] =	vst v4;
	v4 =	vld [tilespmem:s8+$0x160]  }
0x2c8: {  	v3 =	vadd.f32 v6, v57;
	v5 =	vld [tilespmem:s8+$0xFFFFFE30]  }
0x2c9: {  	v59 =	vld [tilespmem:s8+$0xFFFFFE70]  }
0x2ca: {  	v6 =	vld [tilespmem:s8+$0xFFFFFEF0];
	[tilespmem:s6+$0x0] =	vst v3;
	v2 =	vadd.f32 v2, v58  }
0x2cb: {  	v3 =	vadd.f32 v50, v49;
	v63 =	vld [tilespmem:s8+$0xFFFFFFB0]  }
0x2cc: {  	[tilespmem:s6+$0x40] =	vst v2;
	v2 =	vadd.f32 v1, v8;
	v8 =	vld [tilespmem:s8+$0xFFFFFFF0]  }
0x2cd: {  	[tilespmem:s6+$0x110] =	vst v3;
	v4 =	vadd.f32 v4, v7;
	v1 =	vld [tilespmem:s8+$0x30]  }
0x2ce: {  	v3 =	vld [tilespmem:s8+$0x70];
	[tilespmem:s6+$0x80] =	vst v2;
	v5 =	vadd.f32 v59, v5  }
0x2cf: {  	[tilespmem:s6+$0xC0] =	vst v4;
	v4 =	vadd.f32 v6, v60;
	v2 =	vld [tilespmem:s8+$0xB0]  }
0x2d0: {  	v6 =	vadd.f32 v62, v61;
	[tilespmem:s6+$0xFFFFFF50] =	vst v5;
	v5 =	vld [tilespmem:s8+$0xF0]  }
0x2d1: {  	[tilespmem:s6+$0xFFFFFF90] =	vst v4;
	v4 =	vld [tilespmem:s8+$0x130];
	v7 =	vadd.f32 v8, v63  }
0x2d2: {  	s20 =	simm.s32 $0x0;
	[tilespmem:s6+$0xFFFFFFD0] =	vst v6;
	v6 =	vld [tilespmem:s8+$0x170];
	s8 =	simm.s32 $0xD600  }
.LBB2_12:
0x2d3: {  	v8 =	vld [tilespmem:s8+$0x180];
	[tilespmem:s6+$0x10] =	vst v7;
	v1 =	vadd.f32 v3, v1  }
0x2d4: {  	v3 =	vld [tilespmem:s8+$0x1C0]  }
0x2d5: {  	v7 =	vld [tilespmem:s8+$0xFFFFFE40];
	[tilespmem:s6+$0x50] =	vst v1;
	v1 =	vadd.f32 v5, v2  }
0x2d6: {  	v2 =	vld [tilespmem:s8+$0xFFFFFE80]  }
0x2d7: {  	s20 =	sadd.s32 $0x8, s20;
	v5 =	vld [tilespmem:s8+$0xFFFFFEC0];
	[tilespmem:s6+$0x90] =	vst v1;
	v1 =	vadd.f32 v6, v4  }
0x2d8: {  	p0 =	slt.u32 s20, $0xC0;
	v4 =	vld [tilespmem:s8+$0xFFFFFF00]  }
0x2d9: {  	v6 =	vld [tilespmem:s8+$0xFFFFFF40];
	v3 =	vadd.f32 v3, v8;
	[tilespmem:s6+$0xD0] =	vst v1  }
0x2da: {  	s6 =	sadd.s32 $0x200, s6;
	v1 =	vld [tilespmem:s8+$0xFFFFFF80]  }
0x2db: {  	v8 =	vld [tilespmem:s8+$0xFFFFFFC0];
	[tilespmem:s6+$0xE0] =	vst v3  }
0x2dc: {  	v2 =	vadd.f32 v5, v2;
	v3 =	vld [tilespmem:s8+$0x190]  }
0x2dd: {  	v5 =	vld [tilespmem:s8+$0x1D0]  }
0x2de: {  	[tilespmem:s6+$0xFFFFFF60] =	vst v2;
	v2 =	vadd.f32 v6, v4;
	v4 =	vld [tilespmem:s8+$0x0]  }
0x2df: {  	v6 =	vld [tilespmem:s8+$0x40]  }
0x2e0: {  	[tilespmem:s6+$0xFFFFFFA0] =	vst v2;
	v1 =	vadd.f32 v8, v1;
	v2 =	vld [tilespmem:s8+$0x80]  }
0x2e1: {  	v8 =	vld [tilespmem:s8+$0xC0]  }
0x2e2: {  	[tilespmem:s6+$0xFFFFFFE0] =	vst v1;
	v1 =	vld [tilespmem:s8+$0x100];
	v3 =	vadd.f32 v5, v3  }
0x2e3: {  	v5 =	vld [tilespmem:s8+$0x140]  }
0x2e4: {  	v9 =	vld [tilespmem:s8+$0xFFFFFE00];
	v4 =	vadd.f32 v6, v4;
	[tilespmem:s6+$0xF0] =	vst v3  }
0x2e5: {  	v3 =	vld [tilespmem:s8+$0x1A0]  }
0x2e6: {  	[tilespmem:s6+$0x20] =	vst v4;
	v2 =	vadd.f32 v8, v2;
	v4 =	vld [tilespmem:s8+$0x1E0]  }
0x2e7: {  	v6 =	vld [tilespmem:s8+$0xFFFFFE90]  }
0x2e8: {  	v8 =	vld [tilespmem:s8+$0xFFFFFED0];
	[tilespmem:s6+$0x60] =	vst v2;
	v1 =	vadd.f32 v5, v1  }
0x2e9: {  	v2 =	vadd.f32 v7, v9;
	v5 =	vld [tilespmem:s8+$0xFFFFFF10]  }
0x2ea: {  	v7 =	vld [tilespmem:s8+$0xFFFFFF50];
	[tilespmem:s6+$0xA0] =	vst v1  }
0x2eb: {  	[tilespmem:s6+$0xFFFFFF20] =	vst v2;
	v1 =	vld [tilespmem:s8+$0xFFFFFF90];
	v2 =	vadd.f32 v4, v3  }
0x2ec: {  	v3 =	vld [tilespmem:s8+$0xFFFFFE10]  }
0x2ed: {  	v4 =	vld [tilespmem:s8+$0xFFFFFE50];
	v6 =	vadd.f32 v8, v6;
	[tilespmem:s6+$0x100] =	vst v2  }
0x2ee: {  	v2 =	vld [tilespmem:s8+$0x1B0]  }
0x2ef: {  	[tilespmem:s6+$0xFFFFFF70] =	vst v6;
	v5 =	vadd.f32 v7, v5;
	v6 =	vld [tilespmem:s8+$0x1F0]  }
0x2f0: {  	v7 =	vld [tilespmem:s8+$0xFFFFFFD0]  }
0x2f1: {  	[tilespmem:s6+$0xFFFFFFB0] =	vst v5;
	v5 =	vld [tilespmem:s8+$0x10]  }
0x2f2: {  	v3 =	vadd.f32 v4, v3;
	v4 =	vld [tilespmem:s8+$0x50]  }
0x2f3: {  	v8 =	vld [tilespmem:s8+$0x90]  }
0x2f4: {  	[tilespmem:s6+$0xFFFFFF30] =	vst v3;
	v3 =	vld [tilespmem:s8+$0xD0];
	v2 =	vadd.f32 v6, v2  }
0x2f5: {  	v1 =	vadd.f32 v7, v1;
	v6 =	vld [tilespmem:s8+$0x110]  }
0x2f6: {  	v7 =	vld [tilespmem:s8+$0x150];
	[tilespmem:s6+$0x110] =	vst v2  }
0x2f7: {  	v2 =	vld [tilespmem:s8+$0xFFFFFE20];
	[tilespmem:s6+$0xFFFFFFF0] =	vst v1;
	v1 =	vadd.f32 v4, v5  }
0x2f8: {  	v4 =	vld [tilespmem:s8+$0xFFFFFE60]  }
0x2f9: {  	v5 =	vld [tilespmem:s8+$0xFFFFFEA0];
	[tilespmem:s6+$0x30] =	vst v1;
	v1 =	vadd.f32 v3, v8  }
0x2fa: {  	v3 =	vld [tilespmem:s8+$0xFFFFFEE0]  }
0x2fb: {  	v8 =	vld [tilespmem:s8+$0xFFFFFF20];
	[tilespmem:s6+$0x70] =	vst v1;
	v1 =	vadd.f32 v7, v6  }
0x2fc: {  	v6 =	vld [tilespmem:s8+$0xFFFFFF60]  }
0x2fd: {  	v2 =	vadd.f32 v4, v2;
	v4 =	vld [tilespmem:s8+$0xFFFFFFA0];
	[tilespmem:s6+$0xB0] =	vst v1  }
0x2fe: {  	v1 =	vld [tilespmem:s8+$0xFFFFFFE0]  }
0x2ff: {  	[tilespmem:s6+$0xFFFFFF40] =	vst v2;
	v2 =	vadd.f32 v3, v5;
	v3 =	vld [tilespmem:s8+$0x20]  }
0x300: {  	v5 =	vld [tilespmem:s8+$0x60]  }
0x301: {  	[tilespmem:s6+$0xFFFFFF80] =	vst v2;
	v2 =	vadd.f32 v6, v8;
	v6 =	vld [tilespmem:s8+$0xA0]  }
0x302: {  	v7 =	vld [tilespmem:s8+$0xE0]  }
0x303: {  	[tilespmem:s6+$0xFFFFFFC0] =	vst v2;
	v1 =	vadd.f32 v1, v4;
	v2 =	vld [tilespmem:s8+$0x120]  }
0x304: {  	v4 =	vld [tilespmem:s8+$0x160]  }
0x305: {  	v8 =	vld [tilespmem:s8+$0xFFFFFE30];
	[tilespmem:s6+$0x0] =	vst v1;
	v1 =	vadd.f32 v5, v3  }
0x306: {  	v3 =	vld [tilespmem:s8+$0xFFFFFE70]  }
0x307: {  	v5 =	vld [tilespmem:s8+$0xFFFFFEB0];
	[tilespmem:s6+$0x40] =	vst v1;
	v1 =	vadd.f32 v7, v6  }
0x308: {  	v6 =	vld [tilespmem:s8+$0xFFFFFEF0]  }
0x309: {  	v7 =	vld [tilespmem:s8+$0xFFFFFF30];
	[tilespmem:s6+$0x80] =	vst v1;
	v1 =	vadd.f32 v4, v2  }
0x30a: {  	v2 =	vld [tilespmem:s8+$0xFFFFFF70]  }
0x30b: {  	v3 =	vadd.f32 v3, v8;
	v4 =	vld [tilespmem:s8+$0xFFFFFFB0];
	[tilespmem:s6+$0xC0] =	vst v1  }
0x30c: {  	v8 =	vld [tilespmem:s8+$0xFFFFFFF0]  }
0x30d: {  	[tilespmem:s6+$0xFFFFFF50] =	vst v3;
	v5 =	vadd.f32 v6, v5;
	v1 =	vld [tilespmem:s8+$0x30]  }
.Ltmp5:
0x30e: {  	v3 =	vld [tilespmem:s8+$0x70];
	(pc) =	sbr.rel @p0 .LBB2_12-.Ltmp5, $4  }
0x30f: {  	[tilespmem:s6+$0xFFFFFF90] =	vst v5;
	v6 =	vadd.f32 v2, v7;
	v2 =	vld [tilespmem:s8+$0xB0]  }
0x310: {  	v5 =	vld [tilespmem:s8+$0xF0]  }
0x311: {  	[tilespmem:s6+$0xFFFFFFD0] =	vst v6;
	v7 =	vadd.f32 v8, v4;
	v4 =	vld [tilespmem:s8+$0x130]  }
0x312: {  	v6 =	vld [tilespmem:s8+$0x170];
	s8 =	sadd.s32 $0x400, s8  }
0x313: {  	_ =	sdelay $0x1  }
0x314: {  	v1 =	vadd.f32 v3, v1  }
0x315: {  	[tilespmem:s6+$0x10] =	vst v7;
	v2 =	vadd.f32 v5, v2  }
0x316: {  	[tilespmem:s6+$0x50] =	vst v1;
	v1 =	vadd.f32 v6, v4  }
0x317: {  	[tilespmem:s6+$0x90] =	vst v2  }
0x318: {  	[tilespmem:s6+$0xD0] =	vst v1  }
0x319: {  	[hbm4b:s9+s3] =	stream.linear.scatter [tilespmem:s13], [sflag:$0x3], $0x3280, $0x38;
	[tilespmem:$0x1FD10] =	vst v63  }
0x31a: {  	_ =	swait.ge [sflag:s14], $0x6400  }
0x31b: {  	[sflag:s14] =	ssyncset.done $0x0  }
0x31c: {  	[sflag:s14] =	ssyncadd.s32 $0xFFFF9C00  }
0x31d: {  	_ =	swait.ge [sflag:s1], $0x3280  }
0x31e: {  	[sflag:s1] =	ssyncset.done $0x0  }
0x31f: {  	s8 =	simm.s32 $0x13600;
	[sflag:s1] =	ssyncadd.s32 $0xFFFFCD80  }
0x320: {  	v1 =	vld [tilespmem:s8+$0x180]  }
0x321: {  	v2 =	vld [tilespmem:s8+$0x1C0]  }
0x322: {  	v3 =	vld [tilespmem:s8+$0xFFFFFE40]  }
0x323: {  	v4 =	vld [tilespmem:s8+$0xFFFFFE80]  }
0x324: {  	v5 =	vld [tilespmem:s8+$0xFFFFFEC0]  }
0x325: {  	v6 =	vld [tilespmem:s8+$0xFFFFFF00]  }
0x326: {  	v7 =	vld [tilespmem:s8+$0xFFFFFF40]  }
0x327: {  	v8 =	vld [tilespmem:s8+$0xFFFFFFC0]  }
0x328: {  	v10 =	vld [tilespmem:s8+$0x0]  }
0x329: {  	v11 =	vld [tilespmem:s8+$0x40]  }
0x32a: {  	v12 =	vld [tilespmem:s8+$0x80]  }
0x32b: {  	v13 =	vld [tilespmem:s8+$0xC0]  }
0x32c: {  	v14 =	vld [tilespmem:s8+$0x100];
	v1 =	vadd.f32 v2, v1  }
0x32d: {  	s6 =	simm.s32 $0x1CBA0;
	v2 =	vld [tilespmem:s8+$0xFFFFFF80]  }
0x32e: {  	v4 =	vadd.f32 v5, v4;
	v5 =	vld [tilespmem:s8+$0xFFFFFE00];
	[tilespmem:s6+$0xE0] =	vst v1  }
0x32f: {  	v1 =	vld [tilespmem:s8+$0x190]  }
0x330: {  	v9 =	vld [tilespmem:s8+$0x1D0]  }
0x331: {  	v48 =	vld [tilespmem:s8+$0x140];
	[tilespmem:s6+$0xFFFFFF60] =	vst v4;
	v4 =	vadd.f32 v7, v6  }
0x332: {  	v7 =	vld [tilespmem:s8+$0xFFFFFE90]  }
0x333: {  	[tilespmem:s6+$0xFFFFFFA0] =	vst v4;
	v4 =	vld [tilespmem:s8+$0xFFFFFED0];
	v2 =	vadd.f32 v8, v2  }
0x334: {  	v3 =	vadd.f32 v3, v5;
	v5 =	vld [tilespmem:s8+$0xFFFFFF10]  }
0x335: {  	[tilespmem:s6+$0xFFFFFFE0] =	vst v2;
	v2 =	vld [tilespmem:s8+$0xFFFFFF50];
	v1 =	vadd.f32 v9, v1  }
0x336: {  	[tilespmem:s6+$0xFFFFFF20] =	vst v3;
	v3 =	vld [tilespmem:s8+$0xFFFFFF90]  }
0x337: {  	v51 =	vld [tilespmem:s8+$0xFFFFFFD0];
	[tilespmem:s6+$0xF0] =	vst v1  }
0x338: {  	v4 =	vadd.f32 v4, v7;
	v1 =	vld [tilespmem:s8+$0x1A0]  }
0x339: {  	v6 =	vld [tilespmem:s8+$0x1E0]  }
0x33a: {  	v8 =	vld [tilespmem:s8+$0xFFFFFE50];
	[tilespmem:s6+$0xFFFFFF70] =	vst v4;
	v2 =	vadd.f32 v2, v5  }
0x33b: {  	v5 =	vld [tilespmem:s8+$0xFFFFFEA0]  }
0x33c: {  	[tilespmem:s6+$0xFFFFFFB0] =	vst v2;
	v2 =	vadd.f32 v51, v3;
	v3 =	vld [tilespmem:s8+$0xFFFFFEE0]  }
0x33d: {  	v55 =	vld [tilespmem:s8+$0xFFFFFF20]  }
0x33e: {  	v56 =	vld [tilespmem:s8+$0xFFFFFF60];
	v1 =	vadd.f32 v6, v1  }
0x33f: {  	v6 =	vld [tilespmem:s8+$0xFFFFFE10];
	[tilespmem:s6+$0xFFFFFFF0] =	vst v2  }
0x340: {  	v57 =	vld [tilespmem:s8+$0xFFFFFFA0];
	[tilespmem:s6+$0x100] =	vst v1;
	v1 =	vadd.f32 v11, v10  }
0x341: {  	v49 =	vld [tilespmem:s8+$0x1B0]  }
0x342: {  	v50 =	vld [tilespmem:s8+$0x1F0];
	v3 =	vadd.f32 v3, v5;
	[tilespmem:s6+$0x20] =	vst v1  }
0x343: {  	v1 =	vadd.f32 v13, v12;
	v52 =	vld [tilespmem:s8+$0x10]  }
0x344: {  	v53 =	vld [tilespmem:s8+$0x50];
	[tilespmem:s6+$0xFFFFFF80] =	vst v3;
	v3 =	vadd.f32 v56, v55  }
0x345: {  	[tilespmem:s6+$0x60] =	vst v1;
	v1 =	vadd.f32 v48, v14;
	v60 =	vld [tilespmem:s8+$0xFFFFFEB0]  }
0x346: {  	v54 =	vld [tilespmem:s8+$0x90];
	[tilespmem:s6+$0xFFFFFFC0] =	vst v3  }
0x347: {  	[tilespmem:s6+$0xA0] =	vst v1;
	v1 =	vadd.f32 v8, v6;
	v6 =	vld [tilespmem:s8+$0xD0]  }
0x348: {  	v61 =	vld [tilespmem:s8+$0xFFFFFF30]  }
0x349: {  	v62 =	vld [tilespmem:s8+$0xFFFFFF70]  }
0x34a: {  	v8 =	vld [tilespmem:s8+$0x110]  }
0x34b: {  	[tilespmem:s6+$0xFFFFFF30] =	vst v1;
	v1 =	vld [tilespmem:s8+$0x150]  }
0x34c: {  	v2 =	vadd.f32 v53, v52;
	v7 =	vld [tilespmem:s8+$0xFFFFFE20]  }
0x34d: {  	v4 =	vld [tilespmem:s8+$0xFFFFFE60]  }
0x34e: {  	[tilespmem:s6+$0x30] =	vst v2;
	v2 =	vadd.f32 v6, v54;
	v6 =	vld [tilespmem:s8+$0xFFFFFFE0]  }
0x34f: {  	v58 =	vld [tilespmem:s8+$0x20]  }
0x350: {  	[tilespmem:s6+$0x70] =	vst v2;
	v1 =	vadd.f32 v1, v8;
	v2 =	vld [tilespmem:s8+$0x60]  }
0x351: {  	v8 =	vld [tilespmem:s8+$0xA0]  }
0x352: {  	v4 =	vadd.f32 v4, v7;
	[tilespmem:s6+$0xB0] =	vst v1;
	v1 =	vld [tilespmem:s8+$0xE0]  }
0x353: {  	v7 =	vld [tilespmem:s8+$0x120]  }
0x354: {  	[tilespmem:s6+$0xFFFFFF40] =	vst v4;
	v4 =	vld [tilespmem:s8+$0x160]  }
0x355: {  	v3 =	vadd.f32 v6, v57;
	v5 =	vld [tilespmem:s8+$0xFFFFFE30]  }
0x356: {  	v59 =	vld [tilespmem:s8+$0xFFFFFE70]  }
0x357: {  	v6 =	vld [tilespmem:s8+$0xFFFFFEF0];
	[tilespmem:s6+$0x0] =	vst v3;
	v2 =	vadd.f32 v2, v58  }
0x358: {  	v3 =	vadd.f32 v50, v49;
	v63 =	vld [tilespmem:s8+$0xFFFFFFB0]  }
0x359: {  	[tilespmem:s6+$0x40] =	vst v2;
	v2 =	vadd.f32 v1, v8;
	v8 =	vld [tilespmem:s8+$0xFFFFFFF0]  }
0x35a: {  	[tilespmem:s6+$0x110] =	vst v3;
	v4 =	vadd.f32 v4, v7;
	v1 =	vld [tilespmem:s8+$0x30]  }
0x35b: {  	v3 =	vld [tilespmem:s8+$0x70];
	[tilespmem:s6+$0x80] =	vst v2;
	v5 =	vadd.f32 v59, v5  }
0x35c: {  	[tilespmem:s6+$0xC0] =	vst v4;
	v4 =	vadd.f32 v6, v60;
	v2 =	vld [tilespmem:s8+$0xB0]  }
0x35d: {  	v6 =	vadd.f32 v62, v61;
	[tilespmem:s6+$0xFFFFFF50] =	vst v5;
	v5 =	vld [tilespmem:s8+$0xF0]  }
0x35e: {  	[tilespmem:s6+$0xFFFFFF90] =	vst v4;
	v4 =	vld [tilespmem:s8+$0x130];
	v7 =	vadd.f32 v8, v63  }
0x35f: {  	s20 =	simm.s32 $0x0;
	[tilespmem:s6+$0xFFFFFFD0] =	vst v6;
	v6 =	vld [tilespmem:s8+$0x170];
	s8 =	simm.s32 $0x13A00  }
.LBB2_14:
0x360: {  	v8 =	vld [tilespmem:s8+$0x180];
	[tilespmem:s6+$0x10] =	vst v7;
	v1 =	vadd.f32 v3, v1  }
0x361: {  	v3 =	vld [tilespmem:s8+$0x1C0]  }
0x362: {  	v7 =	vld [tilespmem:s8+$0xFFFFFE40];
	[tilespmem:s6+$0x50] =	vst v1;
	v1 =	vadd.f32 v5, v2  }
0x363: {  	v2 =	vld [tilespmem:s8+$0xFFFFFE80]  }
0x364: {  	s20 =	sadd.s32 $0x8, s20;
	v5 =	vld [tilespmem:s8+$0xFFFFFEC0];
	[tilespmem:s6+$0x90] =	vst v1;
	v1 =	vadd.f32 v6, v4  }
0x365: {  	p0 =	slt.u32 s20, $0xC0;
	v4 =	vld [tilespmem:s8+$0xFFFFFF00]  }
0x366: {  	v6 =	vld [tilespmem:s8+$0xFFFFFF40];
	v3 =	vadd.f32 v3, v8;
	[tilespmem:s6+$0xD0] =	vst v1  }
0x367: {  	s6 =	sadd.s32 $0x200, s6;
	v1 =	vld [tilespmem:s8+$0xFFFFFF80]  }
0x368: {  	v8 =	vld [tilespmem:s8+$0xFFFFFFC0];
	[tilespmem:s6+$0xE0] =	vst v3  }
0x369: {  	v2 =	vadd.f32 v5, v2;
	v3 =	vld [tilespmem:s8+$0x190]  }
0x36a: {  	v5 =	vld [tilespmem:s8+$0x1D0]  }
0x36b: {  	[tilespmem:s6+$0xFFFFFF60] =	vst v2;
	v2 =	vadd.f32 v6, v4;
	v4 =	vld [tilespmem:s8+$0x0]  }
0x36c: {  	v6 =	vld [tilespmem:s8+$0x40]  }
0x36d: {  	[tilespmem:s6+$0xFFFFFFA0] =	vst v2;
	v1 =	vadd.f32 v8, v1;
	v2 =	vld [tilespmem:s8+$0x80]  }
0x36e: {  	v8 =	vld [tilespmem:s8+$0xC0]  }
0x36f: {  	[tilespmem:s6+$0xFFFFFFE0] =	vst v1;
	v1 =	vld [tilespmem:s8+$0x100];
	v3 =	vadd.f32 v5, v3  }
0x370: {  	v5 =	vld [tilespmem:s8+$0x140]  }
0x371: {  	v9 =	vld [tilespmem:s8+$0xFFFFFE00];
	v4 =	vadd.f32 v6, v4;
	[tilespmem:s6+$0xF0] =	vst v3  }
0x372: {  	v3 =	vld [tilespmem:s8+$0x1A0]  }
0x373: {  	[tilespmem:s6+$0x20] =	vst v4;
	v2 =	vadd.f32 v8, v2;
	v4 =	vld [tilespmem:s8+$0x1E0]  }
0x374: {  	v6 =	vld [tilespmem:s8+$0xFFFFFE90]  }
0x375: {  	v8 =	vld [tilespmem:s8+$0xFFFFFED0];
	[tilespmem:s6+$0x60] =	vst v2;
	v1 =	vadd.f32 v5, v1  }
0x376: {  	v2 =	vadd.f32 v7, v9;
	v5 =	vld [tilespmem:s8+$0xFFFFFF10]  }
0x377: {  	v7 =	vld [tilespmem:s8+$0xFFFFFF50];
	[tilespmem:s6+$0xA0] =	vst v1  }
0x378: {  	[tilespmem:s6+$0xFFFFFF20] =	vst v2;
	v1 =	vld [tilespmem:s8+$0xFFFFFF90];
	v2 =	vadd.f32 v4, v3  }
0x379: {  	v3 =	vld [tilespmem:s8+$0xFFFFFE10]  }
0x37a: {  	v4 =	vld [tilespmem:s8+$0xFFFFFE50];
	v6 =	vadd.f32 v8, v6;
	[tilespmem:s6+$0x100] =	vst v2  }
0x37b: {  	v2 =	vld [tilespmem:s8+$0x1B0]  }
0x37c: {  	[tilespmem:s6+$0xFFFFFF70] =	vst v6;
	v5 =	vadd.f32 v7, v5;
	v6 =	vld [tilespmem:s8+$0x1F0]  }
0x37d: {  	v7 =	vld [tilespmem:s8+$0xFFFFFFD0]  }
0x37e: {  	[tilespmem:s6+$0xFFFFFFB0] =	vst v5;
	v5 =	vld [tilespmem:s8+$0x10]  }
0x37f: {  	v3 =	vadd.f32 v4, v3;
	v4 =	vld [tilespmem:s8+$0x50]  }
0x380: {  	v8 =	vld [tilespmem:s8+$0x90]  }
0x381: {  	[tilespmem:s6+$0xFFFFFF30] =	vst v3;
	v3 =	vld [tilespmem:s8+$0xD0];
	v2 =	vadd.f32 v6, v2  }
0x382: {  	v1 =	vadd.f32 v7, v1;
	v6 =	vld [tilespmem:s8+$0x110]  }
0x383: {  	v7 =	vld [tilespmem:s8+$0x150];
	[tilespmem:s6+$0x110] =	vst v2  }
0x384: {  	v2 =	vld [tilespmem:s8+$0xFFFFFE20];
	[tilespmem:s6+$0xFFFFFFF0] =	vst v1;
	v1 =	vadd.f32 v4, v5  }
0x385: {  	v4 =	vld [tilespmem:s8+$0xFFFFFE60]  }
0x386: {  	v5 =	vld [tilespmem:s8+$0xFFFFFEA0];
	[tilespmem:s6+$0x30] =	vst v1;
	v1 =	vadd.f32 v3, v8  }
0x387: {  	v3 =	vld [tilespmem:s8+$0xFFFFFEE0]  }
0x388: {  	v8 =	vld [tilespmem:s8+$0xFFFFFF20];
	[tilespmem:s6+$0x70] =	vst v1;
	v1 =	vadd.f32 v7, v6  }
0x389: {  	v6 =	vld [tilespmem:s8+$0xFFFFFF60]  }
0x38a: {  	v2 =	vadd.f32 v4, v2;
	v4 =	vld [tilespmem:s8+$0xFFFFFFA0];
	[tilespmem:s6+$0xB0] =	vst v1  }
0x38b: {  	v1 =	vld [tilespmem:s8+$0xFFFFFFE0]  }
0x38c: {  	[tilespmem:s6+$0xFFFFFF40] =	vst v2;
	v2 =	vadd.f32 v3, v5;
	v3 =	vld [tilespmem:s8+$0x20]  }
0x38d: {  	v5 =	vld [tilespmem:s8+$0x60]  }
0x38e: {  	[tilespmem:s6+$0xFFFFFF80] =	vst v2;
	v2 =	vadd.f32 v6, v8;
	v6 =	vld [tilespmem:s8+$0xA0]  }
0x38f: {  	v7 =	vld [tilespmem:s8+$0xE0]  }
0x390: {  	[tilespmem:s6+$0xFFFFFFC0] =	vst v2;
	v1 =	vadd.f32 v1, v4;
	v2 =	vld [tilespmem:s8+$0x120]  }
0x391: {  	v4 =	vld [tilespmem:s8+$0x160]  }
0x392: {  	v8 =	vld [tilespmem:s8+$0xFFFFFE30];
	[tilespmem:s6+$0x0] =	vst v1;
	v1 =	vadd.f32 v5, v3  }
0x393: {  	v3 =	vld [tilespmem:s8+$0xFFFFFE70]  }
0x394: {  	v5 =	vld [tilespmem:s8+$0xFFFFFEB0];
	[tilespmem:s6+$0x40] =	vst v1;
	v1 =	vadd.f32 v7, v6  }
0x395: {  	v6 =	vld [tilespmem:s8+$0xFFFFFEF0]  }
0x396: {  	v7 =	vld [tilespmem:s8+$0xFFFFFF30];
	[tilespmem:s6+$0x80] =	vst v1;
	v1 =	vadd.f32 v4, v2  }
0x397: {  	v2 =	vld [tilespmem:s8+$0xFFFFFF70]  }
0x398: {  	v3 =	vadd.f32 v3, v8;
	v4 =	vld [tilespmem:s8+$0xFFFFFFB0];
	[tilespmem:s6+$0xC0] =	vst v1  }
0x399: {  	v8 =	vld [tilespmem:s8+$0xFFFFFFF0]  }
0x39a: {  	[tilespmem:s6+$0xFFFFFF50] =	vst v3;
	v5 =	vadd.f32 v6, v5;
	v1 =	vld [tilespmem:s8+$0x30]  }
.Ltmp6:
0x39b: {  	v3 =	vld [tilespmem:s8+$0x70];
	(pc) =	sbr.rel @p0 .LBB2_14-.Ltmp6, $4  }
0x39c: {  	[tilespmem:s6+$0xFFFFFF90] =	vst v5;
	v6 =	vadd.f32 v2, v7;
	v2 =	vld [tilespmem:s8+$0xB0]  }
0x39d: {  	v5 =	vld [tilespmem:s8+$0xF0]  }
0x39e: {  	[tilespmem:s6+$0xFFFFFFD0] =	vst v6;
	v7 =	vadd.f32 v8, v4;
	v4 =	vld [tilespmem:s8+$0x130]  }
0x39f: {  	v6 =	vld [tilespmem:s8+$0x170];
	s8 =	sadd.s32 $0x400, s8  }
0x3a0: {  	_ =	sdelay $0x1  }
0x3a1: {  	v1 =	vadd.f32 v3, v1  }
0x3a2: {  	[tilespmem:s6+$0x10] =	vst v7;
	v2 =	vadd.f32 v5, v2  }
0x3a3: {  	[tilespmem:s6+$0x50] =	vst v1;
	v1 =	vadd.f32 v6, v4  }
0x3a4: {  	[tilespmem:s6+$0x90] =	vst v2  }
0x3a5: {  	s18 =	sadd.s32 $0x1, s18;
	[tilespmem:s6+$0xD0] =	vst v1  }
0x3a6: {  	[hbm4b:s10+s3] =	stream.linear.scatter [tilespmem:s28], [sflag:$0x4], $0x3280, $0x38;
	[tilespmem:$0x1FD10] =	vst v63  }
0x3a7: {  	p0 =	sne.s32 s18, s11;
	_ =	swait.ge [sflag:s30], $0x3280  }
.Ltmp7:
0x3a8: {  	[sflag:s30] =	ssyncset.done $0x0;
	(pc) =	sbr.rel @p0 .LBB2_1-.Ltmp7, $4  }
0x3a9: {  	[sflag:s30] =	ssyncadd.s32 $0xFFFFCD80  }
0x3aa: {  	_ =	swait.ge [sflag:s1], $0x3280  }
0x3ab: {  	[sflag:s1] =	ssyncset.done $0x0  }
0x3ac: {  	[sflag:s1] =	ssyncadd.s32 $0xFFFFCD80  }
0x3ad: {  	_ =	sfence.sel $0x180000  }
0x3ae: {  	[bflag:$0x0] =	sbarrier.arrive $0xFFFF  }
0x3af: {  	_ =	strace $0x90000047  }
0x3b0: {  	s0 =	stileid.u32;
	[bflag:$0x2] =	sbarrier.arrive $0xFFFF  }
0x3b1: {  	p0 =	sne.s32 s0, $0x0;
	s0 =	rddreg [dreg:$0x2]  }
0x3b2: {  	s0 =	sadd.s32 @!p0 $0x100000, s0  }
0x3b3: {  	[sflag:s0] =	ssyncadd.tile.s32 @!p0 $0x1;
	_ =	shalt  }
.Lfunc_end2:
_tile_overlayer_lowered:
.L_overlay_start_2:
0x3b4: {  	(tag) =	ssettag $0x2  }
0x3b5: {  	s0 =	rddreg [dreg:$0x0];
	s2 =	stileid.u32  }
0x3b6: {  	s1 =	rddreg [dreg:$0x1];
	p0 =	sne.s32 s2, $0x0  }
0x3b7: {  	s3 =	rddreg [dreg:$0x2];
	[bflag:$0x3] =	sbarrier.arrive $0xFFFF;
	s2 =	simm.s32 @!p0 $0x1C06  }
0x3b8: {  	[timem:s3], [sflag:s2] =	dma.local @!p0 [hbm:s0], s1  }
0x3b9: {  	s0 =	simm.s32 @!p0 $0x6  }
0x3ba: {  	_ =	swait.ge @!p0 [sflag:s0], s1  }
0x3bb: {  	s1 =	ssub.s32 @!p0 $0x0, s1;
	[sflag:s0] =	ssyncset.done @!p0 $0x0  }
0x3bc: {  	[sflag:s0] =	ssyncadd.s32 @!p0 s1  }
0x3bd: {  	[bflag:$0x3] =	sbarrier.arrive $0xFFFF  }
0x3be: {  	_ =	shalt  }

// kernel: sparse-core-data-format-call.cloned.1.call-start
scs
called_computation_lowered:
.L_overlay_start_0:
0x0: {  	s2 =	sld [smem:$0x3FD9]  }
0x1: {  	s3 =	sld [smem:$0x3FFE];
	_ =	sdelay $0x1  }
0x2: {  	s1 =	srdreg.scid  }
0x3: {  	s0 =	sand.u32 $0x1, s1  }
0x4: {  	s18 =	sshll.u32 s0, $0xA;
	s2 =	sadd.s32 s3, s2  }
0x5: {  	s2 =	sadd.s32 s2, s18  }
0x6: {  	[smem:$0x3FC6] =	sst s2  }
0x7: {  	_ = 	snop  }
0x8: {  	s2 =	sld [smem:$0x3FD0];
	(tm) =	ssettm $0x1  }
0x9: {  	s19 =	sld [smem:$0x3FFB];
	_ =	sdelay $0x3  }
0xa: {  	_ =	strace s19  }
0xb: {  	s3 =	sld [smem:$0x3FFC];
	_ =	sdelay $0x3  }
0xc: {  	_ =	strace s3  }
0xd: {  	s3 =	sld [smem:$0x3FFD];
	_ =	sdelay $0x3  }
0xe: {  	_ =	strace s3  }
0xf: {  	_ =	strace $0x8FFFFFFF  }
0x10: {  	s20 =	sld [smem:$0x3FDB];
	_ =	sdelay $0x1  }
0x11: {  	s4 =	simm.s32 $_scs_section_size  }
0x12: {  	s5 =	simm.s32 $_size__tile_overlayer_lowered;
	s6 =	simm.s32 $_tile_overlayer_lowered  }
0x13: {  	s23 =	simm.s32 $0x1BFF;
	s22 =	sshll.u32 s6, $0x1;
	s3 =	sadd.s32 s4, s20  }
0x14: {  	s7 =	simm.s32 $0x0;
	s21 =	sshll.u32 s5, $0x1;
	s5 =	sadd.s32 s22, s3  }
0x15: {  	[timem:s7], [sflag:s23] =	dma.local [hbm:s5], s21  }
0x16: {  	_ =	swait.ge [sflag:s23], s21  }
0x17: {  	s4 =	ssub.s32 $0x0, s21;
	[sflag:s23] =	ssyncset.done $0x0  }
0x18: {  	[sflag:s23] =	ssyncadd.s32 s4;
	_ =	sdelay $0x1  }
0x19: {  	s24 =	simm.s32 $0x1B8B  }
0x1a: {  	_ =	swait.ge [sflag:s24], $0x1  }
0x1b: {  	[sflag:s24] =	ssyncset.done $0x0  }
0x1c: {  	s26 =	simm.s32 $0x1B8E;
	s25 =	sld [smem:$0x3FFE];
	[sflag:s24] =	ssyncadd.s32 $0xFFFFFFFF  }
0x1d: {  	s27 =	simm.s32 $execute0_lowered;
	[smem:$0x3FD2] =	sst s26  }
0x1e: {  	s5 =	sshll.u32 s27, $0x1;
	_ =	strace $0x80000049;
	[dreg:$0x1] =	wrdreg $0xFFFFFFFF  }
0x1f: {  	s28 =	simm.s32 $_size_execute0_lowered;
	s3 =	sadd.s32 s3, s5;
	[dreg:$0x0] =	wrdreg $0x0  }
0x20: {  	s5 =	sshll.u32 s28, $0x1;
	[dreg:$0x2] =	wrdreg s3  }
0x21: {  	[dreg:$0x3] =	wrdreg s5  }
0x22: {  	[dreg:$0x4] =	wrdreg $0xC0  }
0x23: {  	_ =	task [dreg:s7], $0x5FFFF  }
0x24: {  	[dreg:$0x1] =	wrdreg $0xFFFFFFFF  }
0x25: {  	[dreg:$0x0] =	wrdreg $0x60  }
0x26: {  	[dreg:$0x2] =	wrdreg s25  }
0x27: {  	[dreg:$0x3] =	wrdreg s2  }
0x28: {  	[dreg:$0x4] =	wrdreg $0x9  }
0x29: {  	_ =	task.clear_ibuf [dreg:s7], $0x5FFFF;
	_ =	strace $0x90000049  }
0x2a: {  	s29 =	simm.s32 $0x9;
	_ =	strace $0x8000004B  }
0x2b: {  	_ =	swait.ge [sflag:s29], $0x1  }
0x2c: {  	[sflag:s29] =	ssyncadd.s32 $0xFFFFFFFF  }
0x2d: {  	_ =	strace $0x9000004B  }
0x2e: {  	_ =	sfence  }
0x2f: {  	s30 =	sld [smem:$0x0];
	_ =	sdelay $0x2  }
0x30: {  	s31 =	sshll.u32 s1, $0xD;
	s1 =	sshrl.u32 s1, $0x2  }
0x31: {  	s3 =	sand.u32 $0x4000, s31;
	s1 =	sadd.s32 s1, s30  }
0x32: {  	s0 =	sor.u32 s3, s0;
	s1 =	sshll.u32 s1, $0x11  }
0x33: {  	s0 =	sor.u32 s1, s0  }
0x34: {  	s0 =	sadd.s32 $0x8F2B, s0  }
0x35: {  	[sflag:s0] =	ssyncadd.remote.s32 $0x1  }
0x36: {  	_ =	sfence.sel $0xFFFF  }
0x37: {  	[dreg:$0x0] =	wrdreg $0xFFFFFFFF;
	(pc) =	sbr.abs _section_cstart, $3  }
0x38: {  	[dreg:$0x1] =	wrdreg $0xFFFFFFFF  }
0x39: {  	_ =	task.clear_ibuf [dreg:s7], $0x2FFFF;
	_ =	strace $0x9FFFFFFF  }
0x3a: {  	(tm) =	ssettm $0x7FFFFFFF  }
0x3b: {  	_ =	shalt  }
tec
execute0_lowered:
.L_overlay_start_1:
0x0: {  	(tag) =	ssettag $0x1  }
0x1: {  	s0 =	srdreg.scid  }
0x2: {  	s1 =	sshll.u32 s0, $0x4  }
0x3: {  	s0 =	stileid.u32;
	s1 =	sand.u32 $0x10, s1  }
0x4: {  	s1 =	sor.u32 s0, s1  }
0x5: {  	s6 =	rddreg [dreg:$0x0];
	s4 =	simm.s32 $0x1;
	s2 =	sshll.u32 s1, $0x7  }
0x6: {  	s7 =	simm.s32 $0x2;
	s12 =	simm.s32 $0x0;
	s1 =	ssub.s32 $0x1000, s2  }
0x7: {  	s8 =	simm.s32 $0x8000;
	s13 =	simm.s32 $0x0;
	s3 =	sand.u32 $0xF80, s1  }
0x8: {  	s9 =	simm.s32 $0x0;
	s5 =	sshrl.u32 s1, $0xC;
	p0 =	sne.s32 s3, $0x0  }
.Ltmp0:
0x9: {  	s1 =	rddreg [dreg:$0x2];
	s4 =	simm.s32 @!p0 $0x0;
	(pc) =	sbr.rel .LBB1_1-.Ltmp0, $4  }
0xa: {  	s11 =	simm.s32 $0x0;
	s3 =	rddreg [dreg:$0x1];
	s5 =	sadd.s32 s4, s5  }
0xb: {  	_ =	strace $0x8000004A;
	s4 =	simm.s32 $0x1;
	s5 =	smul.u32 $0xCA, s5  }
0xc: {  	s6 =	sadd.s32 $0xA00, s6;
	s10 =	smov.u32 s2;
	[sflag:s4] =	ssyncpa.u1 $0x0  }
0xd: {  	p0 =	por $0x0, $0x0;
	[sflag:s7] =	ssyncpa.u1 $0x0;
	s7 =	sor.u32 $0x1, s5  }
.LBB1_4:
0xe: {  	s16 =	sshll.u32 s13, $0x3;
	s17 =	sand.u32 $0x78, s13  }
0xf: {  	s30 =	sand.u32 $0x7E00, s13;
	s12 =	sshll.u32 s12, $0xF;
	s16 =	sand.u32 $0xC00, s16  }
0x10: {  	[tilespmem:s15+$0x810 ss:$0x81] =	vst.msk $0xffff, v2;
	s31 =	sand.u32 $0x7, s13;
	s16 =	sor.u32 s17, s16;
	s17 =	sadd.s32 s3, s30  }
0x11: {  	[tilespmem:s15+$0x1020 ss:$0x81] =	vst.msk $0xffff, v0;
	s13 =	sshll.u32 s31, $0x12;
	s12 =	sadd.s32 s12, s17;
	s16 =	sshrl.u32 s16, $0x3  }
0x12: {  	[tilespmem:s15+$0x0 ss:$0x81] =	vst.msk $0xffff, v1;
	s13 =	sor.u32 $0x400, s13;
	s12 =	sadd.s32 s16, s12  }
0x13: {  	[hbm4b:s12+s13] =	stream.strided.scatter [tilespmem:s14], [sflag:$0x2], $0x2000, s8, s13, $0x20;
	[tilespmem:$0x8080] =	vst v63  }
.LBB1_5:
0x14: {  	s14 =	sadd.s32 $0x1, s9  }
0x15: {  	s12 =	sadd.s32 $0x1000, s10;
	s16 =	smov.u32 s10;
	p2 =	sgt.s32 s14, $0xC9  }
0x16: {  	s16 =	smov.u32 @p2 s12  }
0x17: {  	s14 =	simm.s32 @p2 $0x0;
	p2 =	sgt.s32 s16, $0xFFF  }
0x18: {  	s16 =	smov.u32 @p2 s2;
	p2 =	sne.s32 s11, s7  }
.Ltmp1:
0x19: {  	p1 =	slt.u32 s11, $0x2;
	(pc) =	sbr.rel @!p2 .LBB1_6-.Ltmp1, $4  }
0x1a: {  	s15 =	simm.s32 @!p1 $0x2  }
0x1b: {  	s13 =	smov.u32 s10;
	p0 =	por !p0, !p0;
	_ =	swait.ge @!p1 [sflag:s15], $0x2000  }
0x1c: {  	s12 =	smov.u32 s9;
	[sflag:s15] =	ssyncset.done @!p1 $0x0;
	s9 =	smov.u32 s14  }
0x1d: {  	s11 =	sadd.s32 $0x1, s11;
	[sflag:s15] =	ssyncadd.s32 @!p1 $0xFFFFE000;
	s10 =	smov.u32 s16  }
.LBB1_1:
0x1e: {  	p1 =	sge.u32 s11, s5  }
0x1f: {  	s14 =	sand.u32 @!p1 $0x1FFFFFF, s9  }
0x20: {  	s15 =	smulhi.u32 @!p1 $0x2762763, s14;
	_ =	sdelay $0x1  }
0x21: {  	s15 =	sshrl.u32 @!p1 s15, $0x1  }
0x22: {  	s15 =	smul.u32 @!p1 $0xD0, s15  }
0x23: {  	s16 =	sxor.u32 @!p1 $0xFFFFFFFF, s11;
	s17 =	smul.u32 @!p1 $0xD00, s10  }
0x24: {  	s31 =	sadd.s32 $0xFFFFFFFF, s11;
	s16 =	sshll.u32 @!p1 s16, $0xD;
	s14 =	ssub.s32 @!p1 s14, s15  }
0x25: {  	s15 =	sand.u32 @!p1 $0x2000, s16;
	s16 =	sadd.s32 @!p1 s6, s17;
	s14 =	sshll.u32 @!p1 s14, $0x4  }
0x26: {  	s17 =	simm.s32 @!p1 $0x6800;
	s14 =	sadd.s32 @!p1 s14, s16;
	s16 =	simm.s32 @!p1 $0x40  }
0x27: {  	[tilespmem:s15], [sflag:$0x1] =	stream.strided.gather @!p1 [hbm4b:s14+s16], $0x2000, s17, s16, $0x38;
	[tilespmem:$0x8080] =	vst v63  }
0x28: {  	p1 =	sge.u32 s31, s5  }
.Ltmp2:
0x29: {  	_ = 	snop;
	(pc) =	sbr.rel @p1 .LBB1_5-.Ltmp2, $1  }
0x2a: {  	_ =	sdelay $0x3  }
0x2b: {  	s14 =	simm.s32 $0x1  }
0x2c: {  	_ =	swait.ge [sflag:s4], $0x2000;
	s14 =	simm.s32 @!p0 $0x0  }
0x2d: {  	[sflag:s4] =	ssyncset.done $0x0;
	s15 =	sshll.u32 s14, $0xD  }
0x2e: {  	[sflag:s4] =	ssyncadd.s32 $0xFFFFE000;
	s18 =	sor.u32 $0x20, s15  }
0x2f: {  	s14 =	smul.u32 $0x8100, s14;
	v3 =	vld [tilespmem:s18+$0x10]  }
0x30: {  	s30 =	sand.u32 $0x1, s11;
	v2 =	vld [tilespmem:s18+$0xFFFFFFF0]  }
0x31: {  	s15 =	smul.u32 $0x8100, s30;
	s14 =	sshrl.u32 s14, $0x2;
	v0 =	vld [tilespmem:s18+$0x0]  }
0x32: {  	v1 =	vld [tilespmem:s18+$0xFFFFFFE0];
	s16 =	sor.u32 $0x4000, s14  }
0x33: {  	s31 =	sshrl.u32 s15, $0x2;
	s15 =	sadd.s32 $0x0, s16  }
0x34: {  	s17 =	simm.s32 $0x4;
	s18 =	sadd.s32 $0x40, s18;
	s14 =	sor.u32 $0x4000, s31;
	[tilespmem:s15+$0x1830 ss:$0x81] =	vst.msk $0xffff, v3  }
.LBB1_3:
0x35: {  	v3 =	vld [tilespmem:s18+$0x10];
	p1 =	sne.s32 s17, $0x1FC;
	[tilespmem:s15+$0x810 ss:$0x81] =	vst.msk $0xffff, v2;
	s19 =	smov.u32 s17;
	s17 =	sadd.s32 $0x4, s17  }
.Ltmp3:
0x36: {  	v2 =	vld [tilespmem:s18+$0xFFFFFFF0];
	[tilespmem:s15+$0x1020 ss:$0x81] =	vst.msk $0xffff, v0;
	(pc) =	sbr.rel @p1 .LBB1_3-.Ltmp3, $4  }
0x37: {  	v0 =	vld [tilespmem:s18+$0x0];
	[tilespmem:s15+$0x0 ss:$0x81] =	vst.msk $0xffff, v1  }
0x38: {  	s15 =	sshra.s32 s19, $0x2;
	v1 =	vld [tilespmem:s18+$0xFFFFFFE0]  }
0x39: {  	s15 =	sadd.s32 s15, s16  }
0x3a: {  	s18 =	sadd.s32 $0x40, s18;
	[tilespmem:s15+$0x1830 ss:$0x81] =	vst.msk $0xffff, v3  }
.Ltmp4:
0x3b: {  	_ = 	snop;
	(pc) =	sbr.rel .LBB1_4-.Ltmp4, $1  }
0x3c: {  	_ =	sdelay $0x3  }
.LBB1_6:
0x3d: {  	_ =	sfence.sel $0x180000  }
0x3e: {  	s2 =	simm.s32 $0x1;
	[bflag:$0x0] =	sbarrier.arrive $0xFFFF  }
0x3f: {  	s31 =	simm.s32 $0x2;
	[sflag:s2] =	ssyncpa.u1 $0x1  }
0x40: {  	[sflag:s31] =	ssyncpa.u1 $0x1  }
0x41: {  	p0 =	sne.s32 s0, $0x0;
	_ =	strace $0x9000004A  }
0x42: {  	s0 =	sadd.s32 @!p0 $0x100000, s1;
	[bflag:$0x2] =	sbarrier.arrive $0xFFFF  }
0x43: {  	[sflag:s0] =	ssyncadd.tile.s32 @!p0 $0x1;
	_ =	shalt  }
.Lfunc_end1:
_tile_overlayer_lowered:
.L_overlay_start_2:
0x44: {  	(tag) =	ssettag $0x2  }
0x45: {  	s0 =	rddreg [dreg:$0x0];
	s2 =	stileid.u32  }
0x46: {  	s1 =	rddreg [dreg:$0x1];
	p0 =	sne.s32 s2, $0x0  }
0x47: {  	s3 =	rddreg [dreg:$0x2];
	[bflag:$0x3] =	sbarrier.arrive $0xFFFF;
	s2 =	simm.s32 @!p0 $0x1C01  }
0x48: {  	[timem:s3], [sflag:s2] =	dma.local @!p0 [hbm:s0], s1  }
0x49: {  	s0 =	simm.s32 @!p0 $0x1  }
0x4a: {  	_ =	swait.ge @!p0 [sflag:s0], s1  }
0x4b: {  	s1 =	ssub.s32 @!p0 $0x0, s1;
	[sflag:s0] =	ssyncset.done @!p0 $0x0  }
0x4c: {  	[sflag:s0] =	ssyncadd.s32 @!p0 s1  }
0x4d: {  	[bflag:$0x3] =	sbarrier.arrive $0xFFFF  }
0x4e: {  	_ =	shalt  }

</sc_bundles>
